<compile_context>
chip_gen: v7x
topology: tpu7x:2x2x1
jax: 0.10.2.dev20260603
libtpu: 0.0.44.dev20260713+nightly
codegen_flags: <defaults>
</compile_context>

<pallas_src>
import functools

import jax
import jax.numpy as jnp
from jax import lax
from jax.experimental import pallas as pl
from jax.experimental.pallas import tpu as pltpu
from jax.experimental.pallas import tpu_sc as plsc

N_NODES = 100000
N_EDGES = 1600000
D = 128
T = 128
E_FEAT = 16
B = 8192
K = 20

NC = 2
NS = 16
NW = NC * NS

CHUNK = 128
BK = B * K
NBR_PER_W = BK // NW
SRC_PER_W = B // NW
NBR_CHUNKS = NBR_PER_W // CHUNK
SRC_CHUNKS = SRC_PER_W // CHUNK

BT = 256
GRID = B // BT


def _pipelined_gather(table_hbm, idx_v, out_hbm, out_base, n_chunks, row_w,
                      buf0, buf1, sem0, sem1):

    def issue(c, buf, sem):
        pltpu.async_copy(table_hbm.at[idx_v.at[pl.ds(c * CHUNK, CHUNK)]],
                         buf, sem)

    def drain(buf, sem):
        pltpu.make_async_copy(table_hbm.at[pl.ds(0, CHUNK)], buf, sem).wait()

    issue(0, buf0, sem0)

    def body(j, carry):
        c = 2 * j
        issue(c + 1, buf1, sem1)
        drain(buf0, sem0)
        pltpu.sync_copy(buf0, out_hbm.at[pl.ds(out_base + c * CHUNK, CHUNK)])

        @pl.when(c + 2 < n_chunks)
        def _():
            issue(c + 2, buf0, sem0)

        drain(buf1, sem1)
        pltpu.sync_copy(buf1,
                        out_hbm.at[pl.ds(out_base + (c + 1) * CHUNK, CHUNK)])
        return carry

    lax.fori_loop(0, n_chunks // 2, body, 0)


def _sc_gather_mem(memory, nbr_idx, src_idx):
    @functools.partial(
        pl.kernel,
        mesh=plsc.VectorSubcoreMesh(core_axis_name="c", subcore_axis_name="s"),
        out_type=(
            jax.ShapeDtypeStruct((BK, D), jnp.float32),
            jax.ShapeDtypeStruct((B, D), jnp.float32),
        ),
        scratch_types=[
            pltpu.VMEM((NBR_PER_W,), jnp.int32),
            pltpu.VMEM((SRC_PER_W,), jnp.int32),
            pltpu.VMEM((CHUNK, D), jnp.float32),
            pltpu.VMEM((CHUNK, D), jnp.float32),
            pltpu.SemaphoreType.DMA,
            pltpu.SemaphoreType.DMA,
        ],
    )
    def gather_kernel(mem_hbm, nbr_idx_hbm, src_idx_hbm,
                      nbr_out, src_out,
                      nbr_idx_v, src_idx_v, buf0, buf1, sem0, sem1):
        wid = lax.axis_index("s") * NC + lax.axis_index("c")
        nbase = wid * NBR_PER_W
        sbase = wid * SRC_PER_W
        pltpu.sync_copy(nbr_idx_hbm.at[pl.ds(nbase, NBR_PER_W)], nbr_idx_v)
        pltpu.sync_copy(src_idx_hbm.at[pl.ds(sbase, SRC_PER_W)], src_idx_v)
        _pipelined_gather(mem_hbm, nbr_idx_v, nbr_out, nbase, NBR_CHUNKS, D,
                          buf0, buf1, sem0, sem1)
        _pipelined_gather(mem_hbm, src_idx_v, src_out, sbase, SRC_CHUNKS, D,
                          buf0, buf1, sem0, sem1)

    return gather_kernel(memory, nbr_idx, src_idx)


def _sc_gather_ef(etp, efp_idx):
    @functools.partial(
        pl.kernel,
        mesh=plsc.VectorSubcoreMesh(core_axis_name="c", subcore_axis_name="s"),
        out_type=jax.ShapeDtypeStruct((BK, D), jnp.float32),
        scratch_types=[
            pltpu.VMEM((NBR_PER_W,), jnp.int32),
            pltpu.VMEM((CHUNK, D), jnp.float32),
            pltpu.VMEM((CHUNK, D), jnp.float32),
            pltpu.SemaphoreType.DMA,
            pltpu.SemaphoreType.DMA,
        ],
    )
    def gather_kernel(etp_hbm, efp_idx_hbm, efw_out,
                      ef_idx_v, buf0, buf1, sem0, sem1):
        wid = lax.axis_index("s") * NC + lax.axis_index("c")
        nbase = wid * NBR_PER_W
        pltpu.sync_copy(efp_idx_hbm.at[pl.ds(nbase, NBR_PER_W)], ef_idx_v)
        _pipelined_gather(etp_hbm, ef_idx_v, efw_out, nbase, NBR_CHUNKS, D,
                          buf0, buf1, sem0, sem1)

    return gather_kernel(etp, efp_idx)


_INV_2PI = 0.15915494309189535
_TWO_PI = 6.283185307179586
_COS_C = (9.99999989e-01, -4.99999891e-01, 4.16664892e-02, -1.38878036e-03,
          2.47698835e-05, -2.70790307e-07, 1.72450915e-09)


def _fast_cos(x):
    n = jnp.floor(x * _INV_2PI + 0.5)
    r = x - n * _TWO_PI
    u = r * r
    acc = jnp.float32(_COS_C[-1])
    for c in _COS_C[-2::-1]:
        acc = acc * u + jnp.float32(c)
    return acc


def _tc_body(nbr_ref, efw_ref, src_ref, dt_ref, id_ref, eid_ref, wt_ref,
             bt_ref, W1ab_ref, W1cb_ref, b1_ref, W2_ref, b2_ref, Ws1_ref,
             bs1_ref, Ws2_ref, bs2_ref, Wc_ref, bc_ref, out_ref):
    dt = dt_ref[...]
    m_all = (id_ref[...] != 0).astype(jnp.float32)
    emod = jnp.bitwise_and(eid_ref[...], 7)
    lane_grp = jax.lax.broadcasted_iota(jnp.int32, (BT, D), 1) >> 4
    wt = wt_ref[...]
    bt = bt_ref[...]
    W1ab = W1ab_ref[...]
    W1cb = W1cb_ref[...]
    b1 = b1_ref[...]
    acc = jnp.zeros((BT, D), jnp.float32)
    for k in range(K):
        nbr_k = nbr_ref[k]
        efw_k = efw_ref[k]
        d_col = lax.slice(dt, (0, k), (BT, k + 1))
        ete = _fast_cos(d_col * wt + bt)
        x = jnp.concatenate([nbr_k, ete], axis=1)
        mod_col = lax.slice(emod, (0, k), (BT, k + 1))
        zw = jnp.where(lane_grp == mod_col, efw_k, 0.0)
        pre = (jnp.dot(x, W1ab, preferred_element_type=jnp.float32)
               + jnp.dot(zw, W1cb, preferred_element_type=jnp.float32)
               + b1)
        h = jnp.maximum(pre, 0.0)
        m = lax.slice(m_all, (0, k), (BT, k + 1))
        acc = acc + h * m
    cnt = jnp.sum(m_all, axis=1, keepdims=True)
    agg = (jnp.dot(acc, W2_ref[...], preferred_element_type=jnp.float32)
           + cnt * b2_ref[...])
    s = jnp.maximum(
        jnp.dot(src_ref[...], Ws1_ref[...], preferred_element_type=jnp.float32)
        + bs1_ref[...], 0.0)
    s = jnp.dot(s, Ws2_ref[...], preferred_element_type=jnp.float32) + bs2_ref[...]
    out_ref[...] = (jnp.dot(agg, Wc_ref[0:D, :], preferred_element_type=jnp.float32)
                    + jnp.dot(s, Wc_ref[D:2 * D, :], preferred_element_type=jnp.float32)
                    + bc_ref[...])


def _tc_dense(nbrg, efwg, srcg, deltas, ids, eids, wt2, bt2, W1ab, W1cb, b12,
              W2, b22, Ws1, bs12, Ws2, bs22, Wc, bc2):
    full = lambda shape: pl.BlockSpec(shape, lambda i: tuple(0 for _ in shape))
    return pl.pallas_call(
        _tc_body,
        grid=(GRID,),
        in_specs=[
            pl.BlockSpec((K, BT, D), lambda i: (0, i, 0)),
            pl.BlockSpec((K, BT, D), lambda i: (0, i, 0)),
            pl.BlockSpec((BT, D), lambda i: (i, 0)),
            pl.BlockSpec((BT, K), lambda i: (i, 0)),
            pl.BlockSpec((BT, K), lambda i: (i, 0)),
            pl.BlockSpec((BT, K), lambda i: (i, 0)),
            full((1, T)),
            full((1, T)),
            full((D + T, D)),
            full((D, D)),
            full((1, D)),
            full((D, D)),
            full((1, D)),
            full((D, D)),
            full((1, D)),
            full((D, D)),
            full((1, D)),
            full((2 * D, D)),
            full((1, D)),
        ],
        out_specs=pl.BlockSpec((BT, D), lambda i: (i, 0)),
        out_shape=jax.ShapeDtypeStruct((B, D), jnp.float32),
    )(nbrg, efwg, srcg, deltas, ids, eids, wt2, bt2, W1ab, W1cb, b12,
      W2, b22, Ws1, bs12, Ws2, bs22, Wc, bc2)


def kernel(memory, edge_table, edge_deltas, w_t, b_t, W1, b1, W2, b2,
           Ws1, bs1, Ws2, bs2, Wc, bc, source_nodes, neighbors, edge_idxs):
    nbr_idx = neighbors.T.reshape(-1).astype(jnp.int32)
    efp_idx = (edge_idxs.T.reshape(-1) >> 3).astype(jnp.int32)
    src_idx = source_nodes.astype(jnp.int32)
    etp = edge_table.reshape(N_EDGES // 8, 8 * E_FEAT)
    nbrg, srcg = _sc_gather_mem(memory, nbr_idx, src_idx)
    efwg = _sc_gather_ef(etp, efp_idx)
    nbrg = nbrg.reshape(K, B, D)
    efwg = efwg.reshape(K, B, D)
    W1ab = W1[:D + T]
    W1cb = jnp.tile(W1[D + T:], (8, 1))
    return _tc_dense(
        nbrg, efwg, srcg, edge_deltas, neighbors, edge_idxs,
        w_t.reshape(1, T), b_t.reshape(1, T), W1ab, W1cb, b1.reshape(1, D),
        W2, b2.reshape(1, D), Ws1, bs1.reshape(1, D), Ws2, bs2.reshape(1, D),
        Wc, bc.reshape(1, D))

# --- scband reference (transcript-rebuilt; emitter-appended) ---
"""Pipeline reference for scband-graph-diffusion-embedding-85804856639710 (READ-ONLY COPY).

The authoritative reference and input builder live on the scoring server;
editing this copy changes nothing except your own understanding.
"""

import jax, jax.numpy as jnp
import numpy as np

N_NODES = 100000
N_EDGES = 1600000
D = 128       # embedding_dimension == n_node_features (memory dim)
T = 128       # n_time_features
E_FEAT = 16   # n_edge_features
B = 8192      # batch of source nodes
K = 20        # n_neighbors


def _xavier(k, shape):
    fan_in, fan_out = shape[0], shape[1]
    std = np.sqrt(2.0 / (fan_in + fan_out))
    return jax.random.normal(k, shape, dtype=jnp.float32) * std


def setup_inputs(seed: int = 0):
    key = jax.random.key(seed)
    ks = jax.random.split(key, 16)
    memory = jax.random.normal(ks[0], (N_NODES, D), dtype=jnp.float32)
    edge_table = jax.random.normal(ks[1], (N_EDGES, E_FEAT), dtype=jnp.float32)
    edge_deltas = jax.random.uniform(ks[2], (B, K), dtype=jnp.float32)
    source_nodes = jax.random.randint(ks[3], (B,), 0, N_NODES)
    neighbors = jax.random.randint(ks[4], (B, K), 0, N_NODES)
    edge_idxs = jax.random.randint(ks[5], (B, K), 0, N_EDGES)
    # TimeEncode: Linear(1, T) followed by cos
    w_t = _xavier(ks[6], (1, T)).reshape(T)
    b_t = jnp.zeros((T,), dtype=jnp.float32)
    # fc1: (D + T + E_FEAT) -> D ; fc2: D -> D
    W1 = _xavier(ks[7], (D + T + E_FEAT, D)); b1 = jnp.zeros((D,), dtype=jnp.float32)
    W2 = _xavier(ks[8], (D, D)); b2 = jnp.zeros((D,), dtype=jnp.float32)
    # source branch fc1_source / fc2_source: D -> D
    Ws1 = _xavier(ks[9], (D, D)); bs1 = jnp.zeros((D,), dtype=jnp.float32)
    Ws2 = _xavier(ks[10], (D, D)); bs2 = jnp.zeros((D,), dtype=jnp.float32)
    # combiner: 2*D -> D
    Wc = _xavier(ks[11], (2 * D, D)); bc = jnp.zeros((D,), dtype=jnp.float32)
    return {
        'memory': memory, 'edge_table': edge_table, 'edge_deltas': edge_deltas,
        'w_t': w_t, 'b_t': b_t, 'W1': W1, 'b1': b1, 'W2': W2, 'b2': b2,
        'Ws1': Ws1, 'bs1': bs1, 'Ws2': Ws2, 'bs2': bs2, 'Wc': Wc, 'bc': bc,
        'source_nodes': source_nodes, 'neighbors': neighbors, 'edge_idxs': edge_idxs,
    }


def reference(memory, edge_table, edge_deltas, w_t, b_t, W1, b1, W2, b2,
              Ws1, bs1, Ws2, bs2, Wc, bc, source_nodes, neighbors, edge_idxs):
    # --- gathers (SparseCore-style) ---
    src = jnp.take(memory, source_nodes, axis=0)                               # [B, D]
    nbr = jnp.take(memory, neighbors.reshape(-1), axis=0).reshape(B, K, D)     # [B, K, D]
    ef = jnp.take(edge_table, edge_idxs.reshape(-1), axis=0).reshape(B, K, E_FEAT)
    # --- time encoding: cos(Linear(delta_t)) ---
    ete = jnp.cos(edge_deltas[..., None] * w_t + b_t)                          # [B, K, T]
    mask = neighbors == 0                                                      # [B, K]
    # --- neighbor diffusion branch (fc1 -> relu -> fc2), dropout = eval identity ---
    feats = jnp.concatenate([nbr, ete, ef], axis=-1)                           # [B, K, D+T+E]
    h = jax.nn.relu(feats @ W1 + b1)
    h = h @ W2 + b2                                                            # [B, K, D]
    h = jnp.where(mask[..., None], 0.0, h)
    agg = jnp.sum(h, axis=1)                                                   # [B, D]
    # --- source branch (fc1_source -> relu -> fc2_source) ---
    s = jax.nn.relu(src @ Ws1 + bs1) @ Ws2 + bs2                               # [B, D]
    # --- combiner ---
    out = jnp.concatenate([agg, s], axis=-1) @ Wc + bc                         # [B, D]
    return out

if __name__ == "__main__":
    import jax
    _d = setup_inputs()
    print(jax.jit(kernel)(*tuple(_d.values())))

</pallas_src>

<mosaic_0001>
#map = affine_map<(d0, d1) -> (0, 0)>
#map1 = affine_map<(d0, d1) -> (0)>
module attributes {stable_mosaic.version = 14 : i64} {
  func.func @gather_kernel(%arg0: i32, %arg1: i32, %arg2: memref<100000x128xf32, #tpu.memory_space<hbm>>, %arg3: memref<163840xi32, #tpu.memory_space<hbm>>, %arg4: memref<8192xi32, #tpu.memory_space<hbm>>, %arg5: memref<163840x128xf32, #tpu.memory_space<hbm>>, %arg6: memref<8192x128xf32, #tpu.memory_space<hbm>>, %arg7: memref<5120xi32, #tpu.memory_space<vmem>>, %arg8: memref<256xi32, #tpu.memory_space<vmem>>, %arg9: memref<128x128xf32, #tpu.memory_space<vmem>>, %arg10: memref<128x128xf32, #tpu.memory_space<vmem>>, %arg11: memref<!tpu.dma_semaphore, #tpu.memory_space<semaphore_mem>>, %arg12: memref<!tpu.dma_semaphore, #tpu.memory_space<semaphore_mem>>) attributes {dimension_semantics = [#tpu.dimension_semantics<core_parallel>, #tpu.dimension_semantics<subcore_parallel>], iteration_bounds = array<i64: 2, 16>, scalar_prefetch = 0 : i64, scratch_operands = 6 : i64, tpu.core_type = #tpu.core_type<sc_vector_subcore>, window_params = [{transform_indices = #map}, {transform_indices = #map1}, {transform_indices = #map1}, {transform_indices = #map}, {transform_indices = #map}]} {
    %mul3A = arith.constant 2 : i32
    %mul3A_0 = arith.muli %arg1, %mul3A : i32
    %add3A = arith.addi %mul3A_0, %arg0 : i32
    %mul3A_1 = arith.constant 5120 : i32
    %mul3A_2 = arith.muli %add3A, %mul3A_1 : i32
    %mul3A_3 = arith.constant 256 : i32
    %mul3A_4 = arith.muli %add3A, %mul3A_3 : i32
    "tpu.region"() ({
      %run_scoped3A = tpu.sem_alloc : memref<!tpu.dma_semaphore, #tpu.memory_space<semaphore_mem>>
      %dma_start3A_55 = tpu.memref_slice %arg3[%mul3A_2] : memref<163840xi32, #tpu.memory_space<hbm>> -> memref<5120xi32, #tpu.memory_space<hbm>>
      %dma_start3A_56 = tpu.memref_slice %arg3[%mul3A_2] : memref<163840xi32, #tpu.memory_space<hbm>> -> memref<5120xi32, #tpu.memory_space<hbm>>
      tpu.enqueue_dma source(%dma_start3A_56 : memref<5120xi32, #tpu.memory_space<hbm>>) target(%arg7 : memref<5120xi32, #tpu.memory_space<vmem>>) target_semaphore(%run_scoped3A : memref<!tpu.dma_semaphore, #tpu.memory_space<semaphore_mem>>)
      %dma_wait3A_57 = tpu.memref_slice %arg3[%mul3A_2] : memref<163840xi32, #tpu.memory_space<hbm>> -> memref<5120xi32, #tpu.memory_space<hbm>>
      %dma_wait3A_58 = tpu.memref_slice %arg3[%mul3A_2] : memref<163840xi32, #tpu.memory_space<hbm>> -> memref<5120xi32, #tpu.memory_space<hbm>>
      tpu.wait_dma2 semaphore(%run_scoped3A : memref<!tpu.dma_semaphore, #tpu.memory_space<semaphore_mem>>) src(%dma_wait3A_58 : memref<5120xi32, #tpu.memory_space<hbm>>) dst(%arg7 : memref<5120xi32, #tpu.memory_space<vmem>>)
      tpu.yield
    }) : () -> ()
    "tpu.region"() ({
      %run_scoped3A = tpu.sem_alloc : memref<!tpu.dma_semaphore, #tpu.memory_space<semaphore_mem>>
      %dma_start3A_55 = tpu.memref_slice %arg4[%mul3A_4] : memref<8192xi32, #tpu.memory_space<hbm>> -> memref<256xi32, #tpu.memory_space<hbm>>
      %dma_start3A_56 = tpu.memref_slice %arg4[%mul3A_4] : memref<8192xi32, #tpu.memory_space<hbm>> -> memref<256xi32, #tpu.memory_space<hbm>>
      tpu.enqueue_dma source(%dma_start3A_56 : memref<256xi32, #tpu.memory_space<hbm>>) target(%arg8 : memref<256xi32, #tpu.memory_space<vmem>>) target_semaphore(%run_scoped3A : memref<!tpu.dma_semaphore, #tpu.memory_space<semaphore_mem>>)
      %dma_wait3A_57 = tpu.memref_slice %arg4[%mul3A_4] : memref<8192xi32, #tpu.memory_space<hbm>> -> memref<256xi32, #tpu.memory_space<hbm>>
      %dma_wait3A_58 = tpu.memref_slice %arg4[%mul3A_4] : memref<8192xi32, #tpu.memory_space<hbm>> -> memref<256xi32, #tpu.memory_space<hbm>>
      tpu.wait_dma2 semaphore(%run_scoped3A : memref<!tpu.dma_semaphore, #tpu.memory_space<semaphore_mem>>) src(%dma_wait3A_58 : memref<256xi32, #tpu.memory_space<hbm>>) dst(%arg8 : memref<256xi32, #tpu.memory_space<vmem>>)
      tpu.yield
    }) : () -> ()
    %dma_start3A = arith.constant 0 : i32
    %dma_start3A_5 = tpu.memref_slice %arg7[%dma_start3A] : memref<5120xi32, #tpu.memory_space<vmem>> -> memref<128xi32, #tpu.memory_space<vmem>>
    %dma_start3A_6 = arith.constant 0 : i32
    %dma_start3A_7 = arith.constant 0 : i32
    %dma_start3A_8 = tpu.memref_slice %arg2[%dma_start3A_6, %dma_start3A_7] : memref<100000x128xf32, #tpu.memory_space<hbm>> -> memref<100000x128xf32, #tpu.memory_space<hbm>>
    tpu.enqueue_indirect_dma source(%dma_start3A_8 : memref<100000x128xf32, #tpu.memory_space<hbm>>) target(%arg9 : memref<128x128xf32, #tpu.memory_space<vmem>>) offsets(%dma_start3A_5 : memref<128xi32, #tpu.memory_space<vmem>>) semaphore(%arg11 : memref<!tpu.dma_semaphore, #tpu.memory_space<semaphore_mem>>)
    %scan3A = arith.constant 0 : i32
    %scan3A_9 = arith.constant 0 : i32
    %scan3A_10 = arith.constant 20 : i32
    %scan3A_11 = arith.addi %scan3A_9, %scan3A_10 : i32
    %scan3A_12 = arith.constant 1 : i32
    scf.for %scan3A_55 = %scan3A_9 to %scan3A_11 step %scan3A_12  : i32 {
      %mul3A_56 = arith.constant 2 : i32
      %mul3A_57 = arith.muli %mul3A_56, %scan3A_55 : i32
      %add3A_58 = arith.constant 1 : i32
      %add3A_59 = arith.addi %mul3A_57, %add3A_58 : i32
      %mul3A_60 = arith.constant 128 : i32
      %mul3A_61 = arith.muli %add3A_59, %mul3A_60 : i32
      %dma_start3A_62 = tpu.memref_slice %arg7[%mul3A_61] : memref<5120xi32, #tpu.memory_space<vmem>> -> memref<128xi32, #tpu.memory_space<vmem>>
      %dma_start3A_63 = arith.constant 0 : i32
      %dma_start3A_64 = arith.constant 0 : i32
      %dma_start3A_65 = tpu.memref_slice %arg2[%dma_start3A_63, %dma_start3A_64] : memref<100000x128xf32, #tpu.memory_space<hbm>> -> memref<100000x128xf32, #tpu.memory_space<hbm>>
      tpu.enqueue_indirect_dma source(%dma_start3A_65 : memref<100000x128xf32, #tpu.memory_space<hbm>>) target(%arg10 : memref<128x128xf32, #tpu.memory_space<vmem>>) offsets(%dma_start3A_62 : memref<128xi32, #tpu.memory_space<vmem>>) semaphore(%arg12 : memref<!tpu.dma_semaphore, #tpu.memory_space<semaphore_mem>>)
      %dma_wait3A_66 = arith.constant 0 : i32
      %dma_wait3A_67 = arith.constant 0 : i32
      %dma_wait3A_68 = tpu.memref_slice %arg2[%dma_wait3A_66, %dma_wait3A_67] : memref<100000x128xf32, #tpu.memory_space<hbm>> -> memref<128x128xf32, #tpu.memory_space<hbm>>
      %dma_wait3A_69 = arith.constant 0 : i32
      %dma_wait3A_70 = arith.constant 0 : i32
      %dma_wait3A_71 = tpu.memref_slice %arg2[%dma_wait3A_69, %dma_wait3A_70] : memref<100000x128xf32, #tpu.memory_space<hbm>> -> memref<128x128xf32, #tpu.memory_space<hbm>>
      tpu.wait_dma2 semaphore(%arg11 : memref<!tpu.dma_semaphore, #tpu.memory_space<semaphore_mem>>) src(%dma_wait3A_71 : memref<128x128xf32, #tpu.memory_space<hbm>>) dst(%arg9 : memref<128x128xf32, #tpu.memory_space<vmem>>)
      %mul3A_72 = arith.constant 128 : i32
      %mul3A_73 = arith.muli %mul3A_57, %mul3A_72 : i32
      %add3A_74 = arith.addi %mul3A_2, %mul3A_73 : i32
      "tpu.region"() ({
        %run_scoped3A = tpu.sem_alloc : memref<!tpu.dma_semaphore, #tpu.memory_space<semaphore_mem>>
        %dma_start3A_93 = arith.constant 0 : i32
        %dma_start3A_94 = tpu.memref_slice %arg5[%add3A_74, %dma_start3A_93] : memref<163840x128xf32, #tpu.memory_space<hbm>> -> memref<128x128xf32, #tpu.memory_space<hbm>>
        %dma_start3A_95 = arith.constant 0 : i32
        %dma_start3A_96 = tpu.memref_slice %arg5[%add3A_74, %dma_start3A_95] : memref<163840x128xf32, #tpu.memory_space<hbm>> -> memref<128x128xf32, #tpu.memory_space<hbm>>
        tpu.enqueue_dma source(%arg9 : memref<128x128xf32, #tpu.memory_space<vmem>>) target(%dma_start3A_96 : memref<128x128xf32, #tpu.memory_space<hbm>>) target_semaphore(%run_scoped3A : memref<!tpu.dma_semaphore, #tpu.memory_space<semaphore_mem>>)
        %dma_wait3A_97 = arith.constant 0 : i32
        %dma_wait3A_98 = tpu.memref_slice %arg5[%add3A_74, %dma_wait3A_97] : memref<163840x128xf32, #tpu.memory_space<hbm>> -> memref<128x128xf32, #tpu.memory_space<hbm>>
        %dma_wait3A_99 = arith.constant 0 : i32
        %dma_wait3A_100 = tpu.memref_slice %arg5[%add3A_74, %dma_wait3A_99] : memref<163840x128xf32, #tpu.memory_space<hbm>> -> memref<128x128xf32, #tpu.memory_space<hbm>>
        tpu.wait_dma2 semaphore(%run_scoped3A : memref<!tpu.dma_semaphore, #tpu.memory_space<semaphore_mem>>) src(%arg9 : memref<128x128xf32, #tpu.memory_space<vmem>>) dst(%dma_wait3A_100 : memref<128x128xf32, #tpu.memory_space<hbm>>)
        tpu.yield
      }) : () -> ()
      %add3A_75 = arith.constant 2 : i32
      %add3A_76 = arith.addi %mul3A_57, %add3A_75 : i32
      %lt3A_77 = arith.constant 40 : i32
      %lt3A_78 = arith.cmpi slt, %add3A_76, %lt3A_77 : i32
      %convert_element_type3A_79 = arith.extui %lt3A_78 : i1 to i32
      %cond3A_80 = arith.constant 0 : i32
      %cond3A_81 = arith.cmpi ne, %convert_element_type3A_79, %cond3A_80 : i32
      scf.if %cond3A_81 {
        %add3A_93 = arith.constant 2 : i32
        %add3A_94 = arith.addi %mul3A_57, %add3A_93 : i32
        %mul3A_95 = arith.constant 128 : i32
        %mul3A_96 = arith.muli %add3A_94, %mul3A_95 : i32
        %dma_start3A_97 = tpu.memref_slice %arg7[%mul3A_96] : memref<5120xi32, #tpu.memory_space<vmem>> -> memref<128xi32, #tpu.memory_space<vmem>>
        %dma_start3A_98 = arith.constant 0 : i32
        %dma_start3A_99 = arith.constant 0 : i32
        %dma_start3A_100 = tpu.memref_slice %arg2[%dma_start3A_98, %dma_start3A_99] : memref<100000x128xf32, #tpu.memory_space<hbm>> -> memref<100000x128xf32, #tpu.memory_space<hbm>>
        tpu.enqueue_indirect_dma source(%dma_start3A_100 : memref<100000x128xf32, #tpu.memory_space<hbm>>) target(%arg9 : memref<128x128xf32, #tpu.memory_space<vmem>>) offsets(%dma_start3A_97 : memref<128xi32, #tpu.memory_space<vmem>>) semaphore(%arg11 : memref<!tpu.dma_semaphore, #tpu.memory_space<semaphore_mem>>)
      } else {
      }
      %dma_wait3A_82 = arith.constant 0 : i32
      %dma_wait3A_83 = arith.constant 0 : i32
      %dma_wait3A_84 = tpu.memref_slice %arg2[%dma_wait3A_82, %dma_wait3A_83] : memref<100000x128xf32, #tpu.memory_space<hbm>> -> memref<128x128xf32, #tpu.memory_space<hbm>>
      %dma_wait3A_85 = arith.constant 0 : i32
      %dma_wait3A_86 = arith.constant 0 : i32
      %dma_wait3A_87 = tpu.memref_slice %arg2[%dma_wait3A_85, %dma_wait3A_86] : memref<100000x128xf32, #tpu.memory_space<hbm>> -> memref<128x128xf32, #tpu.memory_space<hbm>>
      tpu.wait_dma2 semaphore(%arg12 : memref<!tpu.dma_semaphore, #tpu.memory_space<semaphore_mem>>) src(%dma_wait3A_87 : memref<128x128xf32, #tpu.memory_space<hbm>>) dst(%arg10 : memref<128x128xf32, #tpu.memory_space<vmem>>)
      %add3A_88 = arith.constant 1 : i32
      %add3A_89 = arith.addi %mul3A_57, %add3A_88 : i32
      %mul3A_90 = arith.constant 128 : i32
      %mul3A_91 = arith.muli %add3A_89, %mul3A_90 : i32
      %add3A_92 = arith.addi %mul3A_2, %mul3A_91 : i32
      "tpu.region"() ({
        %run_scoped3A = tpu.sem_alloc : memref<!tpu.dma_semaphore, #tpu.memory_space<semaphore_mem>>
        %dma_start3A_93 = arith.constant 0 : i32
        %dma_start3A_94 = tpu.memref_slice %arg5[%add3A_92, %dma_start3A_93] : memref<163840x128xf32, #tpu.memory_space<hbm>> -> memref<128x128xf32, #tpu.memory_space<hbm>>
        %dma_start3A_95 = arith.constant 0 : i32
        %dma_start3A_96 = tpu.memref_slice %arg5[%add3A_92, %dma_start3A_95] : memref<163840x128xf32, #tpu.memory_space<hbm>> -> memref<128x128xf32, #tpu.memory_space<hbm>>
        tpu.enqueue_dma source(%arg10 : memref<128x128xf32, #tpu.memory_space<vmem>>) target(%dma_start3A_96 : memref<128x128xf32, #tpu.memory_space<hbm>>) target_semaphore(%run_scoped3A : memref<!tpu.dma_semaphore, #tpu.memory_space<semaphore_mem>>)
        %dma_wait3A_97 = arith.constant 0 : i32
        %dma_wait3A_98 = tpu.memref_slice %arg5[%add3A_92, %dma_wait3A_97] : memref<163840x128xf32, #tpu.memory_space<hbm>> -> memref<128x128xf32, #tpu.memory_space<hbm>>
        %dma_wait3A_99 = arith.constant 0 : i32
        %dma_wait3A_100 = tpu.memref_slice %arg5[%add3A_92, %dma_wait3A_99] : memref<163840x128xf32, #tpu.memory_space<hbm>> -> memref<128x128xf32, #tpu.memory_space<hbm>>
        tpu.wait_dma2 semaphore(%run_scoped3A : memref<!tpu.dma_semaphore, #tpu.memory_space<semaphore_mem>>) src(%arg10 : memref<128x128xf32, #tpu.memory_space<vmem>>) dst(%dma_wait3A_100 : memref<128x128xf32, #tpu.memory_space<hbm>>)
        tpu.yield
      }) : () -> ()
    }
    %scan3A_13 = arith.constant 20 : i32
    %dma_start3A_14 = arith.constant 0 : i32
    %dma_start3A_15 = tpu.memref_slice %arg8[%dma_start3A_14] : memref<256xi32, #tpu.memory_space<vmem>> -> memref<128xi32, #tpu.memory_space<vmem>>
    %dma_start3A_16 = arith.constant 0 : i32
    %dma_start3A_17 = arith.constant 0 : i32
    %dma_start3A_18 = tpu.memref_slice %arg2[%dma_start3A_16, %dma_start3A_17] : memref<100000x128xf32, #tpu.memory_space<hbm>> -> memref<100000x128xf32, #tpu.memory_space<hbm>>
    tpu.enqueue_indirect_dma source(%dma_start3A_18 : memref<100000x128xf32, #tpu.memory_space<hbm>>) target(%arg9 : memref<128x128xf32, #tpu.memory_space<vmem>>) offsets(%dma_start3A_15 : memref<128xi32, #tpu.memory_space<vmem>>) semaphore(%arg11 : memref<!tpu.dma_semaphore, #tpu.memory_space<semaphore_mem>>)
    %scan3A_19 = arith.constant 0 : i32
    %scan3A_20 = arith.constant 0 : i32
    %mul3A_21 = arith.constant 2 : i32
    %mul3A_22 = arith.muli %mul3A_21, %scan3A_20 : i32
    %add3A_23 = arith.constant 1 : i32
    %add3A_24 = arith.addi %mul3A_22, %add3A_23 : i32
    %mul3A_25 = arith.constant 128 : i32
    %mul3A_26 = arith.muli %add3A_24, %mul3A_25 : i32
    %dma_start3A_27 = tpu.memref_slice %arg8[%mul3A_26] : memref<256xi32, #tpu.memory_space<vmem>> -> memref<128xi32, #tpu.memory_space<vmem>>
    %dma_start3A_28 = arith.constant 0 : i32
    %dma_start3A_29 = arith.constant 0 : i32
    %dma_start3A_30 = tpu.memref_slice %arg2[%dma_start3A_28, %dma_start3A_29] : memref<100000x128xf32, #tpu.memory_space<hbm>> -> memref<100000x128xf32, #tpu.memory_space<hbm>>
    tpu.enqueue_indirect_dma source(%dma_start3A_30 : memref<100000x128xf32, #tpu.memory_space<hbm>>) target(%arg10 : memref<128x128xf32, #tpu.memory_space<vmem>>) offsets(%dma_start3A_27 : memref<128xi32, #tpu.memory_space<vmem>>) semaphore(%arg12 : memref<!tpu.dma_semaphore, #tpu.memory_space<semaphore_mem>>)
    %dma_wait3A = arith.constant 0 : i32
    %dma_wait3A_31 = arith.constant 0 : i32
    %dma_wait3A_32 = tpu.memref_slice %arg2[%dma_wait3A, %dma_wait3A_31] : memref<100000x128xf32, #tpu.memory_space<hbm>> -> memref<128x128xf32, #tpu.memory_space<hbm>>
    %dma_wait3A_33 = arith.constant 0 : i32
    %dma_wait3A_34 = arith.constant 0 : i32
    %dma_wait3A_35 = tpu.memref_slice %arg2[%dma_wait3A_33, %dma_wait3A_34] : memref<100000x128xf32, #tpu.memory_space<hbm>> -> memref<128x128xf32, #tpu.memory_space<hbm>>
    tpu.wait_dma2 semaphore(%arg11 : memref<!tpu.dma_semaphore, #tpu.memory_space<semaphore_mem>>) src(%dma_wait3A_35 : memref<128x128xf32, #tpu.memory_space<hbm>>) dst(%arg9 : memref<128x128xf32, #tpu.memory_space<vmem>>)
    %mul3A_36 = arith.constant 128 : i32
    %mul3A_37 = arith.muli %mul3A_22, %mul3A_36 : i32
    %add3A_38 = arith.addi %mul3A_4, %mul3A_37 : i32
    "tpu.region"() ({
      %run_scoped3A = tpu.sem_alloc : memref<!tpu.dma_semaphore, #tpu.memory_space<semaphore_mem>>
      %dma_start3A_55 = arith.constant 0 : i32
      %dma_start3A_56 = tpu.memref_slice %arg6[%add3A_38, %dma_start3A_55] : memref<8192x128xf32, #tpu.memory_space<hbm>> -> memref<128x128xf32, #tpu.memory_space<hbm>>
      %dma_start3A_57 = arith.constant 0 : i32
      %dma_start3A_58 = tpu.memref_slice %arg6[%add3A_38, %dma_start3A_57] : memref<8192x128xf32, #tpu.memory_space<hbm>> -> memref<128x128xf32, #tpu.memory_space<hbm>>
      tpu.enqueue_dma source(%arg9 : memref<128x128xf32, #tpu.memory_space<vmem>>) target(%dma_start3A_58 : memref<128x128xf32, #tpu.memory_space<hbm>>) target_semaphore(%run_scoped3A : memref<!tpu.dma_semaphore, #tpu.memory_space<semaphore_mem>>)
      %dma_wait3A_59 = arith.constant 0 : i32
      %dma_wait3A_60 = tpu.memref_slice %arg6[%add3A_38, %dma_wait3A_59] : memref<8192x128xf32, #tpu.memory_space<hbm>> -> memref<128x128xf32, #tpu.memory_space<hbm>>
      %dma_wait3A_61 = arith.constant 0 : i32
      %dma_wait3A_62 = tpu.memref_slice %arg6[%add3A_38, %dma_wait3A_61] : memref<8192x128xf32, #tpu.memory_space<hbm>> -> memref<128x128xf32, #tpu.memory_space<hbm>>
      tpu.wait_dma2 semaphore(%run_scoped3A : memref<!tpu.dma_semaphore, #tpu.memory_space<semaphore_mem>>) src(%arg9 : memref<128x128xf32, #tpu.memory_space<vmem>>) dst(%dma_wait3A_62 : memref<128x128xf32, #tpu.memory_space<hbm>>)
      tpu.yield
    }) : () -> ()
    %add3A_39 = arith.constant 2 : i32
    %add3A_40 = arith.addi %mul3A_22, %add3A_39 : i32
    %lt3A = arith.constant 2 : i32
    %lt3A_41 = arith.cmpi slt, %add3A_40, %lt3A : i32
    %convert_element_type3A = arith.extui %lt3A_41 : i1 to i32
    %cond3A = arith.constant 0 : i32
    %cond3A_42 = arith.cmpi ne, %convert_element_type3A, %cond3A : i32
    scf.if %cond3A_42 {
      %add3A_55 = arith.constant 2 : i32
      %add3A_56 = arith.addi %mul3A_22, %add3A_55 : i32
      %mul3A_57 = arith.constant 128 : i32
      %mul3A_58 = arith.muli %add3A_56, %mul3A_57 : i32
      %dma_start3A_59 = tpu.memref_slice %arg8[%mul3A_58] : memref<256xi32, #tpu.memory_space<vmem>> -> memref<128xi32, #tpu.memory_space<vmem>>
      %dma_start3A_60 = arith.constant 0 : i32
      %dma_start3A_61 = arith.constant 0 : i32
      %dma_start3A_62 = tpu.memref_slice %arg2[%dma_start3A_60, %dma_start3A_61] : memref<100000x128xf32, #tpu.memory_space<hbm>> -> memref<100000x128xf32, #tpu.memory_space<hbm>>
      tpu.enqueue_indirect_dma source(%dma_start3A_62 : memref<100000x128xf32, #tpu.memory_space<hbm>>) target(%arg9 : memref<128x128xf32, #tpu.memory_space<vmem>>) offsets(%dma_start3A_59 : memref<128xi32, #tpu.memory_space<vmem>>) semaphore(%arg11 : memref<!tpu.dma_semaphore, #tpu.memory_space<semaphore_mem>>)
    } else {
    }
    %dma_wait3A_43 = arith.constant 0 : i32
    %dma_wait3A_44 = arith.constant 0 : i32
    %dma_wait3A_45 = tpu.memref_slice %arg2[%dma_wait3A_43, %dma_wait3A_44] : memref<100000x128xf32, #tpu.memory_space<hbm>> -> memref<128x128xf32, #tpu.memory_space<hbm>>
    %dma_wait3A_46 = arith.constant 0 : i32
    %dma_wait3A_47 = arith.constant 0 : i32
    %dma_wait3A_48 = tpu.memref_slice %arg2[%dma_wait3A_46, %dma_wait3A_47] : memref<100000x128xf32, #tpu.memory_space<hbm>> -> memref<128x128xf32, #tpu.memory_space<hbm>>
    tpu.wait_dma2 semaphore(%arg12 : memref<!tpu.dma_semaphore, #tpu.memory_space<semaphore_mem>>) src(%dma_wait3A_48 : memref<128x128xf32, #tpu.memory_space<hbm>>) dst(%arg10 : memref<128x128xf32, #tpu.memory_space<vmem>>)
    %add3A_49 = arith.constant 1 : i32
    %add3A_50 = arith.addi %mul3A_22, %add3A_49 : i32
    %mul3A_51 = arith.constant 128 : i32
    %mul3A_52 = arith.muli %add3A_50, %mul3A_51 : i32
    %add3A_53 = arith.addi %mul3A_4, %mul3A_52 : i32
    "tpu.region"() ({
      %run_scoped3A = tpu.sem_alloc : memref<!tpu.dma_semaphore, #tpu.memory_space<semaphore_mem>>
      %dma_start3A_55 = arith.constant 0 : i32
      %dma_start3A_56 = tpu.memref_slice %arg6[%add3A_53, %dma_start3A_55] : memref<8192x128xf32, #tpu.memory_space<hbm>> -> memref<128x128xf32, #tpu.memory_space<hbm>>
      %dma_start3A_57 = arith.constant 0 : i32
      %dma_start3A_58 = tpu.memref_slice %arg6[%add3A_53, %dma_start3A_57] : memref<8192x128xf32, #tpu.memory_space<hbm>> -> memref<128x128xf32, #tpu.memory_space<hbm>>
      tpu.enqueue_dma source(%arg10 : memref<128x128xf32, #tpu.memory_space<vmem>>) target(%dma_start3A_58 : memref<128x128xf32, #tpu.memory_space<hbm>>) target_semaphore(%run_scoped3A : memref<!tpu.dma_semaphore, #tpu.memory_space<semaphore_mem>>)
      %dma_wait3A_59 = arith.constant 0 : i32
      %dma_wait3A_60 = tpu.memref_slice %arg6[%add3A_53, %dma_wait3A_59] : memref<8192x128xf32, #tpu.memory_space<hbm>> -> memref<128x128xf32, #tpu.memory_space<hbm>>
      %dma_wait3A_61 = arith.constant 0 : i32
      %dma_wait3A_62 = tpu.memref_slice %arg6[%add3A_53, %dma_wait3A_61] : memref<8192x128xf32, #tpu.memory_space<hbm>> -> memref<128x128xf32, #tpu.memory_space<hbm>>
      tpu.wait_dma2 semaphore(%run_scoped3A : memref<!tpu.dma_semaphore, #tpu.memory_space<semaphore_mem>>) src(%arg10 : memref<128x128xf32, #tpu.memory_space<vmem>>) dst(%dma_wait3A_62 : memref<128x128xf32, #tpu.memory_space<hbm>>)
      tpu.yield
    }) : () -> ()
    %scan3A_54 = arith.constant 1 : i32
    return
  }
}

#map = affine_map<(d0, d1) -> (0, 0)>
#map1 = affine_map<(d0, d1) -> (0)>
module attributes {stable_mosaic.version = 14 : i64} {
  func.func @gather_kernel(%arg0: i32, %arg1: i32, %arg2: memref<200000x128xf32, #tpu.memory_space<hbm>>, %arg3: memref<163840xi32, #tpu.memory_space<hbm>>, %arg4: memref<163840x128xf32, #tpu.memory_space<hbm>>, %arg5: memref<5120xi32, #tpu.memory_space<vmem>>, %arg6: memref<128x128xf32, #tpu.memory_space<vmem>>, %arg7: memref<128x128xf32, #tpu.memory_space<vmem>>, %arg8: memref<!tpu.dma_semaphore, #tpu.memory_space<semaphore_mem>>, %arg9: memref<!tpu.dma_semaphore, #tpu.memory_space<semaphore_mem>>) attributes {dimension_semantics = [#tpu.dimension_semantics<core_parallel>, #tpu.dimension_semantics<subcore_parallel>], iteration_bounds = array<i64: 2, 16>, scalar_prefetch = 0 : i64, scratch_operands = 5 : i64, tpu.core_type = #tpu.core_type<sc_vector_subcore>, window_params = [{transform_indices = #map}, {transform_indices = #map1}, {transform_indices = #map}]} {
    %mul3A = arith.constant 2 : i32
    %mul3A_0 = arith.muli %arg1, %mul3A : i32
    %add3A = arith.addi %mul3A_0, %arg0 : i32
    %mul3A_1 = arith.constant 5120 : i32
    %mul3A_2 = arith.muli %add3A, %mul3A_1 : i32
    "tpu.region"() ({
      %run_scoped3A = tpu.sem_alloc : memref<!tpu.dma_semaphore, #tpu.memory_space<semaphore_mem>>
      %dma_start3A_12 = tpu.memref_slice %arg3[%mul3A_2] : memref<163840xi32, #tpu.memory_space<hbm>> -> memref<5120xi32, #tpu.memory_space<hbm>>
      %dma_start3A_13 = tpu.memref_slice %arg3[%mul3A_2] : memref<163840xi32, #tpu.memory_space<hbm>> -> memref<5120xi32, #tpu.memory_space<hbm>>
      tpu.enqueue_dma source(%dma_start3A_13 : memref<5120xi32, #tpu.memory_space<hbm>>) target(%arg5 : memref<5120xi32, #tpu.memory_space<vmem>>) target_semaphore(%run_scoped3A : memref<!tpu.dma_semaphore, #tpu.memory_space<semaphore_mem>>)
      %dma_wait3A = tpu.memref_slice %arg3[%mul3A_2] : memref<163840xi32, #tpu.memory_space<hbm>> -> memref<5120xi32, #tpu.memory_space<hbm>>
      %dma_wait3A_14 = tpu.memref_slice %arg3[%mul3A_2] : memref<163840xi32, #tpu.memory_space<hbm>> -> memref<5120xi32, #tpu.memory_space<hbm>>
      tpu.wait_dma2 semaphore(%run_scoped3A : memref<!tpu.dma_semaphore, #tpu.memory_space<semaphore_mem>>) src(%dma_wait3A_14 : memref<5120xi32, #tpu.memory_space<hbm>>) dst(%arg5 : memref<5120xi32, #tpu.memory_space<vmem>>)
      tpu.yield
    }) : () -> ()
    %dma_start3A = arith.constant 0 : i32
    %dma_start3A_3 = tpu.memref_slice %arg5[%dma_start3A] : memref<5120xi32, #tpu.memory_space<vmem>> -> memref<128xi32, #tpu.memory_space<vmem>>
    %dma_start3A_4 = arith.constant 0 : i32
    %dma_start3A_5 = arith.constant 0 : i32
    %dma_start3A_6 = tpu.memref_slice %arg2[%dma_start3A_4, %dma_start3A_5] : memref<200000x128xf32, #tpu.memory_space<hbm>> -> memref<200000x128xf32, #tpu.memory_space<hbm>>
    tpu.enqueue_indirect_dma source(%dma_start3A_6 : memref<200000x128xf32, #tpu.memory_space<hbm>>) target(%arg6 : memref<128x128xf32, #tpu.memory_space<vmem>>) offsets(%dma_start3A_3 : memref<128xi32, #tpu.memory_space<vmem>>) semaphore(%arg8 : memref<!tpu.dma_semaphore, #tpu.memory_space<semaphore_mem>>)
    %scan3A = arith.constant 0 : i32
    %scan3A_7 = arith.constant 0 : i32
    %scan3A_8 = arith.constant 20 : i32
    %scan3A_9 = arith.addi %scan3A_7, %scan3A_8 : i32
    %scan3A_10 = arith.constant 1 : i32
    scf.for %scan3A_12 = %scan3A_7 to %scan3A_9 step %scan3A_10  : i32 {
      %mul3A_13 = arith.constant 2 : i32
      %mul3A_14 = arith.muli %mul3A_13, %scan3A_12 : i32
      %add3A_15 = arith.constant 1 : i32
      %add3A_16 = arith.addi %mul3A_14, %add3A_15 : i32
      %mul3A_17 = arith.constant 128 : i32
      %mul3A_18 = arith.muli %add3A_16, %mul3A_17 : i32
      %dma_start3A_19 = tpu.memref_slice %arg5[%mul3A_18] : memref<5120xi32, #tpu.memory_space<vmem>> -> memref<128xi32, #tpu.memory_space<vmem>>
      %dma_start3A_20 = arith.constant 0 : i32
      %dma_start3A_21 = arith.constant 0 : i32
      %dma_start3A_22 = tpu.memref_slice %arg2[%dma_start3A_20, %dma_start3A_21] : memref<200000x128xf32, #tpu.memory_space<hbm>> -> memref<200000x128xf32, #tpu.memory_space<hbm>>
      tpu.enqueue_indirect_dma source(%dma_start3A_22 : memref<200000x128xf32, #tpu.memory_space<hbm>>) target(%arg7 : memref<128x128xf32, #tpu.memory_space<vmem>>) offsets(%dma_start3A_19 : memref<128xi32, #tpu.memory_space<vmem>>) semaphore(%arg9 : memref<!tpu.dma_semaphore, #tpu.memory_space<semaphore_mem>>)
      %dma_wait3A = arith.constant 0 : i32
      %dma_wait3A_23 = arith.constant 0 : i32
      %dma_wait3A_24 = tpu.memref_slice %arg2[%dma_wait3A, %dma_wait3A_23] : memref<200000x128xf32, #tpu.memory_space<hbm>> -> memref<128x128xf32, #tpu.memory_space<hbm>>
      %dma_wait3A_25 = arith.constant 0 : i32
      %dma_wait3A_26 = arith.constant 0 : i32
      %dma_wait3A_27 = tpu.memref_slice %arg2[%dma_wait3A_25, %dma_wait3A_26] : memref<200000x128xf32, #tpu.memory_space<hbm>> -> memref<128x128xf32, #tpu.memory_space<hbm>>
      tpu.wait_dma2 semaphore(%arg8 : memref<!tpu.dma_semaphore, #tpu.memory_space<semaphore_mem>>) src(%dma_wait3A_27 : memref<128x128xf32, #tpu.memory_space<hbm>>) dst(%arg6 : memref<128x128xf32, #tpu.memory_space<vmem>>)
      %mul3A_28 = arith.constant 128 : i32
      %mul3A_29 = arith.muli %mul3A_14, %mul3A_28 : i32
      %add3A_30 = arith.addi %mul3A_2, %mul3A_29 : i32
      "tpu.region"() ({
        %run_scoped3A = tpu.sem_alloc : memref<!tpu.dma_semaphore, #tpu.memory_space<semaphore_mem>>
        %dma_start3A_46 = arith.constant 0 : i32
        %dma_start3A_47 = tpu.memref_slice %arg4[%add3A_30, %dma_start3A_46] : memref<163840x128xf32, #tpu.memory_space<hbm>> -> memref<128x128xf32, #tpu.memory_space<hbm>>
        %dma_start3A_48 = arith.constant 0 : i32
        %dma_start3A_49 = tpu.memref_slice %arg4[%add3A_30, %dma_start3A_48] : memref<163840x128xf32, #tpu.memory_space<hbm>> -> memref<128x128xf32, #tpu.memory_space<hbm>>
        tpu.enqueue_dma source(%arg6 : memref<128x128xf32, #tpu.memory_space<vmem>>) target(%dma_start3A_49 : memref<128x128xf32, #tpu.memory_space<hbm>>) target_semaphore(%run_scoped3A : memref<!tpu.dma_semaphore, #tpu.memory_space<semaphore_mem>>)
        %dma_wait3A_50 = arith.constant 0 : i32
        %dma_wait3A_51 = tpu.memref_slice %arg4[%add3A_30, %dma_wait3A_50] : memref<163840x128xf32, #tpu.memory_space<hbm>> -> memref<128x128xf32, #tpu.memory_space<hbm>>
        %dma_wait3A_52 = arith.constant 0 : i32
        %dma_wait3A_53 = tpu.memref_slice %arg4[%add3A_30, %dma_wait3A_52] : memref<163840x128xf32, #tpu.memory_space<hbm>> -> memref<128x128xf32, #tpu.memory_space<hbm>>
        tpu.wait_dma2 semaphore(%run_scoped3A : memref<!tpu.dma_semaphore, #tpu.memory_space<semaphore_mem>>) src(%arg6 : memref<128x128xf32, #tpu.memory_space<vmem>>) dst(%dma_wait3A_53 : memref<128x128xf32, #tpu.memory_space<hbm>>)
        tpu.yield
      }) : () -> ()
      %add3A_31 = arith.constant 2 : i32
      %add3A_32 = arith.addi %mul3A_14, %add3A_31 : i32
      %lt3A = arith.constant 40 : i32
      %lt3A_33 = arith.cmpi slt, %add3A_32, %lt3A : i32
      %convert_element_type3A = arith.extui %lt3A_33 : i1 to i32
      %cond3A = arith.constant 0 : i32
      %cond3A_34 = arith.cmpi ne, %convert_element_type3A, %cond3A : i32
      scf.if %cond3A_34 {
        %add3A_46 = arith.constant 2 : i32
        %add3A_47 = arith.addi %mul3A_14, %add3A_46 : i32
        %mul3A_48 = arith.constant 128 : i32
        %mul3A_49 = arith.muli %add3A_47, %mul3A_48 : i32
        %dma_start3A_50 = tpu.memref_slice %arg5[%mul3A_49] : memref<5120xi32, #tpu.memory_space<vmem>> -> memref<128xi32, #tpu.memory_space<vmem>>
        %dma_start3A_51 = arith.constant 0 : i32
        %dma_start3A_52 = arith.constant 0 : i32
        %dma_start3A_53 = tpu.memref_slice %arg2[%dma_start3A_51, %dma_start3A_52] : memref<200000x128xf32, #tpu.memory_space<hbm>> -> memref<200000x128xf32, #tpu.memory_space<hbm>>
        tpu.enqueue_indirect_dma source(%dma_start3A_53 : memref<200000x128xf32, #tpu.memory_space<hbm>>) target(%arg6 : memref<128x128xf32, #tpu.memory_space<vmem>>) offsets(%dma_start3A_50 : memref<128xi32, #tpu.memory_space<vmem>>) semaphore(%arg8 : memref<!tpu.dma_semaphore, #tpu.memory_space<semaphore_mem>>)
      } else {
      }
      %dma_wait3A_35 = arith.constant 0 : i32
      %dma_wait3A_36 = arith.constant 0 : i32
      %dma_wait3A_37 = tpu.memref_slice %arg2[%dma_wait3A_35, %dma_wait3A_36] : memref<200000x128xf32, #tpu.memory_space<hbm>> -> memref<128x128xf32, #tpu.memory_space<hbm>>
      %dma_wait3A_38 = arith.constant 0 : i32
      %dma_wait3A_39 = arith.constant 0 : i32
      %dma_wait3A_40 = tpu.memref_slice %arg2[%dma_wait3A_38, %dma_wait3A_39] : memref<200000x128xf32, #tpu.memory_space<hbm>> -> memref<128x128xf32, #tpu.memory_space<hbm>>
      tpu.wait_dma2 semaphore(%arg9 : memref<!tpu.dma_semaphore, #tpu.memory_space<semaphore_mem>>) src(%dma_wait3A_40 : memref<128x128xf32, #tpu.memory_space<hbm>>) dst(%arg7 : memref<128x128xf32, #tpu.memory_space<vmem>>)
      %add3A_41 = arith.constant 1 : i32
      %add3A_42 = arith.addi %mul3A_14, %add3A_41 : i32
      %mul3A_43 = arith.constant 128 : i32
      %mul3A_44 = arith.muli %add3A_42, %mul3A_43 : i32
      %add3A_45 = arith.addi %mul3A_2, %mul3A_44 : i32
      "tpu.region"() ({
        %run_scoped3A = tpu.sem_alloc : memref<!tpu.dma_semaphore, #tpu.memory_space<semaphore_mem>>
        %dma_start3A_46 = arith.constant 0 : i32
        %dma_start3A_47 = tpu.memref_slice %arg4[%add3A_45, %dma_start3A_46] : memref<163840x128xf32, #tpu.memory_space<hbm>> -> memref<128x128xf32, #tpu.memory_space<hbm>>
        %dma_start3A_48 = arith.constant 0 : i32
        %dma_start3A_49 = tpu.memref_slice %arg4[%add3A_45, %dma_start3A_48] : memref<163840x128xf32, #tpu.memory_space<hbm>> -> memref<128x128xf32, #tpu.memory_space<hbm>>
        tpu.enqueue_dma source(%arg7 : memref<128x128xf32, #tpu.memory_space<vmem>>) target(%dma_start3A_49 : memref<128x128xf32, #tpu.memory_space<hbm>>) target_semaphore(%run_scoped3A : memref<!tpu.dma_semaphore, #tpu.memory_space<semaphore_mem>>)
        %dma_wait3A_50 = arith.constant 0 : i32
        %dma_wait3A_51 = tpu.memref_slice %arg4[%add3A_45, %dma_wait3A_50] : memref<163840x128xf32, #tpu.memory_space<hbm>> -> memref<128x128xf32, #tpu.memory_space<hbm>>
        %dma_wait3A_52 = arith.constant 0 : i32
        %dma_wait3A_53 = tpu.memref_slice %arg4[%add3A_45, %dma_wait3A_52] : memref<163840x128xf32, #tpu.memory_space<hbm>> -> memref<128x128xf32, #tpu.memory_space<hbm>>
        tpu.wait_dma2 semaphore(%run_scoped3A : memref<!tpu.dma_semaphore, #tpu.memory_space<semaphore_mem>>) src(%arg7 : memref<128x128xf32, #tpu.memory_space<vmem>>) dst(%dma_wait3A_53 : memref<128x128xf32, #tpu.memory_space<hbm>>)
        tpu.yield
      }) : () -> ()
    }
    %scan3A_11 = arith.constant 20 : i32
    return
  }
}

module attributes {stable_mosaic.version = 14 : i64} {
  func.func @_tc_body(%arg0: i32, %arg1: memref<20x256x128xf32, #tpu.memory_space<vmem>>, %arg2: memref<20x256x128xf32, #tpu.memory_space<vmem>>, %arg3: memref<256x128xf32, #tpu.memory_space<vmem>>, %arg4: memref<256x20xf32, #tpu.memory_space<vmem>>, %arg5: memref<256x20xi32, #tpu.memory_space<vmem>>, %arg6: memref<256x20xi32, #tpu.memory_space<vmem>>, %arg7: memref<1x128xf32, #tpu.memory_space<vmem>>, %arg8: memref<1x128xf32, #tpu.memory_space<vmem>>, %arg9: memref<256x128xf32, #tpu.memory_space<vmem>>, %arg10: memref<128x128xf32, #tpu.memory_space<vmem>>, %arg11: memref<1x128xf32, #tpu.memory_space<vmem>>, %arg12: memref<128x128xf32, #tpu.memory_space<vmem>>, %arg13: memref<1x128xf32, #tpu.memory_space<vmem>>, %arg14: memref<128x128xf32, #tpu.memory_space<vmem>>, %arg15: memref<1x128xf32, #tpu.memory_space<vmem>>, %arg16: memref<128x128xf32, #tpu.memory_space<vmem>>, %arg17: memref<1x128xf32, #tpu.memory_space<vmem>>, %arg18: memref<256x128xf32, #tpu.memory_space<vmem>>, %arg19: memref<1x128xf32, #tpu.memory_space<vmem>>, %arg20: memref<256x128xf32, #tpu.memory_space<vmem>>) attributes {dimension_semantics = [#tpu.dimension_semantics<arbitrary>], iteration_bounds = array<i64: 32>, scalar_prefetch = 0 : i64, scratch_operands = 0 : i64, tpu.core_type = #tpu.core_type<tc>, window_params = [{transform_indices = @transform_0, window_bounds = array<i64: 20, 256, 128>}, {transform_indices = @transform_1, window_bounds = array<i64: 20, 256, 128>}, {transform_indices = @transform_2, window_bounds = array<i64: 256, 128>}, {transform_indices = @transform_3, window_bounds = array<i64: 256, 20>}, {transform_indices = @transform_4, window_bounds = array<i64: 256, 20>}, {transform_indices = @transform_5, window_bounds = array<i64: 256, 20>}, {pipeline_mode = #tpu.pipeline_mode<synchronous>, transform_indices = @transform_6, window_bounds = array<i64: 1, 128>}, {pipeline_mode = #tpu.pipeline_mode<synchronous>, transform_indices = @transform_7, window_bounds = array<i64: 1, 128>}, {pipeline_mode = #tpu.pipeline_mode<synchronous>, transform_indices = @transform_8, window_bounds = array<i64: 256, 128>}, {pipeline_mode = #tpu.pipeline_mode<synchronous>, transform_indices = @transform_9, window_bounds = array<i64: 128, 128>}, {pipeline_mode = #tpu.pipeline_mode<synchronous>, transform_indices = @transform_10, window_bounds = array<i64: 1, 128>}, {pipeline_mode = #tpu.pipeline_mode<synchronous>, transform_indices = @transform_11, window_bounds = array<i64: 128, 128>}, {pipeline_mode = #tpu.pipeline_mode<synchronous>, transform_indices = @transform_12, window_bounds = array<i64: 1, 128>}, {pipeline_mode = #tpu.pipeline_mode<synchronous>, transform_indices = @transform_13, window_bounds = array<i64: 128, 128>}, {pipeline_mode = #tpu.pipeline_mode<synchronous>, transform_indices = @transform_14, window_bounds = array<i64: 1, 128>}, {pipeline_mode = #tpu.pipeline_mode<synchronous>, transform_indices = @transform_15, window_bounds = array<i64: 128, 128>}, {pipeline_mode = #tpu.pipeline_mode<synchronous>, transform_indices = @transform_16, window_bounds = array<i64: 1, 128>}, {pipeline_mode = #tpu.pipeline_mode<synchronous>, transform_indices = @transform_17, window_bounds = array<i64: 256, 128>}, {pipeline_mode = #tpu.pipeline_mode<synchronous>, transform_indices = @transform_18, window_bounds = array<i64: 1, 128>}, {transform_indices = @transform_19, window_bounds = array<i64: 256, 128>}]} {
    %get3A = arith.constant 0 : index
    %get3A_0 = arith.constant 0 : index
    %get3A_1 = vector.load %arg4[%get3A, %get3A_0] : memref<256x20xf32, #tpu.memory_space<vmem>>, vector<256x20xf32>
    %get3A_2 = arith.constant 0 : index
    %get3A_3 = arith.constant 0 : index
    %get3A_4 = vector.load %arg5[%get3A_2, %get3A_3] : memref<256x20xi32, #tpu.memory_space<vmem>>, vector<256x20xi32>
    %ne3A = arith.constant 0 : i32
    %ne3A_5 = vector.broadcast %ne3A : i32 to vector<256x20xi32>
    %ne3A_6 = arith.cmpi ne, %get3A_4, %ne3A_5 : vector<256x20xi32>
    %convert_element_type3A = arith.extui %ne3A_6 : vector<256x20xi1> to vector<256x20xi32>
    %convert_element_type3A_7 = arith.sitofp %convert_element_type3A : vector<256x20xi32> to vector<256x20xf32>
    %get3A_8 = arith.constant 0 : index
    %get3A_9 = arith.constant 0 : index
    %get3A_10 = vector.load %arg6[%get3A_8, %get3A_9] : memref<256x20xi32, #tpu.memory_space<vmem>>, vector<256x20xi32>
    %and3A = arith.constant 7 : i32
    %and3A_11 = vector.broadcast %and3A : i32 to vector<256x20xi32>
    %and3A_12 = arith.andi %get3A_10, %and3A_11 : vector<256x20xi32>
    %iota3A = tpu.iota {dimensions = array<i32: 1>} : vector<256x128xi32>
    %shift_right_arithmetic3A = arith.constant 4 : i32
    %shift_right_arithmetic3A_13 = vector.broadcast %shift_right_arithmetic3A : i32 to vector<256x128xi32>
    %shift_right_arithmetic3A_14 = arith.shrsi %iota3A, %shift_right_arithmetic3A_13 : vector<256x128xi32>
    %get3A_15 = arith.constant 0 : index
    %get3A_16 = arith.constant 0 : index
    %get3A_17 = vector.load %arg7[%get3A_15, %get3A_16] : memref<1x128xf32, #tpu.memory_space<vmem>>, vector<1x128xf32>
    %get3A_18 = arith.constant 0 : index
    %get3A_19 = arith.constant 0 : index
    %get3A_20 = vector.load %arg8[%get3A_18, %get3A_19] : memref<1x128xf32, #tpu.memory_space<vmem>>, vector<1x128xf32>
    %get3A_21 = arith.constant 0 : index
    %get3A_22 = arith.constant 0 : index
    %get3A_23 = vector.load %arg9[%get3A_21, %get3A_22] : memref<256x128xf32, #tpu.memory_space<vmem>>, vector<256x128xf32>
    %get3A_24 = arith.constant 0 : index
    %get3A_25 = arith.constant 0 : index
    %get3A_26 = vector.load %arg10[%get3A_24, %get3A_25] : memref<128x128xf32, #tpu.memory_space<vmem>>, vector<128x128xf32>
    %get3A_27 = arith.constant 0 : index
    %get3A_28 = arith.constant 0 : index
    %get3A_29 = vector.load %arg11[%get3A_27, %get3A_28] : memref<1x128xf32, #tpu.memory_space<vmem>>, vector<1x128xf32>
    %broadcast_in_dim3A = arith.constant 0.000000e+00 : f32
    %broadcast_in_dim3A_30 = vector.broadcast %broadcast_in_dim3A : f32 to vector<256x128xf32>
    %get3A_31 = arith.constant 0 : index
    %get3A_32 = arith.constant 0 : index
    %get3A_33 = arith.constant 0 : index
    %get3A_34 = vector.load %arg1[%get3A_31, %get3A_32, %get3A_33] : memref<20x256x128xf32, #tpu.memory_space<vmem>>, vector<1x256x128xf32>
    %get3A_35 = vector.shape_cast %get3A_34 : vector<1x256x128xf32> to vector<256x128xf32>
    %get3A_36 = arith.constant 0 : index
    %get3A_37 = arith.constant 0 : index
    %get3A_38 = arith.constant 0 : index
    %get3A_39 = vector.load %arg2[%get3A_36, %get3A_37, %get3A_38] : memref<20x256x128xf32, #tpu.memory_space<vmem>>, vector<1x256x128xf32>
    %get3A_40 = vector.shape_cast %get3A_39 : vector<1x256x128xf32> to vector<256x128xf32>
    %slice3A = vector.extract_strided_slice %get3A_1 {offsets = [0, 0], sizes = [256, 1], strides = [1, 1]} : vector<256x20xf32> to vector<256x1xf32>
    %mul3A = vector.broadcast %slice3A : vector<256x1xf32> to vector<256x128xf32>
    %mul3A_41 = vector.broadcast %get3A_17 : vector<1x128xf32> to vector<256x128xf32>
    %mul3A_42 = arith.mulf %mul3A, %mul3A_41 : vector<256x128xf32>
    %add3A = vector.broadcast %get3A_20 : vector<1x128xf32> to vector<256x128xf32>
    %add3A_43 = arith.addf %mul3A_42, %add3A : vector<256x128xf32>
    %mul3A_44 = arith.constant 0.159154937 : f32
    %mul3A_45 = vector.broadcast %mul3A_44 : f32 to vector<256x128xf32>
    %mul3A_46 = arith.mulf %add3A_43, %mul3A_45 : vector<256x128xf32>
    %add3A_47 = arith.constant 5.000000e-01 : f32
    %add3A_48 = vector.broadcast %add3A_47 : f32 to vector<256x128xf32>
    %add3A_49 = arith.addf %mul3A_46, %add3A_48 : vector<256x128xf32>
    %floor3A = math.floor %add3A_49 : vector<256x128xf32>
    %mul3A_50 = arith.constant 6.28318548 : f32
    %mul3A_51 = vector.broadcast %mul3A_50 : f32 to vector<256x128xf32>
    %mul3A_52 = arith.mulf %floor3A, %mul3A_51 : vector<256x128xf32>
    %sub3A = arith.subf %add3A_43, %mul3A_52 : vector<256x128xf32>
    %mul3A_53 = arith.mulf %sub3A, %sub3A : vector<256x128xf32>
    %mul3A_54 = arith.constant 1.7245092E-9 : f32
    %mul3A_55 = vector.broadcast %mul3A_54 : f32 to vector<256x128xf32>
    %mul3A_56 = arith.mulf %mul3A_55, %mul3A_53 : vector<256x128xf32>
    %add3A_57 = arith.constant -2.70790309E-7 : f32
    %add3A_58 = vector.broadcast %add3A_57 : f32 to vector<256x128xf32>
    %add3A_59 = arith.addf %mul3A_56, %add3A_58 : vector<256x128xf32>
    %mul3A_60 = arith.mulf %add3A_59, %mul3A_53 : vector<256x128xf32>
    %add3A_61 = arith.constant 2.47698827E-5 : f32
    %add3A_62 = vector.broadcast %add3A_61 : f32 to vector<256x128xf32>
    %add3A_63 = arith.addf %mul3A_60, %add3A_62 : vector<256x128xf32>
    %mul3A_64 = arith.mulf %add3A_63, %mul3A_53 : vector<256x128xf32>
    %add3A_65 = arith.constant -0.00138878031 : f32
    %add3A_66 = vector.broadcast %add3A_65 : f32 to vector<256x128xf32>
    %add3A_67 = arith.addf %mul3A_64, %add3A_66 : vector<256x128xf32>
    %mul3A_68 = arith.mulf %add3A_67, %mul3A_53 : vector<256x128xf32>
    %add3A_69 = arith.constant 0.0416664891 : f32
    %add3A_70 = vector.broadcast %add3A_69 : f32 to vector<256x128xf32>
    %add3A_71 = arith.addf %mul3A_68, %add3A_70 : vector<256x128xf32>
    %mul3A_72 = arith.mulf %add3A_71, %mul3A_53 : vector<256x128xf32>
    %add3A_73 = arith.constant -0.499999881 : f32
    %add3A_74 = vector.broadcast %add3A_73 : f32 to vector<256x128xf32>
    %add3A_75 = arith.addf %mul3A_72, %add3A_74 : vector<256x128xf32>
    %mul3A_76 = arith.mulf %add3A_75, %mul3A_53 : vector<256x128xf32>
    %add3A_77 = arith.constant 1.000000e+00 : f32
    %add3A_78 = vector.broadcast %add3A_77 : f32 to vector<256x128xf32>
    %add3A_79 = arith.addf %mul3A_76, %add3A_78 : vector<256x128xf32>
    %concatenate3A = tpu.concatenate %get3A_35, %add3A_79 in 1 : vector<256x128xf32>, vector<256x128xf32> -> vector<256x256xf32>
    %slice3A_80 = vector.extract_strided_slice %and3A_12 {offsets = [0, 0], sizes = [256, 1], strides = [1, 1]} : vector<256x20xi32> to vector<256x1xi32>
    %eq3A = vector.broadcast %slice3A_80 : vector<256x1xi32> to vector<256x128xi32>
    %eq3A_81 = arith.cmpi eq, %shift_right_arithmetic3A_14, %eq3A : vector<256x128xi32>
    %jit3A = arith.constant 0.000000e+00 : f32
    %broadcast_in_dim3A_82 = vector.broadcast %jit3A : f32 to vector<256x128xf32>
    %select_n3A = arith.select %eq3A_81, %get3A_40, %broadcast_in_dim3A_82 : vector<256x128xi1>, vector<256x128xf32>
    %dot_general3A = arith.constant dense<0.000000e+00> : vector<256x128xf32>
    %dot_general3A_83 = tpu.matmul %concatenate3A, %get3A_23, %dot_general3A {dimension_numbers = #tpu.dot_dimension_numbers<[1], [0], [0], [1], [0, 0, 1, 1], [], []>, transpose_lhs_hint = false} : vector<256x256xf32>, vector<256x128xf32>, vector<256x128xf32> -> vector<256x128xf32>
    %dot_general3A_84 = arith.constant dense<0.000000e+00> : vector<256x128xf32>
    %dot_general3A_85 = tpu.matmul %select_n3A, %get3A_26, %dot_general3A_84 {dimension_numbers = #tpu.dot_dimension_numbers<[1], [0], [0], [1], [0, 0, 1, 1], [], []>, transpose_lhs_hint = false} : vector<256x128xf32>, vector<128x128xf32>, vector<256x128xf32> -> vector<256x128xf32>
    %add3A_86 = arith.addf %dot_general3A_83, %dot_general3A_85 : vector<256x128xf32>
    %add3A_87 = vector.broadcast %get3A_29 : vector<1x128xf32> to vector<256x128xf32>
    %add3A_88 = arith.addf %add3A_86, %add3A_87 : vector<256x128xf32>
    %max3A = arith.constant 0.000000e+00 : f32
    %max3A_89 = vector.broadcast %max3A : f32 to vector<256x128xf32>
    %max3A_90 = arith.maximumf %add3A_88, %max3A_89 : vector<256x128xf32>
    %slice3A_91 = vector.extract_strided_slice %convert_element_type3A_7 {offsets = [0, 0], sizes = [256, 1], strides = [1, 1]} : vector<256x20xf32> to vector<256x1xf32>
    %mul3A_92 = vector.broadcast %slice3A_91 : vector<256x1xf32> to vector<256x128xf32>
    %mul3A_93 = arith.mulf %max3A_90, %mul3A_92 : vector<256x128xf32>
    %add3A_94 = arith.addf %broadcast_in_dim3A_30, %mul3A_93 : vector<256x128xf32>
    %get3A_95 = arith.constant 1 : index
    %get3A_96 = arith.constant 0 : index
    %get3A_97 = arith.constant 0 : index
    %get3A_98 = vector.load %arg1[%get3A_95, %get3A_96, %get3A_97] : memref<20x256x128xf32, #tpu.memory_space<vmem>>, vector<1x256x128xf32>
    %get3A_99 = vector.shape_cast %get3A_98 : vector<1x256x128xf32> to vector<256x128xf32>
    %get3A_100 = arith.constant 1 : index
    %get3A_101 = arith.constant 0 : index
    %get3A_102 = arith.constant 0 : index
    %get3A_103 = vector.load %arg2[%get3A_100, %get3A_101, %get3A_102] : memref<20x256x128xf32, #tpu.memory_space<vmem>>, vector<1x256x128xf32>
    %get3A_104 = vector.shape_cast %get3A_103 : vector<1x256x128xf32> to vector<256x128xf32>
    %slice3A_105 = vector.extract_strided_slice %get3A_1 {offsets = [0, 1], sizes = [256, 1], strides = [1, 1]} : vector<256x20xf32> to vector<256x1xf32>
    %mul3A_106 = vector.broadcast %slice3A_105 : vector<256x1xf32> to vector<256x128xf32>
    %mul3A_107 = vector.broadcast %get3A_17 : vector<1x128xf32> to vector<256x128xf32>
    %mul3A_108 = arith.mulf %mul3A_106, %mul3A_107 : vector<256x128xf32>
    %add3A_109 = vector.broadcast %get3A_20 : vector<1x128xf32> to vector<256x128xf32>
    %add3A_110 = arith.addf %mul3A_108, %add3A_109 : vector<256x128xf32>
    %mul3A_111 = arith.constant 0.159154937 : f32
    %mul3A_112 = vector.broadcast %mul3A_111 : f32 to vector<256x128xf32>
    %mul3A_113 = arith.mulf %add3A_110, %mul3A_112 : vector<256x128xf32>
    %add3A_114 = arith.constant 5.000000e-01 : f32
    %add3A_115 = vector.broadcast %add3A_114 : f32 to vector<256x128xf32>
    %add3A_116 = arith.addf %mul3A_113, %add3A_115 : vector<256x128xf32>
    %floor3A_117 = math.floor %add3A_116 : vector<256x128xf32>
    %mul3A_118 = arith.constant 6.28318548 : f32
    %mul3A_119 = vector.broadcast %mul3A_118 : f32 to vector<256x128xf32>
    %mul3A_120 = arith.mulf %floor3A_117, %mul3A_119 : vector<256x128xf32>
    %sub3A_121 = arith.subf %add3A_110, %mul3A_120 : vector<256x128xf32>
    %mul3A_122 = arith.mulf %sub3A_121, %sub3A_121 : vector<256x128xf32>
    %mul3A_123 = arith.constant 1.7245092E-9 : f32
    %mul3A_124 = vector.broadcast %mul3A_123 : f32 to vector<256x128xf32>
    %mul3A_125 = arith.mulf %mul3A_124, %mul3A_122 : vector<256x128xf32>
    %add3A_126 = arith.constant -2.70790309E-7 : f32
    %add3A_127 = vector.broadcast %add3A_126 : f32 to vector<256x128xf32>
    %add3A_128 = arith.addf %mul3A_125, %add3A_127 : vector<256x128xf32>
    %mul3A_129 = arith.mulf %add3A_128, %mul3A_122 : vector<256x128xf32>
    %add3A_130 = arith.constant 2.47698827E-5 : f32
    %add3A_131 = vector.broadcast %add3A_130 : f32 to vector<256x128xf32>
    %add3A_132 = arith.addf %mul3A_129, %add3A_131 : vector<256x128xf32>
    %mul3A_133 = arith.mulf %add3A_132, %mul3A_122 : vector<256x128xf32>
    %add3A_134 = arith.constant -0.00138878031 : f32
    %add3A_135 = vector.broadcast %add3A_134 : f32 to vector<256x128xf32>
    %add3A_136 = arith.addf %mul3A_133, %add3A_135 : vector<256x128xf32>
    %mul3A_137 = arith.mulf %add3A_136, %mul3A_122 : vector<256x128xf32>
    %add3A_138 = arith.constant 0.0416664891 : f32
    %add3A_139 = vector.broadcast %add3A_138 : f32 to vector<256x128xf32>
    %add3A_140 = arith.addf %mul3A_137, %add3A_139 : vector<256x128xf32>
    %mul3A_141 = arith.mulf %add3A_140, %mul3A_122 : vector<256x128xf32>
    %add3A_142 = arith.constant -0.499999881 : f32
    %add3A_143 = vector.broadcast %add3A_142 : f32 to vector<256x128xf32>
    %add3A_144 = arith.addf %mul3A_141, %add3A_143 : vector<256x128xf32>
    %mul3A_145 = arith.mulf %add3A_144, %mul3A_122 : vector<256x128xf32>
    %add3A_146 = arith.constant 1.000000e+00 : f32
    %add3A_147 = vector.broadcast %add3A_146 : f32 to vector<256x128xf32>
    %add3A_148 = arith.addf %mul3A_145, %add3A_147 : vector<256x128xf32>
    %concatenate3A_149 = tpu.concatenate %get3A_99, %add3A_148 in 1 : vector<256x128xf32>, vector<256x128xf32> -> vector<256x256xf32>
    %slice3A_150 = vector.extract_strided_slice %and3A_12 {offsets = [0, 1], sizes = [256, 1], strides = [1, 1]} : vector<256x20xi32> to vector<256x1xi32>
    %eq3A_151 = vector.broadcast %slice3A_150 : vector<256x1xi32> to vector<256x128xi32>
    %eq3A_152 = arith.cmpi eq, %shift_right_arithmetic3A_14, %eq3A_151 : vector<256x128xi32>
    %jit3A_153 = arith.constant 0.000000e+00 : f32
    %broadcast_in_dim3A_154 = vector.broadcast %jit3A_153 : f32 to vector<256x128xf32>
    %select_n3A_155 = arith.select %eq3A_152, %get3A_104, %broadcast_in_dim3A_154 : vector<256x128xi1>, vector<256x128xf32>
    %dot_general3A_156 = arith.constant dense<0.000000e+00> : vector<256x128xf32>
    %dot_general3A_157 = tpu.matmul %concatenate3A_149, %get3A_23, %dot_general3A_156 {dimension_numbers = #tpu.dot_dimension_numbers<[1], [0], [0], [1], [0, 0, 1, 1], [], []>, transpose_lhs_hint = false} : vector<256x256xf32>, vector<256x128xf32>, vector<256x128xf32> -> vector<256x128xf32>
    %dot_general3A_158 = arith.constant dense<0.000000e+00> : vector<256x128xf32>
    %dot_general3A_159 = tpu.matmul %select_n3A_155, %get3A_26, %dot_general3A_158 {dimension_numbers = #tpu.dot_dimension_numbers<[1], [0], [0], [1], [0, 0, 1, 1], [], []>, transpose_lhs_hint = false} : vector<256x128xf32>, vector<128x128xf32>, vector<256x128xf32> -> vector<256x128xf32>
    %add3A_160 = arith.addf %dot_general3A_157, %dot_general3A_159 : vector<256x128xf32>
    %add3A_161 = vector.broadcast %get3A_29 : vector<1x128xf32> to vector<256x128xf32>
    %add3A_162 = arith.addf %add3A_160, %add3A_161 : vector<256x128xf32>
    %max3A_163 = arith.constant 0.000000e+00 : f32
    %max3A_164 = vector.broadcast %max3A_163 : f32 to vector<256x128xf32>
    %max3A_165 = arith.maximumf %add3A_162, %max3A_164 : vector<256x128xf32>
    %slice3A_166 = vector.extract_strided_slice %convert_element_type3A_7 {offsets = [0, 1], sizes = [256, 1], strides = [1, 1]} : vector<256x20xf32> to vector<256x1xf32>
    %mul3A_167 = vector.broadcast %slice3A_166 : vector<256x1xf32> to vector<256x128xf32>
    %mul3A_168 = arith.mulf %max3A_165, %mul3A_167 : vector<256x128xf32>
    %add3A_169 = arith.addf %add3A_94, %mul3A_168 : vector<256x128xf32>
    %get3A_170 = arith.constant 2 : index
    %get3A_171 = arith.constant 0 : index
    %get3A_172 = arith.constant 0 : index
    %get3A_173 = vector.load %arg1[%get3A_170, %get3A_171, %get3A_172] : memref<20x256x128xf32, #tpu.memory_space<vmem>>, vector<1x256x128xf32>
    %get3A_174 = vector.shape_cast %get3A_173 : vector<1x256x128xf32> to vector<256x128xf32>
    %get3A_175 = arith.constant 2 : index
    %get3A_176 = arith.constant 0 : index
    %get3A_177 = arith.constant 0 : index
    %get3A_178 = vector.load %arg2[%get3A_175, %get3A_176, %get3A_177] : memref<20x256x128xf32, #tpu.memory_space<vmem>>, vector<1x256x128xf32>
    %get3A_179 = vector.shape_cast %get3A_178 : vector<1x256x128xf32> to vector<256x128xf32>
    %slice3A_180 = vector.extract_strided_slice %get3A_1 {offsets = [0, 2], sizes = [256, 1], strides = [1, 1]} : vector<256x20xf32> to vector<256x1xf32>
    %mul3A_181 = vector.broadcast %slice3A_180 : vector<256x1xf32> to vector<256x128xf32>
    %mul3A_182 = vector.broadcast %get3A_17 : vector<1x128xf32> to vector<256x128xf32>
    %mul3A_183 = arith.mulf %mul3A_181, %mul3A_182 : vector<256x128xf32>
    %add3A_184 = vector.broadcast %get3A_20 : vector<1x128xf32> to vector<256x128xf32>
    %add3A_185 = arith.addf %mul3A_183, %add3A_184 : vector<256x128xf32>
    %mul3A_186 = arith.constant 0.159154937 : f32
    %mul3A_187 = vector.broadcast %mul3A_186 : f32 to vector<256x128xf32>
    %mul3A_188 = arith.mulf %add3A_185, %mul3A_187 : vector<256x128xf32>
    %add3A_189 = arith.constant 5.000000e-01 : f32
    %add3A_190 = vector.broadcast %add3A_189 : f32 to vector<256x128xf32>
    %add3A_191 = arith.addf %mul3A_188, %add3A_190 : vector<256x128xf32>
    %floor3A_192 = math.floor %add3A_191 : vector<256x128xf32>
    %mul3A_193 = arith.constant 6.28318548 : f32
    %mul3A_194 = vector.broadcast %mul3A_193 : f32 to vector<256x128xf32>
    %mul3A_195 = arith.mulf %floor3A_192, %mul3A_194 : vector<256x128xf32>
    %sub3A_196 = arith.subf %add3A_185, %mul3A_195 : vector<256x128xf32>
    %mul3A_197 = arith.mulf %sub3A_196, %sub3A_196 : vector<256x128xf32>
    %mul3A_198 = arith.constant 1.7245092E-9 : f32
    %mul3A_199 = vector.broadcast %mul3A_198 : f32 to vector<256x128xf32>
    %mul3A_200 = arith.mulf %mul3A_199, %mul3A_197 : vector<256x128xf32>
    %add3A_201 = arith.constant -2.70790309E-7 : f32
    %add3A_202 = vector.broadcast %add3A_201 : f32 to vector<256x128xf32>
    %add3A_203 = arith.addf %mul3A_200, %add3A_202 : vector<256x128xf32>
    %mul3A_204 = arith.mulf %add3A_203, %mul3A_197 : vector<256x128xf32>
    %add3A_205 = arith.constant 2.47698827E-5 : f32
    %add3A_206 = vector.broadcast %add3A_205 : f32 to vector<256x128xf32>
    %add3A_207 = arith.addf %mul3A_204, %add3A_206 : vector<256x128xf32>
    %mul3A_208 = arith.mulf %add3A_207, %mul3A_197 : vector<256x128xf32>
    %add3A_209 = arith.constant -0.00138878031 : f32
    %add3A_210 = vector.broadcast %add3A_209 : f32 to vector<256x128xf32>
    %add3A_211 = arith.addf %mul3A_208, %add3A_210 : vector<256x128xf32>
    %mul3A_212 = arith.mulf %add3A_211, %mul3A_197 : vector<256x128xf32>
    %add3A_213 = arith.constant 0.0416664891 : f32
    %add3A_214 = vector.broadcast %add3A_213 : f32 to vector<256x128xf32>
    %add3A_215 = arith.addf %mul3A_212, %add3A_214 : vector<256x128xf32>
    %mul3A_216 = arith.mulf %add3A_215, %mul3A_197 : vector<256x128xf32>
    %add3A_217 = arith.constant -0.499999881 : f32
    %add3A_218 = vector.broadcast %add3A_217 : f32 to vector<256x128xf32>
    %add3A_219 = arith.addf %mul3A_216, %add3A_218 : vector<256x128xf32>
    %mul3A_220 = arith.mulf %add3A_219, %mul3A_197 : vector<256x128xf32>
    %add3A_221 = arith.constant 1.000000e+00 : f32
    %add3A_222 = vector.broadcast %add3A_221 : f32 to vector<256x128xf32>
    %add3A_223 = arith.addf %mul3A_220, %add3A_222 : vector<256x128xf32>
    %concatenate3A_224 = tpu.concatenate %get3A_174, %add3A_223 in 1 : vector<256x128xf32>, vector<256x128xf32> -> vector<256x256xf32>
    %slice3A_225 = vector.extract_strided_slice %and3A_12 {offsets = [0, 2], sizes = [256, 1], strides = [1, 1]} : vector<256x20xi32> to vector<256x1xi32>
    %eq3A_226 = vector.broadcast %slice3A_225 : vector<256x1xi32> to vector<256x128xi32>
    %eq3A_227 = arith.cmpi eq, %shift_right_arithmetic3A_14, %eq3A_226 : vector<256x128xi32>
    %jit3A_228 = arith.constant 0.000000e+00 : f32
    %broadcast_in_dim3A_229 = vector.broadcast %jit3A_228 : f32 to vector<256x128xf32>
    %select_n3A_230 = arith.select %eq3A_227, %get3A_179, %broadcast_in_dim3A_229 : vector<256x128xi1>, vector<256x128xf32>
    %dot_general3A_231 = arith.constant dense<0.000000e+00> : vector<256x128xf32>
    %dot_general3A_232 = tpu.matmul %concatenate3A_224, %get3A_23, %dot_general3A_231 {dimension_numbers = #tpu.dot_dimension_numbers<[1], [0], [0], [1], [0, 0, 1, 1], [], []>, transpose_lhs_hint = false} : vector<256x256xf32>, vector<256x128xf32>, vector<256x128xf32> -> vector<256x128xf32>
    %dot_general3A_233 = arith.constant dense<0.000000e+00> : vector<256x128xf32>
    %dot_general3A_234 = tpu.matmul %select_n3A_230, %get3A_26, %dot_general3A_233 {dimension_numbers = #tpu.dot_dimension_numbers<[1], [0], [0], [1], [0, 0, 1, 1], [], []>, transpose_lhs_hint = false} : vector<256x128xf32>, vector<128x128xf32>, vector<256x128xf32> -> vector<256x128xf32>
    %add3A_235 = arith.addf %dot_general3A_232, %dot_general3A_234 : vector<256x128xf32>
    %add3A_236 = vector.broadcast %get3A_29 : vector<1x128xf32> to vector<256x128xf32>
    %add3A_237 = arith.addf %add3A_235, %add3A_236 : vector<256x128xf32>
    %max3A_238 = arith.constant 0.000000e+00 : f32
    %max3A_239 = vector.broadcast %max3A_238 : f32 to vector<256x128xf32>
    %max3A_240 = arith.maximumf %add3A_237, %max3A_239 : vector<256x128xf32>
    %slice3A_241 = vector.extract_strided_slice %convert_element_type3A_7 {offsets = [0, 2], sizes = [256, 1], strides = [1, 1]} : vector<256x20xf32> to vector<256x1xf32>
    %mul3A_242 = vector.broadcast %slice3A_241 : vector<256x1xf32> to vector<256x128xf32>
    %mul3A_243 = arith.mulf %max3A_240, %mul3A_242 : vector<256x128xf32>
    %add3A_244 = arith.addf %add3A_169, %mul3A_243 : vector<256x128xf32>
    %get3A_245 = arith.constant 3 : index
    %get3A_246 = arith.constant 0 : index
    %get3A_247 = arith.constant 0 : index
    %get3A_248 = vector.load %arg1[%get3A_245, %get3A_246, %get3A_247] : memref<20x256x128xf32, #tpu.memory_space<vmem>>, vector<1x256x128xf32>
    %get3A_249 = vector.shape_cast %get3A_248 : vector<1x256x128xf32> to vector<256x128xf32>
    %get3A_250 = arith.constant 3 : index
    %get3A_251 = arith.constant 0 : index
    %get3A_252 = arith.constant 0 : index
    %get3A_253 = vector.load %arg2[%get3A_250, %get3A_251, %get3A_252] : memref<20x256x128xf32, #tpu.memory_space<vmem>>, vector<1x256x128xf32>
    %get3A_254 = vector.shape_cast %get3A_253 : vector<1x256x128xf32> to vector<256x128xf32>
    %slice3A_255 = vector.extract_strided_slice %get3A_1 {offsets = [0, 3], sizes = [256, 1], strides = [1, 1]} : vector<256x20xf32> to vector<256x1xf32>
    %mul3A_256 = vector.broadcast %slice3A_255 : vector<256x1xf32> to vector<256x128xf32>
    %mul3A_257 = vector.broadcast %get3A_17 : vector<1x128xf32> to vector<256x128xf32>
    %mul3A_258 = arith.mulf %mul3A_256, %mul3A_257 : vector<256x128xf32>
    %add3A_259 = vector.broadcast %get3A_20 : vector<1x128xf32> to vector<256x128xf32>
    %add3A_260 = arith.addf %mul3A_258, %add3A_259 : vector<256x128xf32>
    %mul3A_261 = arith.constant 0.159154937 : f32
    %mul3A_262 = vector.broadcast %mul3A_261 : f32 to vector<256x128xf32>
    %mul3A_263 = arith.mulf %add3A_260, %mul3A_262 : vector<256x128xf32>
    %add3A_264 = arith.constant 5.000000e-01 : f32
    %add3A_265 = vector.broadcast %add3A_264 : f32 to vector<256x128xf32>
    %add3A_266 = arith.addf %mul3A_263, %add3A_265 : vector<256x128xf32>
    %floor3A_267 = math.floor %add3A_266 : vector<256x128xf32>
    %mul3A_268 = arith.constant 6.28318548 : f32
    %mul3A_269 = vector.broadcast %mul3A_268 : f32 to vector<256x128xf32>
    %mul3A_270 = arith.mulf %floor3A_267, %mul3A_269 : vector<256x128xf32>
    %sub3A_271 = arith.subf %add3A_260, %mul3A_270 : vector<256x128xf32>
    %mul3A_272 = arith.mulf %sub3A_271, %sub3A_271 : vector<256x128xf32>
    %mul3A_273 = arith.constant 1.7245092E-9 : f32
    %mul3A_274 = vector.broadcast %mul3A_273 : f32 to vector<256x128xf32>
    %mul3A_275 = arith.mulf %mul3A_274, %mul3A_272 : vector<256x128xf32>
    %add3A_276 = arith.constant -2.70790309E-7 : f32
    %add3A_277 = vector.broadcast %add3A_276 : f32 to vector<256x128xf32>
    %add3A_278 = arith.addf %mul3A_275, %add3A_277 : vector<256x128xf32>
    %mul3A_279 = arith.mulf %add3A_278, %mul3A_272 : vector<256x128xf32>
    %add3A_280 = arith.constant 2.47698827E-5 : f32
    %add3A_281 = vector.broadcast %add3A_280 : f32 to vector<256x128xf32>
    %add3A_282 = arith.addf %mul3A_279, %add3A_281 : vector<256x128xf32>
    %mul3A_283 = arith.mulf %add3A_282, %mul3A_272 : vector<256x128xf32>
    %add3A_284 = arith.constant -0.00138878031 : f32
    %add3A_285 = vector.broadcast %add3A_284 : f32 to vector<256x128xf32>
    %add3A_286 = arith.addf %mul3A_283, %add3A_285 : vector<256x128xf32>
    %mul3A_287 = arith.mulf %add3A_286, %mul3A_272 : vector<256x128xf32>
    %add3A_288 = arith.constant 0.0416664891 : f32
    %add3A_289 = vector.broadcast %add3A_288 : f32 to vector<256x128xf32>
    %add3A_290 = arith.addf %mul3A_287, %add3A_289 : vector<256x128xf32>
    %mul3A_291 = arith.mulf %add3A_290, %mul3A_272 : vector<256x128xf32>
    %add3A_292 = arith.constant -0.499999881 : f32
    %add3A_293 = vector.broadcast %add3A_292 : f32 to vector<256x128xf32>
    %add3A_294 = arith.addf %mul3A_291, %add3A_293 : vector<256x128xf32>
    %mul3A_295 = arith.mulf %add3A_294, %mul3A_272 : vector<256x128xf32>
    %add3A_296 = arith.constant 1.000000e+00 : f32
    %add3A_297 = vector.broadcast %add3A_296 : f32 to vector<256x128xf32>
    %add3A_298 = arith.addf %mul3A_295, %add3A_297 : vector<256x128xf32>
    %concatenate3A_299 = tpu.concatenate %get3A_249, %add3A_298 in 1 : vector<256x128xf32>, vector<256x128xf32> -> vector<256x256xf32>
    %slice3A_300 = vector.extract_strided_slice %and3A_12 {offsets = [0, 3], sizes = [256, 1], strides = [1, 1]} : vector<256x20xi32> to vector<256x1xi32>
    %eq3A_301 = vector.broadcast %slice3A_300 : vector<256x1xi32> to vector<256x128xi32>
    %eq3A_302 = arith.cmpi eq, %shift_right_arithmetic3A_14, %eq3A_301 : vector<256x128xi32>
    %jit3A_303 = arith.constant 0.000000e+00 : f32
    %broadcast_in_dim3A_304 = vector.broadcast %jit3A_303 : f32 to vector<256x128xf32>
    %select_n3A_305 = arith.select %eq3A_302, %get3A_254, %broadcast_in_dim3A_304 : vector<256x128xi1>, vector<256x128xf32>
    %dot_general3A_306 = arith.constant dense<0.000000e+00> : vector<256x128xf32>
    %dot_general3A_307 = tpu.matmul %concatenate3A_299, %get3A_23, %dot_general3A_306 {dimension_numbers = #tpu.dot_dimension_numbers<[1], [0], [0], [1], [0, 0, 1, 1], [], []>, transpose_lhs_hint = false} : vector<256x256xf32>, vector<256x128xf32>, vector<256x128xf32> -> vector<256x128xf32>
    %dot_general3A_308 = arith.constant dense<0.000000e+00> : vector<256x128xf32>
    %dot_general3A_309 = tpu.matmul %select_n3A_305, %get3A_26, %dot_general3A_308 {dimension_numbers = #tpu.dot_dimension_numbers<[1], [0], [0], [1], [0, 0, 1, 1], [], []>, transpose_lhs_hint = false} : vector<256x128xf32>, vector<128x128xf32>, vector<256x128xf32> -> vector<256x128xf32>
    %add3A_310 = arith.addf %dot_general3A_307, %dot_general3A_309 : vector<256x128xf32>
    %add3A_311 = vector.broadcast %get3A_29 : vector<1x128xf32> to vector<256x128xf32>
    %add3A_312 = arith.addf %add3A_310, %add3A_311 : vector<256x128xf32>
    %max3A_313 = arith.constant 0.000000e+00 : f32
    %max3A_314 = vector.broadcast %max3A_313 : f32 to vector<256x128xf32>
    %max3A_315 = arith.maximumf %add3A_312, %max3A_314 : vector<256x128xf32>
    %slice3A_316 = vector.extract_strided_slice %convert_element_type3A_7 {offsets = [0, 3], sizes = [256, 1], strides = [1, 1]} : vector<256x20xf32> to vector<256x1xf32>
    %mul3A_317 = vector.broadcast %slice3A_316 : vector<256x1xf32> to vector<256x128xf32>
    %mul3A_318 = arith.mulf %max3A_315, %mul3A_317 : vector<256x128xf32>
    %add3A_319 = arith.addf %add3A_244, %mul3A_318 : vector<256x128xf32>
    %get3A_320 = arith.constant 4 : index
    %get3A_321 = arith.constant 0 : index
    %get3A_322 = arith.constant 0 : index
    %get3A_323 = vector.load %arg1[%get3A_320, %get3A_321, %get3A_322] : memref<20x256x128xf32, #tpu.memory_space<vmem>>, vector<1x256x128xf32>
    %get3A_324 = vector.shape_cast %get3A_323 : vector<1x256x128xf32> to vector<256x128xf32>
    %get3A_325 = arith.constant 4 : index
    %get3A_326 = arith.constant 0 : index
    %get3A_327 = arith.constant 0 : index
    %get3A_328 = vector.load %arg2[%get3A_325, %get3A_326, %get3A_327] : memref<20x256x128xf32, #tpu.memory_space<vmem>>, vector<1x256x128xf32>
    %get3A_329 = vector.shape_cast %get3A_328 : vector<1x256x128xf32> to vector<256x128xf32>
    %slice3A_330 = vector.extract_strided_slice %get3A_1 {offsets = [0, 4], sizes = [256, 1], strides = [1, 1]} : vector<256x20xf32> to vector<256x1xf32>
    %mul3A_331 = vector.broadcast %slice3A_330 : vector<256x1xf32> to vector<256x128xf32>
    %mul3A_332 = vector.broadcast %get3A_17 : vector<1x128xf32> to vector<256x128xf32>
    %mul3A_333 = arith.mulf %mul3A_331, %mul3A_332 : vector<256x128xf32>
    %add3A_334 = vector.broadcast %get3A_20 : vector<1x128xf32> to vector<256x128xf32>
    %add3A_335 = arith.addf %mul3A_333, %add3A_334 : vector<256x128xf32>
    %mul3A_336 = arith.constant 0.159154937 : f32
    %mul3A_337 = vector.broadcast %mul3A_336 : f32 to vector<256x128xf32>
    %mul3A_338 = arith.mulf %add3A_335, %mul3A_337 : vector<256x128xf32>
    %add3A_339 = arith.constant 5.000000e-01 : f32
    %add3A_340 = vector.broadcast %add3A_339 : f32 to vector<256x128xf32>
    %add3A_341 = arith.addf %mul3A_338, %add3A_340 : vector<256x128xf32>
    %floor3A_342 = math.floor %add3A_341 : vector<256x128xf32>
    %mul3A_343 = arith.constant 6.28318548 : f32
    %mul3A_344 = vector.broadcast %mul3A_343 : f32 to vector<256x128xf32>
    %mul3A_345 = arith.mulf %floor3A_342, %mul3A_344 : vector<256x128xf32>
    %sub3A_346 = arith.subf %add3A_335, %mul3A_345 : vector<256x128xf32>
    %mul3A_347 = arith.mulf %sub3A_346, %sub3A_346 : vector<256x128xf32>
    %mul3A_348 = arith.constant 1.7245092E-9 : f32
    %mul3A_349 = vector.broadcast %mul3A_348 : f32 to vector<256x128xf32>
    %mul3A_350 = arith.mulf %mul3A_349, %mul3A_347 : vector<256x128xf32>
    %add3A_351 = arith.constant -2.70790309E-7 : f32
    %add3A_352 = vector.broadcast %add3A_351 : f32 to vector<256x128xf32>
    %add3A_353 = arith.addf %mul3A_350, %add3A_352 : vector<256x128xf32>
    %mul3A_354 = arith.mulf %add3A_353, %mul3A_347 : vector<256x128xf32>
    %add3A_355 = arith.constant 2.47698827E-5 : f32
    %add3A_356 = vector.broadcast %add3A_355 : f32 to vector<256x128xf32>
    %add3A_357 = arith.addf %mul3A_354, %add3A_356 : vector<256x128xf32>
    %mul3A_358 = arith.mulf %add3A_357, %mul3A_347 : vector<256x128xf32>
    %add3A_359 = arith.constant -0.00138878031 : f32
    %add3A_360 = vector.broadcast %add3A_359 : f32 to vector<256x128xf32>
    %add3A_361 = arith.addf %mul3A_358, %add3A_360 : vector<256x128xf32>
    %mul3A_362 = arith.mulf %add3A_361, %mul3A_347 : vector<256x128xf32>
    %add3A_363 = arith.constant 0.0416664891 : f32
    %add3A_364 = vector.broadcast %add3A_363 : f32 to vector<256x128xf32>
    %add3A_365 = arith.addf %mul3A_362, %add3A_364 : vector<256x128xf32>
    %mul3A_366 = arith.mulf %add3A_365, %mul3A_347 : vector<256x128xf32>
    %add3A_367 = arith.constant -0.499999881 : f32
    %add3A_368 = vector.broadcast %add3A_367 : f32 to vector<256x128xf32>
    %add3A_369 = arith.addf %mul3A_366, %add3A_368 : vector<256x128xf32>
    %mul3A_370 = arith.mulf %add3A_369, %mul3A_347 : vector<256x128xf32>
    %add3A_371 = arith.constant 1.000000e+00 : f32
    %add3A_372 = vector.broadcast %add3A_371 : f32 to vector<256x128xf32>
    %add3A_373 = arith.addf %mul3A_370, %add3A_372 : vector<256x128xf32>
    %concatenate3A_374 = tpu.concatenate %get3A_324, %add3A_373 in 1 : vector<256x128xf32>, vector<256x128xf32> -> vector<256x256xf32>
    %slice3A_375 = vector.extract_strided_slice %and3A_12 {offsets = [0, 4], sizes = [256, 1], strides = [1, 1]} : vector<256x20xi32> to vector<256x1xi32>
    %eq3A_376 = vector.broadcast %slice3A_375 : vector<256x1xi32> to vector<256x128xi32>
    %eq3A_377 = arith.cmpi eq, %shift_right_arithmetic3A_14, %eq3A_376 : vector<256x128xi32>
    %jit3A_378 = arith.constant 0.000000e+00 : f32
    %broadcast_in_dim3A_379 = vector.broadcast %jit3A_378 : f32 to vector<256x128xf32>
    %select_n3A_380 = arith.select %eq3A_377, %get3A_329, %broadcast_in_dim3A_379 : vector<256x128xi1>, vector<256x128xf32>
    %dot_general3A_381 = arith.constant dense<0.000000e+00> : vector<256x128xf32>
    %dot_general3A_382 = tpu.matmul %concatenate3A_374, %get3A_23, %dot_general3A_381 {dimension_numbers = #tpu.dot_dimension_numbers<[1], [0], [0], [1], [0, 0, 1, 1], [], []>, transpose_lhs_hint = false} : vector<256x256xf32>, vector<256x128xf32>, vector<256x128xf32> -> vector<256x128xf32>
    %dot_general3A_383 = arith.constant dense<0.000000e+00> : vector<256x128xf32>
    %dot_general3A_384 = tpu.matmul %select_n3A_380, %get3A_26, %dot_general3A_383 {dimension_numbers = #tpu.dot_dimension_numbers<[1], [0], [0], [1], [0, 0, 1, 1], [], []>, transpose_lhs_hint = false} : vector<256x128xf32>, vector<128x128xf32>, vector<256x128xf32> -> vector<256x128xf32>
    %add3A_385 = arith.addf %dot_general3A_382, %dot_general3A_384 : vector<256x128xf32>
    %add3A_386 = vector.broadcast %get3A_29 : vector<1x128xf32> to vector<256x128xf32>
    %add3A_387 = arith.addf %add3A_385, %add3A_386 : vector<256x128xf32>
    %max3A_388 = arith.constant 0.000000e+00 : f32
    %max3A_389 = vector.broadcast %max3A_388 : f32 to vector<256x128xf32>
    %max3A_390 = arith.maximumf %add3A_387, %max3A_389 : vector<256x128xf32>
    %slice3A_391 = vector.extract_strided_slice %convert_element_type3A_7 {offsets = [0, 4], sizes = [256, 1], strides = [1, 1]} : vector<256x20xf32> to vector<256x1xf32>
    %mul3A_392 = vector.broadcast %slice3A_391 : vector<256x1xf32> to vector<256x128xf32>
    %mul3A_393 = arith.mulf %max3A_390, %mul3A_392 : vector<256x128xf32>
    %add3A_394 = arith.addf %add3A_319, %mul3A_393 : vector<256x128xf32>
    %get3A_395 = arith.constant 5 : index
    %get3A_396 = arith.constant 0 : index
    %get3A_397 = arith.constant 0 : index
    %get3A_398 = vector.load %arg1[%get3A_395, %get3A_396, %get3A_397] : memref<20x256x128xf32, #tpu.memory_space<vmem>>, vector<1x256x128xf32>
    %get3A_399 = vector.shape_cast %get3A_398 : vector<1x256x128xf32> to vector<256x128xf32>
    %get3A_400 = arith.constant 5 : index
    %get3A_401 = arith.constant 0 : index
    %get3A_402 = arith.constant 0 : index
    %get3A_403 = vector.load %arg2[%get3A_400, %get3A_401, %get3A_402] : memref<20x256x128xf32, #tpu.memory_space<vmem>>, vector<1x256x128xf32>
    %get3A_404 = vector.shape_cast %get3A_403 : vector<1x256x128xf32> to vector<256x128xf32>
    %slice3A_405 = vector.extract_strided_slice %get3A_1 {offsets = [0, 5], sizes = [256, 1], strides = [1, 1]} : vector<256x20xf32> to vector<256x1xf32>
    %mul3A_406 = vector.broadcast %slice3A_405 : vector<256x1xf32> to vector<256x128xf32>
    %mul3A_407 = vector.broadcast %get3A_17 : vector<1x128xf32> to vector<256x128xf32>
    %mul3A_408 = arith.mulf %mul3A_406, %mul3A_407 : vector<256x128xf32>
    %add3A_409 = vector.broadcast %get3A_20 : vector<1x128xf32> to vector<256x128xf32>
    %add3A_410 = arith.addf %mul3A_408, %add3A_409 : vector<256x128xf32>
    %mul3A_411 = arith.constant 0.159154937 : f32
    %mul3A_412 = vector.broadcast %mul3A_411 : f32 to vector<256x128xf32>
    %mul3A_413 = arith.mulf %add3A_410, %mul3A_412 : vector<256x128xf32>
    %add3A_414 = arith.constant 5.000000e-01 : f32
    %add3A_415 = vector.broadcast %add3A_414 : f32 to vector<256x128xf32>
    %add3A_416 = arith.addf %mul3A_413, %add3A_415 : vector<256x128xf32>
    %floor3A_417 = math.floor %add3A_416 : vector<256x128xf32>
    %mul3A_418 = arith.constant 6.28318548 : f32
    %mul3A_419 = vector.broadcast %mul3A_418 : f32 to vector<256x128xf32>
    %mul3A_420 = arith.mulf %floor3A_417, %mul3A_419 : vector<256x128xf32>
    %sub3A_421 = arith.subf %add3A_410, %mul3A_420 : vector<256x128xf32>
    %mul3A_422 = arith.mulf %sub3A_421, %sub3A_421 : vector<256x128xf32>
    %mul3A_423 = arith.constant 1.7245092E-9 : f32
    %mul3A_424 = vector.broadcast %mul3A_423 : f32 to vector<256x128xf32>
    %mul3A_425 = arith.mulf %mul3A_424, %mul3A_422 : vector<256x128xf32>
    %add3A_426 = arith.constant -2.70790309E-7 : f32
    %add3A_427 = vector.broadcast %add3A_426 : f32 to vector<256x128xf32>
    %add3A_428 = arith.addf %mul3A_425, %add3A_427 : vector<256x128xf32>
    %mul3A_429 = arith.mulf %add3A_428, %mul3A_422 : vector<256x128xf32>
    %add3A_430 = arith.constant 2.47698827E-5 : f32
    %add3A_431 = vector.broadcast %add3A_430 : f32 to vector<256x128xf32>
    %add3A_432 = arith.addf %mul3A_429, %add3A_431 : vector<256x128xf32>
    %mul3A_433 = arith.mulf %add3A_432, %mul3A_422 : vector<256x128xf32>
    %add3A_434 = arith.constant -0.00138878031 : f32
    %add3A_435 = vector.broadcast %add3A_434 : f32 to vector<256x128xf32>
    %add3A_436 = arith.addf %mul3A_433, %add3A_435 : vector<256x128xf32>
    %mul3A_437 = arith.mulf %add3A_436, %mul3A_422 : vector<256x128xf32>
    %add3A_438 = arith.constant 0.0416664891 : f32
    %add3A_439 = vector.broadcast %add3A_438 : f32 to vector<256x128xf32>
    %add3A_440 = arith.addf %mul3A_437, %add3A_439 : vector<256x128xf32>
    %mul3A_441 = arith.mulf %add3A_440, %mul3A_422 : vector<256x128xf32>
    %add3A_442 = arith.constant -0.499999881 : f32
    %add3A_443 = vector.broadcast %add3A_442 : f32 to vector<256x128xf32>
    %add3A_444 = arith.addf %mul3A_441, %add3A_443 : vector<256x128xf32>
    %mul3A_445 = arith.mulf %add3A_444, %mul3A_422 : vector<256x128xf32>
    %add3A_446 = arith.constant 1.000000e+00 : f32
    %add3A_447 = vector.broadcast %add3A_446 : f32 to vector<256x128xf32>
    %add3A_448 = arith.addf %mul3A_445, %add3A_447 : vector<256x128xf32>
    %concatenate3A_449 = tpu.concatenate %get3A_399, %add3A_448 in 1 : vector<256x128xf32>, vector<256x128xf32> -> vector<256x256xf32>
    %slice3A_450 = vector.extract_strided_slice %and3A_12 {offsets = [0, 5], sizes = [256, 1], strides = [1, 1]} : vector<256x20xi32> to vector<256x1xi32>
    %eq3A_451 = vector.broadcast %slice3A_450 : vector<256x1xi32> to vector<256x128xi32>
    %eq3A_452 = arith.cmpi eq, %shift_right_arithmetic3A_14, %eq3A_451 : vector<256x128xi32>
    %jit3A_453 = arith.constant 0.000000e+00 : f32
    %broadcast_in_dim3A_454 = vector.broadcast %jit3A_453 : f32 to vector<256x128xf32>
    %select_n3A_455 = arith.select %eq3A_452, %get3A_404, %broadcast_in_dim3A_454 : vector<256x128xi1>, vector<256x128xf32>
    %dot_general3A_456 = arith.constant dense<0.000000e+00> : vector<256x128xf32>
    %dot_general3A_457 = tpu.matmul %concatenate3A_449, %get3A_23, %dot_general3A_456 {dimension_numbers = #tpu.dot_dimension_numbers<[1], [0], [0], [1], [0, 0, 1, 1], [], []>, transpose_lhs_hint = false} : vector<256x256xf32>, vector<256x128xf32>, vector<256x128xf32> -> vector<256x128xf32>
    %dot_general3A_458 = arith.constant dense<0.000000e+00> : vector<256x128xf32>
    %dot_general3A_459 = tpu.matmul %select_n3A_455, %get3A_26, %dot_general3A_458 {dimension_numbers = #tpu.dot_dimension_numbers<[1], [0], [0], [1], [0, 0, 1, 1], [], []>, transpose_lhs_hint = false} : vector<256x128xf32>, vector<128x128xf32>, vector<256x128xf32> -> vector<256x128xf32>
    %add3A_460 = arith.addf %dot_general3A_457, %dot_general3A_459 : vector<256x128xf32>
    %add3A_461 = vector.broadcast %get3A_29 : vector<1x128xf32> to vector<256x128xf32>
    %add3A_462 = arith.addf %add3A_460, %add3A_461 : vector<256x128xf32>
    %max3A_463 = arith.constant 0.000000e+00 : f32
    %max3A_464 = vector.broadcast %max3A_463 : f32 to vector<256x128xf32>
    %max3A_465 = arith.maximumf %add3A_462, %max3A_464 : vector<256x128xf32>
    %slice3A_466 = vector.extract_strided_slice %convert_element_type3A_7 {offsets = [0, 5], sizes = [256, 1], strides = [1, 1]} : vector<256x20xf32> to vector<256x1xf32>
    %mul3A_467 = vector.broadcast %slice3A_466 : vector<256x1xf32> to vector<256x128xf32>
    %mul3A_468 = arith.mulf %max3A_465, %mul3A_467 : vector<256x128xf32>
    %add3A_469 = arith.addf %add3A_394, %mul3A_468 : vector<256x128xf32>
    %get3A_470 = arith.constant 6 : index
    %get3A_471 = arith.constant 0 : index
    %get3A_472 = arith.constant 0 : index
    %get3A_473 = vector.load %arg1[%get3A_470, %get3A_471, %get3A_472] : memref<20x256x128xf32, #tpu.memory_space<vmem>>, vector<1x256x128xf32>
    %get3A_474 = vector.shape_cast %get3A_473 : vector<1x256x128xf32> to vector<256x128xf32>
    %get3A_475 = arith.constant 6 : index
    %get3A_476 = arith.constant 0 : index
    %get3A_477 = arith.constant 0 : index
    %get3A_478 = vector.load %arg2[%get3A_475, %get3A_476, %get3A_477] : memref<20x256x128xf32, #tpu.memory_space<vmem>>, vector<1x256x128xf32>
    %get3A_479 = vector.shape_cast %get3A_478 : vector<1x256x128xf32> to vector<256x128xf32>
    %slice3A_480 = vector.extract_strided_slice %get3A_1 {offsets = [0, 6], sizes = [256, 1], strides = [1, 1]} : vector<256x20xf32> to vector<256x1xf32>
    %mul3A_481 = vector.broadcast %slice3A_480 : vector<256x1xf32> to vector<256x128xf32>
    %mul3A_482 = vector.broadcast %get3A_17 : vector<1x128xf32> to vector<256x128xf32>
    %mul3A_483 = arith.mulf %mul3A_481, %mul3A_482 : vector<256x128xf32>
    %add3A_484 = vector.broadcast %get3A_20 : vector<1x128xf32> to vector<256x128xf32>
    %add3A_485 = arith.addf %mul3A_483, %add3A_484 : vector<256x128xf32>
    %mul3A_486 = arith.constant 0.159154937 : f32
    %mul3A_487 = vector.broadcast %mul3A_486 : f32 to vector<256x128xf32>
    %mul3A_488 = arith.mulf %add3A_485, %mul3A_487 : vector<256x128xf32>
    %add3A_489 = arith.constant 5.000000e-01 : f32
    %add3A_490 = vector.broadcast %add3A_489 : f32 to vector<256x128xf32>
    %add3A_491 = arith.addf %mul3A_488, %add3A_490 : vector<256x128xf32>
    %floor3A_492 = math.floor %add3A_491 : vector<256x128xf32>
    %mul3A_493 = arith.constant 6.28318548 : f32
    %mul3A_494 = vector.broadcast %mul3A_493 : f32 to vector<256x128xf32>
    %mul3A_495 = arith.mulf %floor3A_492, %mul3A_494 : vector<256x128xf32>
    %sub3A_496 = arith.subf %add3A_485, %mul3A_495 : vector<256x128xf32>
    %mul3A_497 = arith.mulf %sub3A_496, %sub3A_496 : vector<256x128xf32>
    %mul3A_498 = arith.constant 1.7245092E-9 : f32
    %mul3A_499 = vector.broadcast %mul3A_498 : f32 to vector<256x128xf32>
    %mul3A_500 = arith.mulf %mul3A_499, %mul3A_497 : vector<256x128xf32>
    %add3A_501 = arith.constant -2.70790309E-7 : f32
    %add3A_502 = vector.broadcast %add3A_501 : f32 to vector<256x128xf32>
    %add3A_503 = arith.addf %mul3A_500, %add3A_502 : vector<256x128xf32>
    %mul3A_504 = arith.mulf %add3A_503, %mul3A_497 : vector<256x128xf32>
    %add3A_505 = arith.constant 2.47698827E-5 : f32
    %add3A_506 = vector.broadcast %add3A_505 : f32 to vector<256x128xf32>
    %add3A_507 = arith.addf %mul3A_504, %add3A_506 : vector<256x128xf32>
    %mul3A_508 = arith.mulf %add3A_507, %mul3A_497 : vector<256x128xf32>
    %add3A_509 = arith.constant -0.00138878031 : f32
    %add3A_510 = vector.broadcast %add3A_509 : f32 to vector<256x128xf32>
    %add3A_511 = arith.addf %mul3A_508, %add3A_510 : vector<256x128xf32>
    %mul3A_512 = arith.mulf %add3A_511, %mul3A_497 : vector<256x128xf32>
    %add3A_513 = arith.constant 0.0416664891 : f32
    %add3A_514 = vector.broadcast %add3A_513 : f32 to vector<256x128xf32>
    %add3A_515 = arith.addf %mul3A_512, %add3A_514 : vector<256x128xf32>
    %mul3A_516 = arith.mulf %add3A_515, %mul3A_497 : vector<256x128xf32>
    %add3A_517 = arith.constant -0.499999881 : f32
    %add3A_518 = vector.broadcast %add3A_517 : f32 to vector<256x128xf32>
    %add3A_519 = arith.addf %mul3A_516, %add3A_518 : vector<256x128xf32>
    %mul3A_520 = arith.mulf %add3A_519, %mul3A_497 : vector<256x128xf32>
    %add3A_521 = arith.constant 1.000000e+00 : f32
    %add3A_522 = vector.broadcast %add3A_521 : f32 to vector<256x128xf32>
    %add3A_523 = arith.addf %mul3A_520, %add3A_522 : vector<256x128xf32>
    %concatenate3A_524 = tpu.concatenate %get3A_474, %add3A_523 in 1 : vector<256x128xf32>, vector<256x128xf32> -> vector<256x256xf32>
    %slice3A_525 = vector.extract_strided_slice %and3A_12 {offsets = [0, 6], sizes = [256, 1], strides = [1, 1]} : vector<256x20xi32> to vector<256x1xi32>
    %eq3A_526 = vector.broadcast %slice3A_525 : vector<256x1xi32> to vector<256x128xi32>
    %eq3A_527 = arith.cmpi eq, %shift_right_arithmetic3A_14, %eq3A_526 : vector<256x128xi32>
    %jit3A_528 = arith.constant 0.000000e+00 : f32
    %broadcast_in_dim3A_529 = vector.broadcast %jit3A_528 : f32 to vector<256x128xf32>
    %select_n3A_530 = arith.select %eq3A_527, %get3A_479, %broadcast_in_dim3A_529 : vector<256x128xi1>, vector<256x128xf32>
    %dot_general3A_531 = arith.constant dense<0.000000e+00> : vector<256x128xf32>
    %dot_general3A_532 = tpu.matmul %concatenate3A_524, %get3A_23, %dot_general3A_531 {dimension_numbers = #tpu.dot_dimension_numbers<[1], [0], [0], [1], [0, 0, 1, 1], [], []>, transpose_lhs_hint = false} : vector<256x256xf32>, vector<256x128xf32>, vector<256x128xf32> -> vector<256x128xf32>
    %dot_general3A_533 = arith.constant dense<0.000000e+00> : vector<256x128xf32>
    %dot_general3A_534 = tpu.matmul %select_n3A_530, %get3A_26, %dot_general3A_533 {dimension_numbers = #tpu.dot_dimension_numbers<[1], [0], [0], [1], [0, 0, 1, 1], [], []>, transpose_lhs_hint = false} : vector<256x128xf32>, vector<128x128xf32>, vector<256x128xf32> -> vector<256x128xf32>
    %add3A_535 = arith.addf %dot_general3A_532, %dot_general3A_534 : vector<256x128xf32>
    %add3A_536 = vector.broadcast %get3A_29 : vector<1x128xf32> to vector<256x128xf32>
    %add3A_537 = arith.addf %add3A_535, %add3A_536 : vector<256x128xf32>
    %max3A_538 = arith.constant 0.000000e+00 : f32
    %max3A_539 = vector.broadcast %max3A_538 : f32 to vector<256x128xf32>
    %max3A_540 = arith.maximumf %add3A_537, %max3A_539 : vector<256x128xf32>
    %slice3A_541 = vector.extract_strided_slice %convert_element_type3A_7 {offsets = [0, 6], sizes = [256, 1], strides = [1, 1]} : vector<256x20xf32> to vector<256x1xf32>
    %mul3A_542 = vector.broadcast %slice3A_541 : vector<256x1xf32> to vector<256x128xf32>
    %mul3A_543 = arith.mulf %max3A_540, %mul3A_542 : vector<256x128xf32>
    %add3A_544 = arith.addf %add3A_469, %mul3A_543 : vector<256x128xf32>
    %get3A_545 = arith.constant 7 : index
    %get3A_546 = arith.constant 0 : index
    %get3A_547 = arith.constant 0 : index
    %get3A_548 = vector.load %arg1[%get3A_545, %get3A_546, %get3A_547] : memref<20x256x128xf32, #tpu.memory_space<vmem>>, vector<1x256x128xf32>
    %get3A_549 = vector.shape_cast %get3A_548 : vector<1x256x128xf32> to vector<256x128xf32>
    %get3A_550 = arith.constant 7 : index
    %get3A_551 = arith.constant 0 : index
    %get3A_552 = arith.constant 0 : index
    %get3A_553 = vector.load %arg2[%get3A_550, %get3A_551, %get3A_552] : memref<20x256x128xf32, #tpu.memory_space<vmem>>, vector<1x256x128xf32>
    %get3A_554 = vector.shape_cast %get3A_553 : vector<1x256x128xf32> to vector<256x128xf32>
    %slice3A_555 = vector.extract_strided_slice %get3A_1 {offsets = [0, 7], sizes = [256, 1], strides = [1, 1]} : vector<256x20xf32> to vector<256x1xf32>
    %mul3A_556 = vector.broadcast %slice3A_555 : vector<256x1xf32> to vector<256x128xf32>
    %mul3A_557 = vector.broadcast %get3A_17 : vector<1x128xf32> to vector<256x128xf32>
    %mul3A_558 = arith.mulf %mul3A_556, %mul3A_557 : vector<256x128xf32>
    %add3A_559 = vector.broadcast %get3A_20 : vector<1x128xf32> to vector<256x128xf32>
    %add3A_560 = arith.addf %mul3A_558, %add3A_559 : vector<256x128xf32>
    %mul3A_561 = arith.constant 0.159154937 : f32
    %mul3A_562 = vector.broadcast %mul3A_561 : f32 to vector<256x128xf32>
    %mul3A_563 = arith.mulf %add3A_560, %mul3A_562 : vector<256x128xf32>
    %add3A_564 = arith.constant 5.000000e-01 : f32
    %add3A_565 = vector.broadcast %add3A_564 : f32 to vector<256x128xf32>
    %add3A_566 = arith.addf %mul3A_563, %add3A_565 : vector<256x128xf32>
    %floor3A_567 = math.floor %add3A_566 : vector<256x128xf32>
    %mul3A_568 = arith.constant 6.28318548 : f32
    %mul3A_569 = vector.broadcast %mul3A_568 : f32 to vector<256x128xf32>
    %mul3A_570 = arith.mulf %floor3A_567, %mul3A_569 : vector<256x128xf32>
    %sub3A_571 = arith.subf %add3A_560, %mul3A_570 : vector<256x128xf32>
    %mul3A_572 = arith.mulf %sub3A_571, %sub3A_571 : vector<256x128xf32>
    %mul3A_573 = arith.constant 1.7245092E-9 : f32
    %mul3A_574 = vector.broadcast %mul3A_573 : f32 to vector<256x128xf32>
    %mul3A_575 = arith.mulf %mul3A_574, %mul3A_572 : vector<256x128xf32>
    %add3A_576 = arith.constant -2.70790309E-7 : f32
    %add3A_577 = vector.broadcast %add3A_576 : f32 to vector<256x128xf32>
    %add3A_578 = arith.addf %mul3A_575, %add3A_577 : vector<256x128xf32>
    %mul3A_579 = arith.mulf %add3A_578, %mul3A_572 : vector<256x128xf32>
    %add3A_580 = arith.constant 2.47698827E-5 : f32
    %add3A_581 = vector.broadcast %add3A_580 : f32 to vector<256x128xf32>
    %add3A_582 = arith.addf %mul3A_579, %add3A_581 : vector<256x128xf32>
    %mul3A_583 = arith.mulf %add3A_582, %mul3A_572 : vector<256x128xf32>
    %add3A_584 = arith.constant -0.00138878031 : f32
    %add3A_585 = vector.broadcast %add3A_584 : f32 to vector<256x128xf32>
    %add3A_586 = arith.addf %mul3A_583, %add3A_585 : vector<256x128xf32>
    %mul3A_587 = arith.mulf %add3A_586, %mul3A_572 : vector<256x128xf32>
    %add3A_588 = arith.constant 0.0416664891 : f32
    %add3A_589 = vector.broadcast %add3A_588 : f32 to vector<256x128xf32>
    %add3A_590 = arith.addf %mul3A_587, %add3A_589 : vector<256x128xf32>
    %mul3A_591 = arith.mulf %add3A_590, %mul3A_572 : vector<256x128xf32>
    %add3A_592 = arith.constant -0.499999881 : f32
    %add3A_593 = vector.broadcast %add3A_592 : f32 to vector<256x128xf32>
    %add3A_594 = arith.addf %mul3A_591, %add3A_593 : vector<256x128xf32>
    %mul3A_595 = arith.mulf %add3A_594, %mul3A_572 : vector<256x128xf32>
    %add3A_596 = arith.constant 1.000000e+00 : f32
    %add3A_597 = vector.broadcast %add3A_596 : f32 to vector<256x128xf32>
    %add3A_598 = arith.addf %mul3A_595, %add3A_597 : vector<256x128xf32>
    %concatenate3A_599 = tpu.concatenate %get3A_549, %add3A_598 in 1 : vector<256x128xf32>, vector<256x128xf32> -> vector<256x256xf32>
    %slice3A_600 = vector.extract_strided_slice %and3A_12 {offsets = [0, 7], sizes = [256, 1], strides = [1, 1]} : vector<256x20xi32> to vector<256x1xi32>
    %eq3A_601 = vector.broadcast %slice3A_600 : vector<256x1xi32> to vector<256x128xi32>
    %eq3A_602 = arith.cmpi eq, %shift_right_arithmetic3A_14, %eq3A_601 : vector<256x128xi32>
    %jit3A_603 = arith.constant 0.000000e+00 : f32
    %broadcast_in_dim3A_604 = vector.broadcast %jit3A_603 : f32 to vector<256x128xf32>
    %select_n3A_605 = arith.select %eq3A_602, %get3A_554, %broadcast_in_dim3A_604 : vector<256x128xi1>, vector<256x128xf32>
    %dot_general3A_606 = arith.constant dense<0.000000e+00> : vector<256x128xf32>
    %dot_general3A_607 = tpu.matmul %concatenate3A_599, %get3A_23, %dot_general3A_606 {dimension_numbers = #tpu.dot_dimension_numbers<[1], [0], [0], [1], [0, 0, 1, 1], [], []>, transpose_lhs_hint = false} : vector<256x256xf32>, vector<256x128xf32>, vector<256x128xf32> -> vector<256x128xf32>
    %dot_general3A_608 = arith.constant dense<0.000000e+00> : vector<256x128xf32>
    %dot_general3A_609 = tpu.matmul %select_n3A_605, %get3A_26, %dot_general3A_608 {dimension_numbers = #tpu.dot_dimension_numbers<[1], [0], [0], [1], [0, 0, 1, 1], [], []>, transpose_lhs_hint = false} : vector<256x128xf32>, vector<128x128xf32>, vector<256x128xf32> -> vector<256x128xf32>
    %add3A_610 = arith.addf %dot_general3A_607, %dot_general3A_609 : vector<256x128xf32>
    %add3A_611 = vector.broadcast %get3A_29 : vector<1x128xf32> to vector<256x128xf32>
    %add3A_612 = arith.addf %add3A_610, %add3A_611 : vector<256x128xf32>
    %max3A_613 = arith.constant 0.000000e+00 : f32
    %max3A_614 = vector.broadcast %max3A_613 : f32 to vector<256x128xf32>
    %max3A_615 = arith.maximumf %add3A_612, %max3A_614 : vector<256x128xf32>
    %slice3A_616 = vector.extract_strided_slice %convert_element_type3A_7 {offsets = [0, 7], sizes = [256, 1], strides = [1, 1]} : vector<256x20xf32> to vector<256x1xf32>
    %mul3A_617 = vector.broadcast %slice3A_616 : vector<256x1xf32> to vector<256x128xf32>
    %mul3A_618 = arith.mulf %max3A_615, %mul3A_617 : vector<256x128xf32>
    %add3A_619 = arith.addf %add3A_544, %mul3A_618 : vector<256x128xf32>
    %get3A_620 = arith.constant 8 : index
    %get3A_621 = arith.constant 0 : index
    %get3A_622 = arith.constant 0 : index
    %get3A_623 = vector.load %arg1[%get3A_620, %get3A_621, %get3A_622] : memref<20x256x128xf32, #tpu.memory_space<vmem>>, vector<1x256x128xf32>
    %get3A_624 = vector.shape_cast %get3A_623 : vector<1x256x128xf32> to vector<256x128xf32>
    %get3A_625 = arith.constant 8 : index
    %get3A_626 = arith.constant 0 : index
    %get3A_627 = arith.constant 0 : index
    %get3A_628 = vector.load %arg2[%get3A_625, %get3A_626, %get3A_627] : memref<20x256x128xf32, #tpu.memory_space<vmem>>, vector<1x256x128xf32>
    %get3A_629 = vector.shape_cast %get3A_628 : vector<1x256x128xf32> to vector<256x128xf32>
    %slice3A_630 = vector.extract_strided_slice %get3A_1 {offsets = [0, 8], sizes = [256, 1], strides = [1, 1]} : vector<256x20xf32> to vector<256x1xf32>
    %mul3A_631 = vector.broadcast %slice3A_630 : vector<256x1xf32> to vector<256x128xf32>
    %mul3A_632 = vector.broadcast %get3A_17 : vector<1x128xf32> to vector<256x128xf32>
    %mul3A_633 = arith.mulf %mul3A_631, %mul3A_632 : vector<256x128xf32>
    %add3A_634 = vector.broadcast %get3A_20 : vector<1x128xf32> to vector<256x128xf32>
    %add3A_635 = arith.addf %mul3A_633, %add3A_634 : vector<256x128xf32>
    %mul3A_636 = arith.constant 0.159154937 : f32
    %mul3A_637 = vector.broadcast %mul3A_636 : f32 to vector<256x128xf32>
    %mul3A_638 = arith.mulf %add3A_635, %mul3A_637 : vector<256x128xf32>
    %add3A_639 = arith.constant 5.000000e-01 : f32
    %add3A_640 = vector.broadcast %add3A_639 : f32 to vector<256x128xf32>
    %add3A_641 = arith.addf %mul3A_638, %add3A_640 : vector<256x128xf32>
    %floor3A_642 = math.floor %add3A_641 : vector<256x128xf32>
    %mul3A_643 = arith.constant 6.28318548 : f32
    %mul3A_644 = vector.broadcast %mul3A_643 : f32 to vector<256x128xf32>
    %mul3A_645 = arith.mulf %floor3A_642, %mul3A_644 : vector<256x128xf32>
    %sub3A_646 = arith.subf %add3A_635, %mul3A_645 : vector<256x128xf32>
    %mul3A_647 = arith.mulf %sub3A_646, %sub3A_646 : vector<256x128xf32>
    %mul3A_648 = arith.constant 1.7245092E-9 : f32
    %mul3A_649 = vector.broadcast %mul3A_648 : f32 to vector<256x128xf32>
    %mul3A_650 = arith.mulf %mul3A_649, %mul3A_647 : vector<256x128xf32>
    %add3A_651 = arith.constant -2.70790309E-7 : f32
    %add3A_652 = vector.broadcast %add3A_651 : f32 to vector<256x128xf32>
    %add3A_653 = arith.addf %mul3A_650, %add3A_652 : vector<256x128xf32>
    %mul3A_654 = arith.mulf %add3A_653, %mul3A_647 : vector<256x128xf32>
    %add3A_655 = arith.constant 2.47698827E-5 : f32
    %add3A_656 = vector.broadcast %add3A_655 : f32 to vector<256x128xf32>
    %add3A_657 = arith.addf %mul3A_654, %add3A_656 : vector<256x128xf32>
    %mul3A_658 = arith.mulf %add3A_657, %mul3A_647 : vector<256x128xf32>
    %add3A_659 = arith.constant -0.00138878031 : f32
    %add3A_660 = vector.broadcast %add3A_659 : f32 to vector<256x128xf32>
    %add3A_661 = arith.addf %mul3A_658, %add3A_660 : vector<256x128xf32>
    %mul3A_662 = arith.mulf %add3A_661, %mul3A_647 : vector<256x128xf32>
    %add3A_663 = arith.constant 0.0416664891 : f32
    %add3A_664 = vector.broadcast %add3A_663 : f32 to vector<256x128xf32>
    %add3A_665 = arith.addf %mul3A_662, %add3A_664 : vector<256x128xf32>
    %mul3A_666 = arith.mulf %add3A_665, %mul3A_647 : vector<256x128xf32>
    %add3A_667 = arith.constant -0.499999881 : f32
    %add3A_668 = vector.broadcast %add3A_667 : f32 to vector<256x128xf32>
    %add3A_669 = arith.addf %mul3A_666, %add3A_668 : vector<256x128xf32>
    %mul3A_670 = arith.mulf %add3A_669, %mul3A_647 : vector<256x128xf32>
    %add3A_671 = arith.constant 1.000000e+00 : f32
    %add3A_672 = vector.broadcast %add3A_671 : f32 to vector<256x128xf32>
    %add3A_673 = arith.addf %mul3A_670, %add3A_672 : vector<256x128xf32>
    %concatenate3A_674 = tpu.concatenate %get3A_624, %add3A_673 in 1 : vector<256x128xf32>, vector<256x128xf32> -> vector<256x256xf32>
    %slice3A_675 = vector.extract_strided_slice %and3A_12 {offsets = [0, 8], sizes = [256, 1], strides = [1, 1]} : vector<256x20xi32> to vector<256x1xi32>
    %eq3A_676 = vector.broadcast %slice3A_675 : vector<256x1xi32> to vector<256x128xi32>
    %eq3A_677 = arith.cmpi eq, %shift_right_arithmetic3A_14, %eq3A_676 : vector<256x128xi32>
    %jit3A_678 = arith.constant 0.000000e+00 : f32
    %broadcast_in_dim3A_679 = vector.broadcast %jit3A_678 : f32 to vector<256x128xf32>
    %select_n3A_680 = arith.select %eq3A_677, %get3A_629, %broadcast_in_dim3A_679 : vector<256x128xi1>, vector<256x128xf32>
    %dot_general3A_681 = arith.constant dense<0.000000e+00> : vector<256x128xf32>
    %dot_general3A_682 = tpu.matmul %concatenate3A_674, %get3A_23, %dot_general3A_681 {dimension_numbers = #tpu.dot_dimension_numbers<[1], [0], [0], [1], [0, 0, 1, 1], [], []>, transpose_lhs_hint = false} : vector<256x256xf32>, vector<256x128xf32>, vector<256x128xf32> -> vector<256x128xf32>
    %dot_general3A_683 = arith.constant dense<0.000000e+00> : vector<256x128xf32>
    %dot_general3A_684 = tpu.matmul %select_n3A_680, %get3A_26, %dot_general3A_683 {dimension_numbers = #tpu.dot_dimension_numbers<[1], [0], [0], [1], [0, 0, 1, 1], [], []>, transpose_lhs_hint = false} : vector<256x128xf32>, vector<128x128xf32>, vector<256x128xf32> -> vector<256x128xf32>
    %add3A_685 = arith.addf %dot_general3A_682, %dot_general3A_684 : vector<256x128xf32>
    %add3A_686 = vector.broadcast %get3A_29 : vector<1x128xf32> to vector<256x128xf32>
    %add3A_687 = arith.addf %add3A_685, %add3A_686 : vector<256x128xf32>
    %max3A_688 = arith.constant 0.000000e+00 : f32
    %max3A_689 = vector.broadcast %max3A_688 : f32 to vector<256x128xf32>
    %max3A_690 = arith.maximumf %add3A_687, %max3A_689 : vector<256x128xf32>
    %slice3A_691 = vector.extract_strided_slice %convert_element_type3A_7 {offsets = [0, 8], sizes = [256, 1], strides = [1, 1]} : vector<256x20xf32> to vector<256x1xf32>
    %mul3A_692 = vector.broadcast %slice3A_691 : vector<256x1xf32> to vector<256x128xf32>
    %mul3A_693 = arith.mulf %max3A_690, %mul3A_692 : vector<256x128xf32>
    %add3A_694 = arith.addf %add3A_619, %mul3A_693 : vector<256x128xf32>
    %get3A_695 = arith.constant 9 : index
    %get3A_696 = arith.constant 0 : index
    %get3A_697 = arith.constant 0 : index
    %get3A_698 = vector.load %arg1[%get3A_695, %get3A_696, %get3A_697] : memref<20x256x128xf32, #tpu.memory_space<vmem>>, vector<1x256x128xf32>
    %get3A_699 = vector.shape_cast %get3A_698 : vector<1x256x128xf32> to vector<256x128xf32>
    %get3A_700 = arith.constant 9 : index
    %get3A_701 = arith.constant 0 : index
    %get3A_702 = arith.constant 0 : index
    %get3A_703 = vector.load %arg2[%get3A_700, %get3A_701, %get3A_702] : memref<20x256x128xf32, #tpu.memory_space<vmem>>, vector<1x256x128xf32>
    %get3A_704 = vector.shape_cast %get3A_703 : vector<1x256x128xf32> to vector<256x128xf32>
    %slice3A_705 = vector.extract_strided_slice %get3A_1 {offsets = [0, 9], sizes = [256, 1], strides = [1, 1]} : vector<256x20xf32> to vector<256x1xf32>
    %mul3A_706 = vector.broadcast %slice3A_705 : vector<256x1xf32> to vector<256x128xf32>
    %mul3A_707 = vector.broadcast %get3A_17 : vector<1x128xf32> to vector<256x128xf32>
    %mul3A_708 = arith.mulf %mul3A_706, %mul3A_707 : vector<256x128xf32>
    %add3A_709 = vector.broadcast %get3A_20 : vector<1x128xf32> to vector<256x128xf32>
    %add3A_710 = arith.addf %mul3A_708, %add3A_709 : vector<256x128xf32>
    %mul3A_711 = arith.constant 0.159154937 : f32
    %mul3A_712 = vector.broadcast %mul3A_711 : f32 to vector<256x128xf32>
    %mul3A_713 = arith.mulf %add3A_710, %mul3A_712 : vector<256x128xf32>
    %add3A_714 = arith.constant 5.000000e-01 : f32
    %add3A_715 = vector.broadcast %add3A_714 : f32 to vector<256x128xf32>
    %add3A_716 = arith.addf %mul3A_713, %add3A_715 : vector<256x128xf32>
    %floor3A_717 = math.floor %add3A_716 : vector<256x128xf32>
    %mul3A_718 = arith.constant 6.28318548 : f32
    %mul3A_719 = vector.broadcast %mul3A_718 : f32 to vector<256x128xf32>
    %mul3A_720 = arith.mulf %floor3A_717, %mul3A_719 : vector<256x128xf32>
    %sub3A_721 = arith.subf %add3A_710, %mul3A_720 : vector<256x128xf32>
    %mul3A_722 = arith.mulf %sub3A_721, %sub3A_721 : vector<256x128xf32>
    %mul3A_723 = arith.constant 1.7245092E-9 : f32
    %mul3A_724 = vector.broadcast %mul3A_723 : f32 to vector<256x128xf32>
    %mul3A_725 = arith.mulf %mul3A_724, %mul3A_722 : vector<256x128xf32>
    %add3A_726 = arith.constant -2.70790309E-7 : f32
    %add3A_727 = vector.broadcast %add3A_726 : f32 to vector<256x128xf32>
    %add3A_728 = arith.addf %mul3A_725, %add3A_727 : vector<256x128xf32>
    %mul3A_729 = arith.mulf %add3A_728, %mul3A_722 : vector<256x128xf32>
    %add3A_730 = arith.constant 2.47698827E-5 : f32
    %add3A_731 = vector.broadcast %add3A_730 : f32 to vector<256x128xf32>
    %add3A_732 = arith.addf %mul3A_729, %add3A_731 : vector<256x128xf32>
    %mul3A_733 = arith.mulf %add3A_732, %mul3A_722 : vector<256x128xf32>
    %add3A_734 = arith.constant -0.00138878031 : f32
    %add3A_735 = vector.broadcast %add3A_734 : f32 to vector<256x128xf32>
    %add3A_736 = arith.addf %mul3A_733, %add3A_735 : vector<256x128xf32>
    %mul3A_737 = arith.mulf %add3A_736, %mul3A_722 : vector<256x128xf32>
    %add3A_738 = arith.constant 0.0416664891 : f32
    %add3A_739 = vector.broadcast %add3A_738 : f32 to vector<256x128xf32>
    %add3A_740 = arith.addf %mul3A_737, %add3A_739 : vector<256x128xf32>
    %mul3A_741 = arith.mulf %add3A_740, %mul3A_722 : vector<256x128xf32>
    %add3A_742 = arith.constant -0.499999881 : f32
    %add3A_743 = vector.broadcast %add3A_742 : f32 to vector<256x128xf32>
    %add3A_744 = arith.addf %mul3A_741, %add3A_743 : vector<256x128xf32>
    %mul3A_745 = arith.mulf %add3A_744, %mul3A_722 : vector<256x128xf32>
    %add3A_746 = arith.constant 1.000000e+00 : f32
    %add3A_747 = vector.broadcast %add3A_746 : f32 to vector<256x128xf32>
    %add3A_748 = arith.addf %mul3A_745, %add3A_747 : vector<256x128xf32>
    %concatenate3A_749 = tpu.concatenate %get3A_699, %add3A_748 in 1 : vector<256x128xf32>, vector<256x128xf32> -> vector<256x256xf32>
    %slice3A_750 = vector.extract_strided_slice %and3A_12 {offsets = [0, 9], sizes = [256, 1], strides = [1, 1]} : vector<256x20xi32> to vector<256x1xi32>
    %eq3A_751 = vector.broadcast %slice3A_750 : vector<256x1xi32> to vector<256x128xi32>
    %eq3A_752 = arith.cmpi eq, %shift_right_arithmetic3A_14, %eq3A_751 : vector<256x128xi32>
    %jit3A_753 = arith.constant 0.000000e+00 : f32
    %broadcast_in_dim3A_754 = vector.broadcast %jit3A_753 : f32 to vector<256x128xf32>
    %select_n3A_755 = arith.select %eq3A_752, %get3A_704, %broadcast_in_dim3A_754 : vector<256x128xi1>, vector<256x128xf32>
    %dot_general3A_756 = arith.constant dense<0.000000e+00> : vector<256x128xf32>
    %dot_general3A_757 = tpu.matmul %concatenate3A_749, %get3A_23, %dot_general3A_756 {dimension_numbers = #tpu.dot_dimension_numbers<[1], [0], [0], [1], [0, 0, 1, 1], [], []>, transpose_lhs_hint = false} : vector<256x256xf32>, vector<256x128xf32>, vector<256x128xf32> -> vector<256x128xf32>
    %dot_general3A_758 = arith.constant dense<0.000000e+00> : vector<256x128xf32>
    %dot_general3A_759 = tpu.matmul %select_n3A_755, %get3A_26, %dot_general3A_758 {dimension_numbers = #tpu.dot_dimension_numbers<[1], [0], [0], [1], [0, 0, 1, 1], [], []>, transpose_lhs_hint = false} : vector<256x128xf32>, vector<128x128xf32>, vector<256x128xf32> -> vector<256x128xf32>
    %add3A_760 = arith.addf %dot_general3A_757, %dot_general3A_759 : vector<256x128xf32>
    %add3A_761 = vector.broadcast %get3A_29 : vector<1x128xf32> to vector<256x128xf32>
    %add3A_762 = arith.addf %add3A_760, %add3A_761 : vector<256x128xf32>
    %max3A_763 = arith.constant 0.000000e+00 : f32
    %max3A_764 = vector.broadcast %max3A_763 : f32 to vector<256x128xf32>
    %max3A_765 = arith.maximumf %add3A_762, %max3A_764 : vector<256x128xf32>
    %slice3A_766 = vector.extract_strided_slice %convert_element_type3A_7 {offsets = [0, 9], sizes = [256, 1], strides = [1, 1]} : vector<256x20xf32> to vector<256x1xf32>
    %mul3A_767 = vector.broadcast %slice3A_766 : vector<256x1xf32> to vector<256x128xf32>
    %mul3A_768 = arith.mulf %max3A_765, %mul3A_767 : vector<256x128xf32>
    %add3A_769 = arith.addf %add3A_694, %mul3A_768 : vector<256x128xf32>
    %get3A_770 = arith.constant 10 : index
    %get3A_771 = arith.constant 0 : index
    %get3A_772 = arith.constant 0 : index
    %get3A_773 = vector.load %arg1[%get3A_770, %get3A_771, %get3A_772] : memref<20x256x128xf32, #tpu.memory_space<vmem>>, vector<1x256x128xf32>
    %get3A_774 = vector.shape_cast %get3A_773 : vector<1x256x128xf32> to vector<256x128xf32>
    %get3A_775 = arith.constant 10 : index
    %get3A_776 = arith.constant 0 : index
    %get3A_777 = arith.constant 0 : index
    %get3A_778 = vector.load %arg2[%get3A_775, %get3A_776, %get3A_777] : memref<20x256x128xf32, #tpu.memory_space<vmem>>, vector<1x256x128xf32>
    %get3A_779 = vector.shape_cast %get3A_778 : vector<1x256x128xf32> to vector<256x128xf32>
    %slice3A_780 = vector.extract_strided_slice %get3A_1 {offsets = [0, 10], sizes = [256, 1], strides = [1, 1]} : vector<256x20xf32> to vector<256x1xf32>
    %mul3A_781 = vector.broadcast %slice3A_780 : vector<256x1xf32> to vector<256x128xf32>
    %mul3A_782 = vector.broadcast %get3A_17 : vector<1x128xf32> to vector<256x128xf32>
    %mul3A_783 = arith.mulf %mul3A_781, %mul3A_782 : vector<256x128xf32>
    %add3A_784 = vector.broadcast %get3A_20 : vector<1x128xf32> to vector<256x128xf32>
    %add3A_785 = arith.addf %mul3A_783, %add3A_784 : vector<256x128xf32>
    %mul3A_786 = arith.constant 0.159154937 : f32
    %mul3A_787 = vector.broadcast %mul3A_786 : f32 to vector<256x128xf32>
    %mul3A_788 = arith.mulf %add3A_785, %mul3A_787 : vector<256x128xf32>
    %add3A_789 = arith.constant 5.000000e-01 : f32
    %add3A_790 = vector.broadcast %add3A_789 : f32 to vector<256x128xf32>
    %add3A_791 = arith.addf %mul3A_788, %add3A_790 : vector<256x128xf32>
    %floor3A_792 = math.floor %add3A_791 : vector<256x128xf32>
    %mul3A_793 = arith.constant 6.28318548 : f32
    %mul3A_794 = vector.broadcast %mul3A_793 : f32 to vector<256x128xf32>
    %mul3A_795 = arith.mulf %floor3A_792, %mul3A_794 : vector<256x128xf32>
    %sub3A_796 = arith.subf %add3A_785, %mul3A_795 : vector<256x128xf32>
    %mul3A_797 = arith.mulf %sub3A_796, %sub3A_796 : vector<256x128xf32>
    %mul3A_798 = arith.constant 1.7245092E-9 : f32
    %mul3A_799 = vector.broadcast %mul3A_798 : f32 to vector<256x128xf32>
    %mul3A_800 = arith.mulf %mul3A_799, %mul3A_797 : vector<256x128xf32>
    %add3A_801 = arith.constant -2.70790309E-7 : f32
    %add3A_802 = vector.broadcast %add3A_801 : f32 to vector<256x128xf32>
    %add3A_803 = arith.addf %mul3A_800, %add3A_802 : vector<256x128xf32>
    %mul3A_804 = arith.mulf %add3A_803, %mul3A_797 : vector<256x128xf32>
    %add3A_805 = arith.constant 2.47698827E-5 : f32
    %add3A_806 = vector.broadcast %add3A_805 : f32 to vector<256x128xf32>
    %add3A_807 = arith.addf %mul3A_804, %add3A_806 : vector<256x128xf32>
    %mul3A_808 = arith.mulf %add3A_807, %mul3A_797 : vector<256x128xf32>
    %add3A_809 = arith.constant -0.00138878031 : f32
    %add3A_810 = vector.broadcast %add3A_809 : f32 to vector<256x128xf32>
    %add3A_811 = arith.addf %mul3A_808, %add3A_810 : vector<256x128xf32>
    %mul3A_812 = arith.mulf %add3A_811, %mul3A_797 : vector<256x128xf32>
    %add3A_813 = arith.constant 0.0416664891 : f32
    %add3A_814 = vector.broadcast %add3A_813 : f32 to vector<256x128xf32>
    %add3A_815 = arith.addf %mul3A_812, %add3A_814 : vector<256x128xf32>
    %mul3A_816 = arith.mulf %add3A_815, %mul3A_797 : vector<256x128xf32>
    %add3A_817 = arith.constant -0.499999881 : f32
    %add3A_818 = vector.broadcast %add3A_817 : f32 to vector<256x128xf32>
    %add3A_819 = arith.addf %mul3A_816, %add3A_818 : vector<256x128xf32>
    %mul3A_820 = arith.mulf %add3A_819, %mul3A_797 : vector<256x128xf32>
    %add3A_821 = arith.constant 1.000000e+00 : f32
    %add3A_822 = vector.broadcast %add3A_821 : f32 to vector<256x128xf32>
    %add3A_823 = arith.addf %mul3A_820, %add3A_822 : vector<256x128xf32>
    %concatenate3A_824 = tpu.concatenate %get3A_774, %add3A_823 in 1 : vector<256x128xf32>, vector<256x128xf32> -> vector<256x256xf32>
    %slice3A_825 = vector.extract_strided_slice %and3A_12 {offsets = [0, 10], sizes = [256, 1], strides = [1, 1]} : vector<256x20xi32> to vector<256x1xi32>
    %eq3A_826 = vector.broadcast %slice3A_825 : vector<256x1xi32> to vector<256x128xi32>
    %eq3A_827 = arith.cmpi eq, %shift_right_arithmetic3A_14, %eq3A_826 : vector<256x128xi32>
    %jit3A_828 = arith.constant 0.000000e+00 : f32
    %broadcast_in_dim3A_829 = vector.broadcast %jit3A_828 : f32 to vector<256x128xf32>
    %select_n3A_830 = arith.select %eq3A_827, %get3A_779, %broadcast_in_dim3A_829 : vector<256x128xi1>, vector<256x128xf32>
    %dot_general3A_831 = arith.constant dense<0.000000e+00> : vector<256x128xf32>
    %dot_general3A_832 = tpu.matmul %concatenate3A_824, %get3A_23, %dot_general3A_831 {dimension_numbers = #tpu.dot_dimension_numbers<[1], [0], [0], [1], [0, 0, 1, 1], [], []>, transpose_lhs_hint = false} : vector<256x256xf32>, vector<256x128xf32>, vector<256x128xf32> -> vector<256x128xf32>
    %dot_general3A_833 = arith.constant dense<0.000000e+00> : vector<256x128xf32>
    %dot_general3A_834 = tpu.matmul %select_n3A_830, %get3A_26, %dot_general3A_833 {dimension_numbers = #tpu.dot_dimension_numbers<[1], [0], [0], [1], [0, 0, 1, 1], [], []>, transpose_lhs_hint = false} : vector<256x128xf32>, vector<128x128xf32>, vector<256x128xf32> -> vector<256x128xf32>
    %add3A_835 = arith.addf %dot_general3A_832, %dot_general3A_834 : vector<256x128xf32>
    %add3A_836 = vector.broadcast %get3A_29 : vector<1x128xf32> to vector<256x128xf32>
    %add3A_837 = arith.addf %add3A_835, %add3A_836 : vector<256x128xf32>
    %max3A_838 = arith.constant 0.000000e+00 : f32
    %max3A_839 = vector.broadcast %max3A_838 : f32 to vector<256x128xf32>
    %max3A_840 = arith.maximumf %add3A_837, %max3A_839 : vector<256x128xf32>
    %slice3A_841 = vector.extract_strided_slice %convert_element_type3A_7 {offsets = [0, 10], sizes = [256, 1], strides = [1, 1]} : vector<256x20xf32> to vector<256x1xf32>
    %mul3A_842 = vector.broadcast %slice3A_841 : vector<256x1xf32> to vector<256x128xf32>
    %mul3A_843 = arith.mulf %max3A_840, %mul3A_842 : vector<256x128xf32>
    %add3A_844 = arith.addf %add3A_769, %mul3A_843 : vector<256x128xf32>
    %get3A_845 = arith.constant 11 : index
    %get3A_846 = arith.constant 0 : index
    %get3A_847 = arith.constant 0 : index
    %get3A_848 = vector.load %arg1[%get3A_845, %get3A_846, %get3A_847] : memref<20x256x128xf32, #tpu.memory_space<vmem>>, vector<1x256x128xf32>
    %get3A_849 = vector.shape_cast %get3A_848 : vector<1x256x128xf32> to vector<256x128xf32>
    %get3A_850 = arith.constant 11 : index
    %get3A_851 = arith.constant 0 : index
    %get3A_852 = arith.constant 0 : index
    %get3A_853 = vector.load %arg2[%get3A_850, %get3A_851, %get3A_852] : memref<20x256x128xf32, #tpu.memory_space<vmem>>, vector<1x256x128xf32>
    %get3A_854 = vector.shape_cast %get3A_853 : vector<1x256x128xf32> to vector<256x128xf32>
    %slice3A_855 = vector.extract_strided_slice %get3A_1 {offsets = [0, 11], sizes = [256, 1], strides = [1, 1]} : vector<256x20xf32> to vector<256x1xf32>
    %mul3A_856 = vector.broadcast %slice3A_855 : vector<256x1xf32> to vector<256x128xf32>
    %mul3A_857 = vector.broadcast %get3A_17 : vector<1x128xf32> to vector<256x128xf32>
    %mul3A_858 = arith.mulf %mul3A_856, %mul3A_857 : vector<256x128xf32>
    %add3A_859 = vector.broadcast %get3A_20 : vector<1x128xf32> to vector<256x128xf32>
    %add3A_860 = arith.addf %mul3A_858, %add3A_859 : vector<256x128xf32>
    %mul3A_861 = arith.constant 0.159154937 : f32
    %mul3A_862 = vector.broadcast %mul3A_861 : f32 to vector<256x128xf32>
    %mul3A_863 = arith.mulf %add3A_860, %mul3A_862 : vector<256x128xf32>
    %add3A_864 = arith.constant 5.000000e-01 : f32
    %add3A_865 = vector.broadcast %add3A_864 : f32 to vector<256x128xf32>
    %add3A_866 = arith.addf %mul3A_863, %add3A_865 : vector<256x128xf32>
    %floor3A_867 = math.floor %add3A_866 : vector<256x128xf32>
    %mul3A_868 = arith.constant 6.28318548 : f32
    %mul3A_869 = vector.broadcast %mul3A_868 : f32 to vector<256x128xf32>
    %mul3A_870 = arith.mulf %floor3A_867, %mul3A_869 : vector<256x128xf32>
    %sub3A_871 = arith.subf %add3A_860, %mul3A_870 : vector<256x128xf32>
    %mul3A_872 = arith.mulf %sub3A_871, %sub3A_871 : vector<256x128xf32>
    %mul3A_873 = arith.constant 1.7245092E-9 : f32
    %mul3A_874 = vector.broadcast %mul3A_873 : f32 to vector<256x128xf32>
    %mul3A_875 = arith.mulf %mul3A_874, %mul3A_872 : vector<256x128xf32>
    %add3A_876 = arith.constant -2.70790309E-7 : f32
    %add3A_877 = vector.broadcast %add3A_876 : f32 to vector<256x128xf32>
    %add3A_878 = arith.addf %mul3A_875, %add3A_877 : vector<256x128xf32>
    %mul3A_879 = arith.mulf %add3A_878, %mul3A_872 : vector<256x128xf32>
    %add3A_880 = arith.constant 2.47698827E-5 : f32
    %add3A_881 = vector.broadcast %add3A_880 : f32 to vector<256x128xf32>
    %add3A_882 = arith.addf %mul3A_879, %add3A_881 : vector<256x128xf32>
    %mul3A_883 = arith.mulf %add3A_882, %mul3A_872 : vector<256x128xf32>
    %add3A_884 = arith.constant -0.00138878031 : f32
    %add3A_885 = vector.broadcast %add3A_884 : f32 to vector<256x128xf32>
    %add3A_886 = arith.addf %mul3A_883, %add3A_885 : vector<256x128xf32>
    %mul3A_887 = arith.mulf %add3A_886, %mul3A_872 : vector<256x128xf32>
    %add3A_888 = arith.constant 0.0416664891 : f32
    %add3A_889 = vector.broadcast %add3A_888 : f32 to vector<256x128xf32>
    %add3A_890 = arith.addf %mul3A_887, %add3A_889 : vector<256x128xf32>
    %mul3A_891 = arith.mulf %add3A_890, %mul3A_872 : vector<256x128xf32>
    %add3A_892 = arith.constant -0.499999881 : f32
    %add3A_893 = vector.broadcast %add3A_892 : f32 to vector<256x128xf32>
    %add3A_894 = arith.addf %mul3A_891, %add3A_893 : vector<256x128xf32>
    %mul3A_895 = arith.mulf %add3A_894, %mul3A_872 : vector<256x128xf32>
    %add3A_896 = arith.constant 1.000000e+00 : f32
    %add3A_897 = vector.broadcast %add3A_896 : f32 to vector<256x128xf32>
    %add3A_898 = arith.addf %mul3A_895, %add3A_897 : vector<256x128xf32>
    %concatenate3A_899 = tpu.concatenate %get3A_849, %add3A_898 in 1 : vector<256x128xf32>, vector<256x128xf32> -> vector<256x256xf32>
    %slice3A_900 = vector.extract_strided_slice %and3A_12 {offsets = [0, 11], sizes = [256, 1], strides = [1, 1]} : vector<256x20xi32> to vector<256x1xi32>
    %eq3A_901 = vector.broadcast %slice3A_900 : vector<256x1xi32> to vector<256x128xi32>
    %eq3A_902 = arith.cmpi eq, %shift_right_arithmetic3A_14, %eq3A_901 : vector<256x128xi32>
    %jit3A_903 = arith.constant 0.000000e+00 : f32
    %broadcast_in_dim3A_904 = vector.broadcast %jit3A_903 : f32 to vector<256x128xf32>
    %select_n3A_905 = arith.select %eq3A_902, %get3A_854, %broadcast_in_dim3A_904 : vector<256x128xi1>, vector<256x128xf32>
    %dot_general3A_906 = arith.constant dense<0.000000e+00> : vector<256x128xf32>
    %dot_general3A_907 = tpu.matmul %concatenate3A_899, %get3A_23, %dot_general3A_906 {dimension_numbers = #tpu.dot_dimension_numbers<[1], [0], [0], [1], [0, 0, 1, 1], [], []>, transpose_lhs_hint = false} : vector<256x256xf32>, vector<256x128xf32>, vector<256x128xf32> -> vector<256x128xf32>
    %dot_general3A_908 = arith.constant dense<0.000000e+00> : vector<256x128xf32>
    %dot_general3A_909 = tpu.matmul %select_n3A_905, %get3A_26, %dot_general3A_908 {dimension_numbers = #tpu.dot_dimension_numbers<[1], [0], [0], [1], [0, 0, 1, 1], [], []>, transpose_lhs_hint = false} : vector<256x128xf32>, vector<128x128xf32>, vector<256x128xf32> -> vector<256x128xf32>
    %add3A_910 = arith.addf %dot_general3A_907, %dot_general3A_909 : vector<256x128xf32>
    %add3A_911 = vector.broadcast %get3A_29 : vector<1x128xf32> to vector<256x128xf32>
    %add3A_912 = arith.addf %add3A_910, %add3A_911 : vector<256x128xf32>
    %max3A_913 = arith.constant 0.000000e+00 : f32
    %max3A_914 = vector.broadcast %max3A_913 : f32 to vector<256x128xf32>
    %max3A_915 = arith.maximumf %add3A_912, %max3A_914 : vector<256x128xf32>
    %slice3A_916 = vector.extract_strided_slice %convert_element_type3A_7 {offsets = [0, 11], sizes = [256, 1], strides = [1, 1]} : vector<256x20xf32> to vector<256x1xf32>
    %mul3A_917 = vector.broadcast %slice3A_916 : vector<256x1xf32> to vector<256x128xf32>
    %mul3A_918 = arith.mulf %max3A_915, %mul3A_917 : vector<256x128xf32>
    %add3A_919 = arith.addf %add3A_844, %mul3A_918 : vector<256x128xf32>
    %get3A_920 = arith.constant 12 : index
    %get3A_921 = arith.constant 0 : index
    %get3A_922 = arith.constant 0 : index
    %get3A_923 = vector.load %arg1[%get3A_920, %get3A_921, %get3A_922] : memref<20x256x128xf32, #tpu.memory_space<vmem>>, vector<1x256x128xf32>
    %get3A_924 = vector.shape_cast %get3A_923 : vector<1x256x128xf32> to vector<256x128xf32>
    %get3A_925 = arith.constant 12 : index
    %get3A_926 = arith.constant 0 : index
    %get3A_927 = arith.constant 0 : index
    %get3A_928 = vector.load %arg2[%get3A_925, %get3A_926, %get3A_927] : memref<20x256x128xf32, #tpu.memory_space<vmem>>, vector<1x256x128xf32>
    %get3A_929 = vector.shape_cast %get3A_928 : vector<1x256x128xf32> to vector<256x128xf32>
    %slice3A_930 = vector.extract_strided_slice %get3A_1 {offsets = [0, 12], sizes = [256, 1], strides = [1, 1]} : vector<256x20xf32> to vector<256x1xf32>
    %mul3A_931 = vector.broadcast %slice3A_930 : vector<256x1xf32> to vector<256x128xf32>
    %mul3A_932 = vector.broadcast %get3A_17 : vector<1x128xf32> to vector<256x128xf32>
    %mul3A_933 = arith.mulf %mul3A_931, %mul3A_932 : vector<256x128xf32>
    %add3A_934 = vector.broadcast %get3A_20 : vector<1x128xf32> to vector<256x128xf32>
    %add3A_935 = arith.addf %mul3A_933, %add3A_934 : vector<256x128xf32>
    %mul3A_936 = arith.constant 0.159154937 : f32
    %mul3A_937 = vector.broadcast %mul3A_936 : f32 to vector<256x128xf32>
    %mul3A_938 = arith.mulf %add3A_935, %mul3A_937 : vector<256x128xf32>
    %add3A_939 = arith.constant 5.000000e-01 : f32
    %add3A_940 = vector.broadcast %add3A_939 : f32 to vector<256x128xf32>
    %add3A_941 = arith.addf %mul3A_938, %add3A_940 : vector<256x128xf32>
    %floor3A_942 = math.floor %add3A_941 : vector<256x128xf32>
    %mul3A_943 = arith.constant 6.28318548 : f32
    %mul3A_944 = vector.broadcast %mul3A_943 : f32 to vector<256x128xf32>
    %mul3A_945 = arith.mulf %floor3A_942, %mul3A_944 : vector<256x128xf32>
    %sub3A_946 = arith.subf %add3A_935, %mul3A_945 : vector<256x128xf32>
    %mul3A_947 = arith.mulf %sub3A_946, %sub3A_946 : vector<256x128xf32>
    %mul3A_948 = arith.constant 1.7245092E-9 : f32
    %mul3A_949 = vector.broadcast %mul3A_948 : f32 to vector<256x128xf32>
    %mul3A_950 = arith.mulf %mul3A_949, %mul3A_947 : vector<256x128xf32>
    %add3A_951 = arith.constant -2.70790309E-7 : f32
    %add3A_952 = vector.broadcast %add3A_951 : f32 to vector<256x128xf32>
    %add3A_953 = arith.addf %mul3A_950, %add3A_952 : vector<256x128xf32>
    %mul3A_954 = arith.mulf %add3A_953, %mul3A_947 : vector<256x128xf32>
    %add3A_955 = arith.constant 2.47698827E-5 : f32
    %add3A_956 = vector.broadcast %add3A_955 : f32 to vector<256x128xf32>
    %add3A_957 = arith.addf %mul3A_954, %add3A_956 : vector<256x128xf32>
    %mul3A_958 = arith.mulf %add3A_957, %mul3A_947 : vector<256x128xf32>
    %add3A_959 = arith.constant -0.00138878031 : f32
    %add3A_960 = vector.broadcast %add3A_959 : f32 to vector<256x128xf32>
    %add3A_961 = arith.addf %mul3A_958, %add3A_960 : vector<256x128xf32>
    %mul3A_962 = arith.mulf %add3A_961, %mul3A_947 : vector<256x128xf32>
    %add3A_963 = arith.constant 0.0416664891 : f32
    %add3A_964 = vector.broadcast %add3A_963 : f32 to vector<256x128xf32>
    %add3A_965 = arith.addf %mul3A_962, %add3A_964 : vector<256x128xf32>
    %mul3A_966 = arith.mulf %add3A_965, %mul3A_947 : vector<256x128xf32>
    %add3A_967 = arith.constant -0.499999881 : f32
    %add3A_968 = vector.broadcast %add3A_967 : f32 to vector<256x128xf32>
    %add3A_969 = arith.addf %mul3A_966, %add3A_968 : vector<256x128xf32>
    %mul3A_970 = arith.mulf %add3A_969, %mul3A_947 : vector<256x128xf32>
    %add3A_971 = arith.constant 1.000000e+00 : f32
    %add3A_972 = vector.broadcast %add3A_971 : f32 to vector<256x128xf32>
    %add3A_973 = arith.addf %mul3A_970, %add3A_972 : vector<256x128xf32>
    %concatenate3A_974 = tpu.concatenate %get3A_924, %add3A_973 in 1 : vector<256x128xf32>, vector<256x128xf32> -> vector<256x256xf32>
    %slice3A_975 = vector.extract_strided_slice %and3A_12 {offsets = [0, 12], sizes = [256, 1], strides = [1, 1]} : vector<256x20xi32> to vector<256x1xi32>
    %eq3A_976 = vector.broadcast %slice3A_975 : vector<256x1xi32> to vector<256x128xi32>
    %eq3A_977 = arith.cmpi eq, %shift_right_arithmetic3A_14, %eq3A_976 : vector<256x128xi32>
    %jit3A_978 = arith.constant 0.000000e+00 : f32
    %broadcast_in_dim3A_979 = vector.broadcast %jit3A_978 : f32 to vector<256x128xf32>
    %select_n3A_980 = arith.select %eq3A_977, %get3A_929, %broadcast_in_dim3A_979 : vector<256x128xi1>, vector<256x128xf32>
    %dot_general3A_981 = arith.constant dense<0.000000e+00> : vector<256x128xf32>
    %dot_general3A_982 = tpu.matmul %concatenate3A_974, %get3A_23, %dot_general3A_981 {dimension_numbers = #tpu.dot_dimension_numbers<[1], [0], [0], [1], [0, 0, 1, 1], [], []>, transpose_lhs_hint = false} : vector<256x256xf32>, vector<256x128xf32>, vector<256x128xf32> -> vector<256x128xf32>
    %dot_general3A_983 = arith.constant dense<0.000000e+00> : vector<256x128xf32>
    %dot_general3A_984 = tpu.matmul %select_n3A_980, %get3A_26, %dot_general3A_983 {dimension_numbers = #tpu.dot_dimension_numbers<[1], [0], [0], [1], [0, 0, 1, 1], [], []>, transpose_lhs_hint = false} : vector<256x128xf32>, vector<128x128xf32>, vector<256x128xf32> -> vector<256x128xf32>
    %add3A_985 = arith.addf %dot_general3A_982, %dot_general3A_984 : vector<256x128xf32>
    %add3A_986 = vector.broadcast %get3A_29 : vector<1x128xf32> to vector<256x128xf32>
    %add3A_987 = arith.addf %add3A_985, %add3A_986 : vector<256x128xf32>
    %max3A_988 = arith.constant 0.000000e+00 : f32
    %max3A_989 = vector.broadcast %max3A_988 : f32 to vector<256x128xf32>
    %max3A_990 = arith.maximumf %add3A_987, %max3A_989 : vector<256x128xf32>
    %slice3A_991 = vector.extract_strided_slice %convert_element_type3A_7 {offsets = [0, 12], sizes = [256, 1], strides = [1, 1]} : vector<256x20xf32> to vector<256x1xf32>
    %mul3A_992 = vector.broadcast %slice3A_991 : vector<256x1xf32> to vector<256x128xf32>
    %mul3A_993 = arith.mulf %max3A_990, %mul3A_992 : vector<256x128xf32>
    %add3A_994 = arith.addf %add3A_919, %mul3A_993 : vector<256x128xf32>
    %get3A_995 = arith.constant 13 : index
    %get3A_996 = arith.constant 0 : index
    %get3A_997 = arith.constant 0 : index
    %get3A_998 = vector.load %arg1[%get3A_995, %get3A_996, %get3A_997] : memref<20x256x128xf32, #tpu.memory_space<vmem>>, vector<1x256x128xf32>
    %get3A_999 = vector.shape_cast %get3A_998 : vector<1x256x128xf32> to vector<256x128xf32>
    %get3A_1000 = arith.constant 13 : index
    %get3A_1001 = arith.constant 0 : index
    %get3A_1002 = arith.constant 0 : index
    %get3A_1003 = vector.load %arg2[%get3A_1000, %get3A_1001, %get3A_1002] : memref<20x256x128xf32, #tpu.memory_space<vmem>>, vector<1x256x128xf32>
    %get3A_1004 = vector.shape_cast %get3A_1003 : vector<1x256x128xf32> to vector<256x128xf32>
    %slice3A_1005 = vector.extract_strided_slice %get3A_1 {offsets = [0, 13], sizes = [256, 1], strides = [1, 1]} : vector<256x20xf32> to vector<256x1xf32>
    %mul3A_1006 = vector.broadcast %slice3A_1005 : vector<256x1xf32> to vector<256x128xf32>
    %mul3A_1007 = vector.broadcast %get3A_17 : vector<1x128xf32> to vector<256x128xf32>
    %mul3A_1008 = arith.mulf %mul3A_1006, %mul3A_1007 : vector<256x128xf32>
    %add3A_1009 = vector.broadcast %get3A_20 : vector<1x128xf32> to vector<256x128xf32>
    %add3A_1010 = arith.addf %mul3A_1008, %add3A_1009 : vector<256x128xf32>
    %mul3A_1011 = arith.constant 0.159154937 : f32
    %mul3A_1012 = vector.broadcast %mul3A_1011 : f32 to vector<256x128xf32>
    %mul3A_1013 = arith.mulf %add3A_1010, %mul3A_1012 : vector<256x128xf32>
    %add3A_1014 = arith.constant 5.000000e-01 : f32
    %add3A_1015 = vector.broadcast %add3A_1014 : f32 to vector<256x128xf32>
    %add3A_1016 = arith.addf %mul3A_1013, %add3A_1015 : vector<256x128xf32>
    %floor3A_1017 = math.floor %add3A_1016 : vector<256x128xf32>
    %mul3A_1018 = arith.constant 6.28318548 : f32
    %mul3A_1019 = vector.broadcast %mul3A_1018 : f32 to vector<256x128xf32>
    %mul3A_1020 = arith.mulf %floor3A_1017, %mul3A_1019 : vector<256x128xf32>
    %sub3A_1021 = arith.subf %add3A_1010, %mul3A_1020 : vector<256x128xf32>
    %mul3A_1022 = arith.mulf %sub3A_1021, %sub3A_1021 : vector<256x128xf32>
    %mul3A_1023 = arith.constant 1.7245092E-9 : f32
    %mul3A_1024 = vector.broadcast %mul3A_1023 : f32 to vector<256x128xf32>
    %mul3A_1025 = arith.mulf %mul3A_1024, %mul3A_1022 : vector<256x128xf32>
    %add3A_1026 = arith.constant -2.70790309E-7 : f32
    %add3A_1027 = vector.broadcast %add3A_1026 : f32 to vector<256x128xf32>
    %add3A_1028 = arith.addf %mul3A_1025, %add3A_1027 : vector<256x128xf32>
    %mul3A_1029 = arith.mulf %add3A_1028, %mul3A_1022 : vector<256x128xf32>
    %add3A_1030 = arith.constant 2.47698827E-5 : f32
    %add3A_1031 = vector.broadcast %add3A_1030 : f32 to vector<256x128xf32>
    %add3A_1032 = arith.addf %mul3A_1029, %add3A_1031 : vector<256x128xf32>
    %mul3A_1033 = arith.mulf %add3A_1032, %mul3A_1022 : vector<256x128xf32>
    %add3A_1034 = arith.constant -0.00138878031 : f32
    %add3A_1035 = vector.broadcast %add3A_1034 : f32 to vector<256x128xf32>
    %add3A_1036 = arith.addf %mul3A_1033, %add3A_1035 : vector<256x128xf32>
    %mul3A_1037 = arith.mulf %add3A_1036, %mul3A_1022 : vector<256x128xf32>
    %add3A_1038 = arith.constant 0.0416664891 : f32
    %add3A_1039 = vector.broadcast %add3A_1038 : f32 to vector<256x128xf32>
    %add3A_1040 = arith.addf %mul3A_1037, %add3A_1039 : vector<256x128xf32>
    %mul3A_1041 = arith.mulf %add3A_1040, %mul3A_1022 : vector<256x128xf32>
    %add3A_1042 = arith.constant -0.499999881 : f32
    %add3A_1043 = vector.broadcast %add3A_1042 : f32 to vector<256x128xf32>
    %add3A_1044 = arith.addf %mul3A_1041, %add3A_1043 : vector<256x128xf32>
    %mul3A_1045 = arith.mulf %add3A_1044, %mul3A_1022 : vector<256x128xf32>
    %add3A_1046 = arith.constant 1.000000e+00 : f32
    %add3A_1047 = vector.broadcast %add3A_1046 : f32 to vector<256x128xf32>
    %add3A_1048 = arith.addf %mul3A_1045, %add3A_1047 : vector<256x128xf32>
    %concatenate3A_1049 = tpu.concatenate %get3A_999, %add3A_1048 in 1 : vector<256x128xf32>, vector<256x128xf32> -> vector<256x256xf32>
    %slice3A_1050 = vector.extract_strided_slice %and3A_12 {offsets = [0, 13], sizes = [256, 1], strides = [1, 1]} : vector<256x20xi32> to vector<256x1xi32>
    %eq3A_1051 = vector.broadcast %slice3A_1050 : vector<256x1xi32> to vector<256x128xi32>
    %eq3A_1052 = arith.cmpi eq, %shift_right_arithmetic3A_14, %eq3A_1051 : vector<256x128xi32>
    %jit3A_1053 = arith.constant 0.000000e+00 : f32
    %broadcast_in_dim3A_1054 = vector.broadcast %jit3A_1053 : f32 to vector<256x128xf32>
    %select_n3A_1055 = arith.select %eq3A_1052, %get3A_1004, %broadcast_in_dim3A_1054 : vector<256x128xi1>, vector<256x128xf32>
    %dot_general3A_1056 = arith.constant dense<0.000000e+00> : vector<256x128xf32>
    %dot_general3A_1057 = tpu.matmul %concatenate3A_1049, %get3A_23, %dot_general3A_1056 {dimension_numbers = #tpu.dot_dimension_numbers<[1], [0], [0], [1], [0, 0, 1, 1], [], []>, transpose_lhs_hint = false} : vector<256x256xf32>, vector<256x128xf32>, vector<256x128xf32> -> vector<256x128xf32>
    %dot_general3A_1058 = arith.constant dense<0.000000e+00> : vector<256x128xf32>
    %dot_general3A_1059 = tpu.matmul %select_n3A_1055, %get3A_26, %dot_general3A_1058 {dimension_numbers = #tpu.dot_dimension_numbers<[1], [0], [0], [1], [0, 0, 1, 1], [], []>, transpose_lhs_hint = false} : vector<256x128xf32>, vector<128x128xf32>, vector<256x128xf32> -> vector<256x128xf32>
    %add3A_1060 = arith.addf %dot_general3A_1057, %dot_general3A_1059 : vector<256x128xf32>
    %add3A_1061 = vector.broadcast %get3A_29 : vector<1x128xf32> to vector<256x128xf32>
    %add3A_1062 = arith.addf %add3A_1060, %add3A_1061 : vector<256x128xf32>
    %max3A_1063 = arith.constant 0.000000e+00 : f32
    %max3A_1064 = vector.broadcast %max3A_1063 : f32 to vector<256x128xf32>
    %max3A_1065 = arith.maximumf %add3A_1062, %max3A_1064 : vector<256x128xf32>
    %slice3A_1066 = vector.extract_strided_slice %convert_element_type3A_7 {offsets = [0, 13], sizes = [256, 1], strides = [1, 1]} : vector<256x20xf32> to vector<256x1xf32>
    %mul3A_1067 = vector.broadcast %slice3A_1066 : vector<256x1xf32> to vector<256x128xf32>
    %mul3A_1068 = arith.mulf %max3A_1065, %mul3A_1067 : vector<256x128xf32>
    %add3A_1069 = arith.addf %add3A_994, %mul3A_1068 : vector<256x128xf32>
    %get3A_1070 = arith.constant 14 : index
    %get3A_1071 = arith.constant 0 : index
    %get3A_1072 = arith.constant 0 : index
    %get3A_1073 = vector.load %arg1[%get3A_1070, %get3A_1071, %get3A_1072] : memref<20x256x128xf32, #tpu.memory_space<vmem>>, vector<1x256x128xf32>
    %get3A_1074 = vector.shape_cast %get3A_1073 : vector<1x256x128xf32> to vector<256x128xf32>
    %get3A_1075 = arith.constant 14 : index
    %get3A_1076 = arith.constant 0 : index
    %get3A_1077 = arith.constant 0 : index
    %get3A_1078 = vector.load %arg2[%get3A_1075, %get3A_1076, %get3A_1077] : memref<20x256x128xf32, #tpu.memory_space<vmem>>, vector<1x256x128xf32>
    %get3A_1079 = vector.shape_cast %get3A_1078 : vector<1x256x128xf32> to vector<256x128xf32>
    %slice3A_1080 = vector.extract_strided_slice %get3A_1 {offsets = [0, 14], sizes = [256, 1], strides = [1, 1]} : vector<256x20xf32> to vector<256x1xf32>
    %mul3A_1081 = vector.broadcast %slice3A_1080 : vector<256x1xf32> to vector<256x128xf32>
    %mul3A_1082 = vector.broadcast %get3A_17 : vector<1x128xf32> to vector<256x128xf32>
    %mul3A_1083 = arith.mulf %mul3A_1081, %mul3A_1082 : vector<256x128xf32>
    %add3A_1084 = vector.broadcast %get3A_20 : vector<1x128xf32> to vector<256x128xf32>
    %add3A_1085 = arith.addf %mul3A_1083, %add3A_1084 : vector<256x128xf32>
    %mul3A_1086 = arith.constant 0.159154937 : f32
    %mul3A_1087 = vector.broadcast %mul3A_1086 : f32 to vector<256x128xf32>
    %mul3A_1088 = arith.mulf %add3A_1085, %mul3A_1087 : vector<256x128xf32>
    %add3A_1089 = arith.constant 5.000000e-01 : f32
    %add3A_1090 = vector.broadcast %add3A_1089 : f32 to vector<256x128xf32>
    %add3A_1091 = arith.addf %mul3A_1088, %add3A_1090 : vector<256x128xf32>
    %floor3A_1092 = math.floor %add3A_1091 : vector<256x128xf32>
    %mul3A_1093 = arith.constant 6.28318548 : f32
    %mul3A_1094 = vector.broadcast %mul3A_1093 : f32 to vector<256x128xf32>
    %mul3A_1095 = arith.mulf %floor3A_1092, %mul3A_1094 : vector<256x128xf32>
    %sub3A_1096 = arith.subf %add3A_1085, %mul3A_1095 : vector<256x128xf32>
    %mul3A_1097 = arith.mulf %sub3A_1096, %sub3A_1096 : vector<256x128xf32>
    %mul3A_1098 = arith.constant 1.7245092E-9 : f32
    %mul3A_1099 = vector.broadcast %mul3A_1098 : f32 to vector<256x128xf32>
    %mul3A_1100 = arith.mulf %mul3A_1099, %mul3A_1097 : vector<256x128xf32>
    %add3A_1101 = arith.constant -2.70790309E-7 : f32
    %add3A_1102 = vector.broadcast %add3A_1101 : f32 to vector<256x128xf32>
    %add3A_1103 = arith.addf %mul3A_1100, %add3A_1102 : vector<256x128xf32>
    %mul3A_1104 = arith.mulf %add3A_1103, %mul3A_1097 : vector<256x128xf32>
    %add3A_1105 = arith.constant 2.47698827E-5 : f32
    %add3A_1106 = vector.broadcast %add3A_1105 : f32 to vector<256x128xf32>
    %add3A_1107 = arith.addf %mul3A_1104, %add3A_1106 : vector<256x128xf32>
    %mul3A_1108 = arith.mulf %add3A_1107, %mul3A_1097 : vector<256x128xf32>
    %add3A_1109 = arith.constant -0.00138878031 : f32
    %add3A_1110 = vector.broadcast %add3A_1109 : f32 to vector<256x128xf32>
    %add3A_1111 = arith.addf %mul3A_1108, %add3A_1110 : vector<256x128xf32>
    %mul3A_1112 = arith.mulf %add3A_1111, %mul3A_1097 : vector<256x128xf32>
    %add3A_1113 = arith.constant 0.0416664891 : f32
    %add3A_1114 = vector.broadcast %add3A_1113 : f32 to vector<256x128xf32>
    %add3A_1115 = arith.addf %mul3A_1112, %add3A_1114 : vector<256x128xf32>
    %mul3A_1116 = arith.mulf %add3A_1115, %mul3A_1097 : vector<256x128xf32>
    %add3A_1117 = arith.constant -0.499999881 : f32
    %add3A_1118 = vector.broadcast %add3A_1117 : f32 to vector<256x128xf32>
    %add3A_1119 = arith.addf %mul3A_1116, %add3A_1118 : vector<256x128xf32>
    %mul3A_1120 = arith.mulf %add3A_1119, %mul3A_1097 : vector<256x128xf32>
    %add3A_1121 = arith.constant 1.000000e+00 : f32
    %add3A_1122 = vector.broadcast %add3A_1121 : f32 to vector<256x128xf32>
    %add3A_1123 = arith.addf %mul3A_1120, %add3A_1122 : vector<256x128xf32>
    %concatenate3A_1124 = tpu.concatenate %get3A_1074, %add3A_1123 in 1 : vector<256x128xf32>, vector<256x128xf32> -> vector<256x256xf32>
    %slice3A_1125 = vector.extract_strided_slice %and3A_12 {offsets = [0, 14], sizes = [256, 1], strides = [1, 1]} : vector<256x20xi32> to vector<256x1xi32>
    %eq3A_1126 = vector.broadcast %slice3A_1125 : vector<256x1xi32> to vector<256x128xi32>
    %eq3A_1127 = arith.cmpi eq, %shift_right_arithmetic3A_14, %eq3A_1126 : vector<256x128xi32>
    %jit3A_1128 = arith.constant 0.000000e+00 : f32
    %broadcast_in_dim3A_1129 = vector.broadcast %jit3A_1128 : f32 to vector<256x128xf32>
    %select_n3A_1130 = arith.select %eq3A_1127, %get3A_1079, %broadcast_in_dim3A_1129 : vector<256x128xi1>, vector<256x128xf32>
    %dot_general3A_1131 = arith.constant dense<0.000000e+00> : vector<256x128xf32>
    %dot_general3A_1132 = tpu.matmul %concatenate3A_1124, %get3A_23, %dot_general3A_1131 {dimension_numbers = #tpu.dot_dimension_numbers<[1], [0], [0], [1], [0, 0, 1, 1], [], []>, transpose_lhs_hint = false} : vector<256x256xf32>, vector<256x128xf32>, vector<256x128xf32> -> vector<256x128xf32>
    %dot_general3A_1133 = arith.constant dense<0.000000e+00> : vector<256x128xf32>
    %dot_general3A_1134 = tpu.matmul %select_n3A_1130, %get3A_26, %dot_general3A_1133 {dimension_numbers = #tpu.dot_dimension_numbers<[1], [0], [0], [1], [0, 0, 1, 1], [], []>, transpose_lhs_hint = false} : vector<256x128xf32>, vector<128x128xf32>, vector<256x128xf32> -> vector<256x128xf32>
    %add3A_1135 = arith.addf %dot_general3A_1132, %dot_general3A_1134 : vector<256x128xf32>
    %add3A_1136 = vector.broadcast %get3A_29 : vector<1x128xf32> to vector<256x128xf32>
    %add3A_1137 = arith.addf %add3A_1135, %add3A_1136 : vector<256x128xf32>
    %max3A_1138 = arith.constant 0.000000e+00 : f32
    %max3A_1139 = vector.broadcast %max3A_1138 : f32 to vector<256x128xf32>
    %max3A_1140 = arith.maximumf %add3A_1137, %max3A_1139 : vector<256x128xf32>
    %slice3A_1141 = vector.extract_strided_slice %convert_element_type3A_7 {offsets = [0, 14], sizes = [256, 1], strides = [1, 1]} : vector<256x20xf32> to vector<256x1xf32>
    %mul3A_1142 = vector.broadcast %slice3A_1141 : vector<256x1xf32> to vector<256x128xf32>
    %mul3A_1143 = arith.mulf %max3A_1140, %mul3A_1142 : vector<256x128xf32>
    %add3A_1144 = arith.addf %add3A_1069, %mul3A_1143 : vector<256x128xf32>
    %get3A_1145 = arith.constant 15 : index
    %get3A_1146 = arith.constant 0 : index
    %get3A_1147 = arith.constant 0 : index
    %get3A_1148 = vector.load %arg1[%get3A_1145, %get3A_1146, %get3A_1147] : memref<20x256x128xf32, #tpu.memory_space<vmem>>, vector<1x256x128xf32>
    %get3A_1149 = vector.shape_cast %get3A_1148 : vector<1x256x128xf32> to vector<256x128xf32>
    %get3A_1150 = arith.constant 15 : index
    %get3A_1151 = arith.constant 0 : index
    %get3A_1152 = arith.constant 0 : index
    %get3A_1153 = vector.load %arg2[%get3A_1150, %get3A_1151, %get3A_1152] : memref<20x256x128xf32, #tpu.memory_space<vmem>>, vector<1x256x128xf32>
    %get3A_1154 = vector.shape_cast %get3A_1153 : vector<1x256x128xf32> to vector<256x128xf32>
    %slice3A_1155 = vector.extract_strided_slice %get3A_1 {offsets = [0, 15], sizes = [256, 1], strides = [1, 1]} : vector<256x20xf32> to vector<256x1xf32>
    %mul3A_1156 = vector.broadcast %slice3A_1155 : vector<256x1xf32> to vector<256x128xf32>
    %mul3A_1157 = vector.broadcast %get3A_17 : vector<1x128xf32> to vector<256x128xf32>
    %mul3A_1158 = arith.mulf %mul3A_1156, %mul3A_1157 : vector<256x128xf32>
    %add3A_1159 = vector.broadcast %get3A_20 : vector<1x128xf32> to vector<256x128xf32>
    %add3A_1160 = arith.addf %mul3A_1158, %add3A_1159 : vector<256x128xf32>
    %mul3A_1161 = arith.constant 0.159154937 : f32
    %mul3A_1162 = vector.broadcast %mul3A_1161 : f32 to vector<256x128xf32>
    %mul3A_1163 = arith.mulf %add3A_1160, %mul3A_1162 : vector<256x128xf32>
    %add3A_1164 = arith.constant 5.000000e-01 : f32
    %add3A_1165 = vector.broadcast %add3A_1164 : f32 to vector<256x128xf32>
    %add3A_1166 = arith.addf %mul3A_1163, %add3A_1165 : vector<256x128xf32>
    %floor3A_1167 = math.floor %add3A_1166 : vector<256x128xf32>
    %mul3A_1168 = arith.constant 6.28318548 : f32
    %mul3A_1169 = vector.broadcast %mul3A_1168 : f32 to vector<256x128xf32>
    %mul3A_1170 = arith.mulf %floor3A_1167, %mul3A_1169 : vector<256x128xf32>
    %sub3A_1171 = arith.subf %add3A_1160, %mul3A_1170 : vector<256x128xf32>
    %mul3A_1172 = arith.mulf %sub3A_1171, %sub3A_1171 : vector<256x128xf32>
    %mul3A_1173 = arith.constant 1.7245092E-9 : f32
    %mul3A_1174 = vector.broadcast %mul3A_1173 : f32 to vector<256x128xf32>
    %mul3A_1175 = arith.mulf %mul3A_1174, %mul3A_1172 : vector<256x128xf32>
    %add3A_1176 = arith.constant -2.70790309E-7 : f32
    %add3A_1177 = vector.broadcast %add3A_1176 : f32 to vector<256x128xf32>
    %add3A_1178 = arith.addf %mul3A_1175, %add3A_1177 : vector<256x128xf32>
    %mul3A_1179 = arith.mulf %add3A_1178, %mul3A_1172 : vector<256x128xf32>
    %add3A_1180 = arith.constant 2.47698827E-5 : f32
    %add3A_1181 = vector.broadcast %add3A_1180 : f32 to vector<256x128xf32>
    %add3A_1182 = arith.addf %mul3A_1179, %add3A_1181 : vector<256x128xf32>
    %mul3A_1183 = arith.mulf %add3A_1182, %mul3A_1172 : vector<256x128xf32>
    %add3A_1184 = arith.constant -0.00138878031 : f32
    %add3A_1185 = vector.broadcast %add3A_1184 : f32 to vector<256x128xf32>
    %add3A_1186 = arith.addf %mul3A_1183, %add3A_1185 : vector<256x128xf32>
    %mul3A_1187 = arith.mulf %add3A_1186, %mul3A_1172 : vector<256x128xf32>
    %add3A_1188 = arith.constant 0.0416664891 : f32
    %add3A_1189 = vector.broadcast %add3A_1188 : f32 to vector<256x128xf32>
    %add3A_1190 = arith.addf %mul3A_1187, %add3A_1189 : vector<256x128xf32>
    %mul3A_1191 = arith.mulf %add3A_1190, %mul3A_1172 : vector<256x128xf32>
    %add3A_1192 = arith.constant -0.499999881 : f32
    %add3A_1193 = vector.broadcast %add3A_1192 : f32 to vector<256x128xf32>
    %add3A_1194 = arith.addf %mul3A_1191, %add3A_1193 : vector<256x128xf32>
    %mul3A_1195 = arith.mulf %add3A_1194, %mul3A_1172 : vector<256x128xf32>
    %add3A_1196 = arith.constant 1.000000e+00 : f32
    %add3A_1197 = vector.broadcast %add3A_1196 : f32 to vector<256x128xf32>
    %add3A_1198 = arith.addf %mul3A_1195, %add3A_1197 : vector<256x128xf32>
    %concatenate3A_1199 = tpu.concatenate %get3A_1149, %add3A_1198 in 1 : vector<256x128xf32>, vector<256x128xf32> -> vector<256x256xf32>
    %slice3A_1200 = vector.extract_strided_slice %and3A_12 {offsets = [0, 15], sizes = [256, 1], strides = [1, 1]} : vector<256x20xi32> to vector<256x1xi32>
    %eq3A_1201 = vector.broadcast %slice3A_1200 : vector<256x1xi32> to vector<256x128xi32>
    %eq3A_1202 = arith.cmpi eq, %shift_right_arithmetic3A_14, %eq3A_1201 : vector<256x128xi32>
    %jit3A_1203 = arith.constant 0.000000e+00 : f32
    %broadcast_in_dim3A_1204 = vector.broadcast %jit3A_1203 : f32 to vector<256x128xf32>
    %select_n3A_1205 = arith.select %eq3A_1202, %get3A_1154, %broadcast_in_dim3A_1204 : vector<256x128xi1>, vector<256x128xf32>
    %dot_general3A_1206 = arith.constant dense<0.000000e+00> : vector<256x128xf32>
    %dot_general3A_1207 = tpu.matmul %concatenate3A_1199, %get3A_23, %dot_general3A_1206 {dimension_numbers = #tpu.dot_dimension_numbers<[1], [0], [0], [1], [0, 0, 1, 1], [], []>, transpose_lhs_hint = false} : vector<256x256xf32>, vector<256x128xf32>, vector<256x128xf32> -> vector<256x128xf32>
    %dot_general3A_1208 = arith.constant dense<0.000000e+00> : vector<256x128xf32>
    %dot_general3A_1209 = tpu.matmul %select_n3A_1205, %get3A_26, %dot_general3A_1208 {dimension_numbers = #tpu.dot_dimension_numbers<[1], [0], [0], [1], [0, 0, 1, 1], [], []>, transpose_lhs_hint = false} : vector<256x128xf32>, vector<128x128xf32>, vector<256x128xf32> -> vector<256x128xf32>
    %add3A_1210 = arith.addf %dot_general3A_1207, %dot_general3A_1209 : vector<256x128xf32>
    %add3A_1211 = vector.broadcast %get3A_29 : vector<1x128xf32> to vector<256x128xf32>
    %add3A_1212 = arith.addf %add3A_1210, %add3A_1211 : vector<256x128xf32>
    %max3A_1213 = arith.constant 0.000000e+00 : f32
    %max3A_1214 = vector.broadcast %max3A_1213 : f32 to vector<256x128xf32>
    %max3A_1215 = arith.maximumf %add3A_1212, %max3A_1214 : vector<256x128xf32>
    %slice3A_1216 = vector.extract_strided_slice %convert_element_type3A_7 {offsets = [0, 15], sizes = [256, 1], strides = [1, 1]} : vector<256x20xf32> to vector<256x1xf32>
    %mul3A_1217 = vector.broadcast %slice3A_1216 : vector<256x1xf32> to vector<256x128xf32>
    %mul3A_1218 = arith.mulf %max3A_1215, %mul3A_1217 : vector<256x128xf32>
    %add3A_1219 = arith.addf %add3A_1144, %mul3A_1218 : vector<256x128xf32>
    %get3A_1220 = arith.constant 16 : index
    %get3A_1221 = arith.constant 0 : index
    %get3A_1222 = arith.constant 0 : index
    %get3A_1223 = vector.load %arg1[%get3A_1220, %get3A_1221, %get3A_1222] : memref<20x256x128xf32, #tpu.memory_space<vmem>>, vector<1x256x128xf32>
    %get3A_1224 = vector.shape_cast %get3A_1223 : vector<1x256x128xf32> to vector<256x128xf32>
    %get3A_1225 = arith.constant 16 : index
    %get3A_1226 = arith.constant 0 : index
    %get3A_1227 = arith.constant 0 : index
    %get3A_1228 = vector.load %arg2[%get3A_1225, %get3A_1226, %get3A_1227] : memref<20x256x128xf32, #tpu.memory_space<vmem>>, vector<1x256x128xf32>
    %get3A_1229 = vector.shape_cast %get3A_1228 : vector<1x256x128xf32> to vector<256x128xf32>
    %slice3A_1230 = vector.extract_strided_slice %get3A_1 {offsets = [0, 16], sizes = [256, 1], strides = [1, 1]} : vector<256x20xf32> to vector<256x1xf32>
    %mul3A_1231 = vector.broadcast %slice3A_1230 : vector<256x1xf32> to vector<256x128xf32>
    %mul3A_1232 = vector.broadcast %get3A_17 : vector<1x128xf32> to vector<256x128xf32>
    %mul3A_1233 = arith.mulf %mul3A_1231, %mul3A_1232 : vector<256x128xf32>
    %add3A_1234 = vector.broadcast %get3A_20 : vector<1x128xf32> to vector<256x128xf32>
    %add3A_1235 = arith.addf %mul3A_1233, %add3A_1234 : vector<256x128xf32>
    %mul3A_1236 = arith.constant 0.159154937 : f32
    %mul3A_1237 = vector.broadcast %mul3A_1236 : f32 to vector<256x128xf32>
    %mul3A_1238 = arith.mulf %add3A_1235, %mul3A_1237 : vector<256x128xf32>
    %add3A_1239 = arith.constant 5.000000e-01 : f32
    %add3A_1240 = vector.broadcast %add3A_1239 : f32 to vector<256x128xf32>
    %add3A_1241 = arith.addf %mul3A_1238, %add3A_1240 : vector<256x128xf32>
    %floor3A_1242 = math.floor %add3A_1241 : vector<256x128xf32>
    %mul3A_1243 = arith.constant 6.28318548 : f32
    %mul3A_1244 = vector.broadcast %mul3A_1243 : f32 to vector<256x128xf32>
    %mul3A_1245 = arith.mulf %floor3A_1242, %mul3A_1244 : vector<256x128xf32>
    %sub3A_1246 = arith.subf %add3A_1235, %mul3A_1245 : vector<256x128xf32>
    %mul3A_1247 = arith.mulf %sub3A_1246, %sub3A_1246 : vector<256x128xf32>
    %mul3A_1248 = arith.constant 1.7245092E-9 : f32
    %mul3A_1249 = vector.broadcast %mul3A_1248 : f32 to vector<256x128xf32>
    %mul3A_1250 = arith.mulf %mul3A_1249, %mul3A_1247 : vector<256x128xf32>
    %add3A_1251 = arith.constant -2.70790309E-7 : f32
    %add3A_1252 = vector.broadcast %add3A_1251 : f32 to vector<256x128xf32>
    %add3A_1253 = arith.addf %mul3A_1250, %add3A_1252 : vector<256x128xf32>
    %mul3A_1254 = arith.mulf %add3A_1253, %mul3A_1247 : vector<256x128xf32>
    %add3A_1255 = arith.constant 2.47698827E-5 : f32
    %add3A_1256 = vector.broadcast %add3A_1255 : f32 to vector<256x128xf32>
    %add3A_1257 = arith.addf %mul3A_1254, %add3A_1256 : vector<256x128xf32>
    %mul3A_1258 = arith.mulf %add3A_1257, %mul3A_1247 : vector<256x128xf32>
    %add3A_1259 = arith.constant -0.00138878031 : f32
    %add3A_1260 = vector.broadcast %add3A_1259 : f32 to vector<256x128xf32>
    %add3A_1261 = arith.addf %mul3A_1258, %add3A_1260 : vector<256x128xf32>
    %mul3A_1262 = arith.mulf %add3A_1261, %mul3A_1247 : vector<256x128xf32>
    %add3A_1263 = arith.constant 0.0416664891 : f32
    %add3A_1264 = vector.broadcast %add3A_1263 : f32 to vector<256x128xf32>
    %add3A_1265 = arith.addf %mul3A_1262, %add3A_1264 : vector<256x128xf32>
    %mul3A_1266 = arith.mulf %add3A_1265, %mul3A_1247 : vector<256x128xf32>
    %add3A_1267 = arith.constant -0.499999881 : f32
    %add3A_1268 = vector.broadcast %add3A_1267 : f32 to vector<256x128xf32>
    %add3A_1269 = arith.addf %mul3A_1266, %add3A_1268 : vector<256x128xf32>
    %mul3A_1270 = arith.mulf %add3A_1269, %mul3A_1247 : vector<256x128xf32>
    %add3A_1271 = arith.constant 1.000000e+00 : f32
    %add3A_1272 = vector.broadcast %add3A_1271 : f32 to vector<256x128xf32>
    %add3A_1273 = arith.addf %mul3A_1270, %add3A_1272 : vector<256x128xf32>
    %concatenate3A_1274 = tpu.concatenate %get3A_1224, %add3A_1273 in 1 : vector<256x128xf32>, vector<256x128xf32> -> vector<256x256xf32>
    %slice3A_1275 = vector.extract_strided_slice %and3A_12 {offsets = [0, 16], sizes = [256, 1], strides = [1, 1]} : vector<256x20xi32> to vector<256x1xi32>
    %eq3A_1276 = vector.broadcast %slice3A_1275 : vector<256x1xi32> to vector<256x128xi32>
    %eq3A_1277 = arith.cmpi eq, %shift_right_arithmetic3A_14, %eq3A_1276 : vector<256x128xi32>
    %jit3A_1278 = arith.constant 0.000000e+00 : f32
    %broadcast_in_dim3A_1279 = vector.broadcast %jit3A_1278 : f32 to vector<256x128xf32>
    %select_n3A_1280 = arith.select %eq3A_1277, %get3A_1229, %broadcast_in_dim3A_1279 : vector<256x128xi1>, vector<256x128xf32>
    %dot_general3A_1281 = arith.constant dense<0.000000e+00> : vector<256x128xf32>
    %dot_general3A_1282 = tpu.matmul %concatenate3A_1274, %get3A_23, %dot_general3A_1281 {dimension_numbers = #tpu.dot_dimension_numbers<[1], [0], [0], [1], [0, 0, 1, 1], [], []>, transpose_lhs_hint = false} : vector<256x256xf32>, vector<256x128xf32>, vector<256x128xf32> -> vector<256x128xf32>
    %dot_general3A_1283 = arith.constant dense<0.000000e+00> : vector<256x128xf32>
    %dot_general3A_1284 = tpu.matmul %select_n3A_1280, %get3A_26, %dot_general3A_1283 {dimension_numbers = #tpu.dot_dimension_numbers<[1], [0], [0], [1], [0, 0, 1, 1], [], []>, transpose_lhs_hint = false} : vector<256x128xf32>, vector<128x128xf32>, vector<256x128xf32> -> vector<256x128xf32>
    %add3A_1285 = arith.addf %dot_general3A_1282, %dot_general3A_1284 : vector<256x128xf32>
    %add3A_1286 = vector.broadcast %get3A_29 : vector<1x128xf32> to vector<256x128xf32>
    %add3A_1287 = arith.addf %add3A_1285, %add3A_1286 : vector<256x128xf32>
    %max3A_1288 = arith.constant 0.000000e+00 : f32
    %max3A_1289 = vector.broadcast %max3A_1288 : f32 to vector<256x128xf32>
    %max3A_1290 = arith.maximumf %add3A_1287, %max3A_1289 : vector<256x128xf32>
    %slice3A_1291 = vector.extract_strided_slice %convert_element_type3A_7 {offsets = [0, 16], sizes = [256, 1], strides = [1, 1]} : vector<256x20xf32> to vector<256x1xf32>
    %mul3A_1292 = vector.broadcast %slice3A_1291 : vector<256x1xf32> to vector<256x128xf32>
    %mul3A_1293 = arith.mulf %max3A_1290, %mul3A_1292 : vector<256x128xf32>
    %add3A_1294 = arith.addf %add3A_1219, %mul3A_1293 : vector<256x128xf32>
    %get3A_1295 = arith.constant 17 : index
    %get3A_1296 = arith.constant 0 : index
    %get3A_1297 = arith.constant 0 : index
    %get3A_1298 = vector.load %arg1[%get3A_1295, %get3A_1296, %get3A_1297] : memref<20x256x128xf32, #tpu.memory_space<vmem>>, vector<1x256x128xf32>
    %get3A_1299 = vector.shape_cast %get3A_1298 : vector<1x256x128xf32> to vector<256x128xf32>
    %get3A_1300 = arith.constant 17 : index
    %get3A_1301 = arith.constant 0 : index
    %get3A_1302 = arith.constant 0 : index
    %get3A_1303 = vector.load %arg2[%get3A_1300, %get3A_1301, %get3A_1302] : memref<20x256x128xf32, #tpu.memory_space<vmem>>, vector<1x256x128xf32>
    %get3A_1304 = vector.shape_cast %get3A_1303 : vector<1x256x128xf32> to vector<256x128xf32>
    %slice3A_1305 = vector.extract_strided_slice %get3A_1 {offsets = [0, 17], sizes = [256, 1], strides = [1, 1]} : vector<256x20xf32> to vector<256x1xf32>
    %mul3A_1306 = vector.broadcast %slice3A_1305 : vector<256x1xf32> to vector<256x128xf32>
    %mul3A_1307 = vector.broadcast %get3A_17 : vector<1x128xf32> to vector<256x128xf32>
    %mul3A_1308 = arith.mulf %mul3A_1306, %mul3A_1307 : vector<256x128xf32>
    %add3A_1309 = vector.broadcast %get3A_20 : vector<1x128xf32> to vector<256x128xf32>
    %add3A_1310 = arith.addf %mul3A_1308, %add3A_1309 : vector<256x128xf32>
    %mul3A_1311 = arith.constant 0.159154937 : f32
    %mul3A_1312 = vector.broadcast %mul3A_1311 : f32 to vector<256x128xf32>
    %mul3A_1313 = arith.mulf %add3A_1310, %mul3A_1312 : vector<256x128xf32>
    %add3A_1314 = arith.constant 5.000000e-01 : f32
    %add3A_1315 = vector.broadcast %add3A_1314 : f32 to vector<256x128xf32>
    %add3A_1316 = arith.addf %mul3A_1313, %add3A_1315 : vector<256x128xf32>
    %floor3A_1317 = math.floor %add3A_1316 : vector<256x128xf32>
    %mul3A_1318 = arith.constant 6.28318548 : f32
    %mul3A_1319 = vector.broadcast %mul3A_1318 : f32 to vector<256x128xf32>
    %mul3A_1320 = arith.mulf %floor3A_1317, %mul3A_1319 : vector<256x128xf32>
    %sub3A_1321 = arith.subf %add3A_1310, %mul3A_1320 : vector<256x128xf32>
    %mul3A_1322 = arith.mulf %sub3A_1321, %sub3A_1321 : vector<256x128xf32>
    %mul3A_1323 = arith.constant 1.7245092E-9 : f32
    %mul3A_1324 = vector.broadcast %mul3A_1323 : f32 to vector<256x128xf32>
    %mul3A_1325 = arith.mulf %mul3A_1324, %mul3A_1322 : vector<256x128xf32>
    %add3A_1326 = arith.constant -2.70790309E-7 : f32
    %add3A_1327 = vector.broadcast %add3A_1326 : f32 to vector<256x128xf32>
    %add3A_1328 = arith.addf %mul3A_1325, %add3A_1327 : vector<256x128xf32>
    %mul3A_1329 = arith.mulf %add3A_1328, %mul3A_1322 : vector<256x128xf32>
    %add3A_1330 = arith.constant 2.47698827E-5 : f32
    %add3A_1331 = vector.broadcast %add3A_1330 : f32 to vector<256x128xf32>
    %add3A_1332 = arith.addf %mul3A_1329, %add3A_1331 : vector<256x128xf32>
    %mul3A_1333 = arith.mulf %add3A_1332, %mul3A_1322 : vector<256x128xf32>
    %add3A_1334 = arith.constant -0.00138878031 : f32
    %add3A_1335 = vector.broadcast %add3A_1334 : f32 to vector<256x128xf32>
    %add3A_1336 = arith.addf %mul3A_1333, %add3A_1335 : vector<256x128xf32>
    %mul3A_1337 = arith.mulf %add3A_1336, %mul3A_1322 : vector<256x128xf32>
    %add3A_1338 = arith.constant 0.0416664891 : f32
    %add3A_1339 = vector.broadcast %add3A_1338 : f32 to vector<256x128xf32>
    %add3A_1340 = arith.addf %mul3A_1337, %add3A_1339 : vector<256x128xf32>
    %mul3A_1341 = arith.mulf %add3A_1340, %mul3A_1322 : vector<256x128xf32>
    %add3A_1342 = arith.constant -0.499999881 : f32
    %add3A_1343 = vector.broadcast %add3A_1342 : f32 to vector<256x128xf32>
    %add3A_1344 = arith.addf %mul3A_1341, %add3A_1343 : vector<256x128xf32>
    %mul3A_1345 = arith.mulf %add3A_1344, %mul3A_1322 : vector<256x128xf32>
    %add3A_1346 = arith.constant 1.000000e+00 : f32
    %add3A_1347 = vector.broadcast %add3A_1346 : f32 to vector<256x128xf32>
    %add3A_1348 = arith.addf %mul3A_1345, %add3A_1347 : vector<256x128xf32>
    %concatenate3A_1349 = tpu.concatenate %get3A_1299, %add3A_1348 in 1 : vector<256x128xf32>, vector<256x128xf32> -> vector<256x256xf32>
    %slice3A_1350 = vector.extract_strided_slice %and3A_12 {offsets = [0, 17], sizes = [256, 1], strides = [1, 1]} : vector<256x20xi32> to vector<256x1xi32>
    %eq3A_1351 = vector.broadcast %slice3A_1350 : vector<256x1xi32> to vector<256x128xi32>
    %eq3A_1352 = arith.cmpi eq, %shift_right_arithmetic3A_14, %eq3A_1351 : vector<256x128xi32>
    %jit3A_1353 = arith.constant 0.000000e+00 : f32
    %broadcast_in_dim3A_1354 = vector.broadcast %jit3A_1353 : f32 to vector<256x128xf32>
    %select_n3A_1355 = arith.select %eq3A_1352, %get3A_1304, %broadcast_in_dim3A_1354 : vector<256x128xi1>, vector<256x128xf32>
    %dot_general3A_1356 = arith.constant dense<0.000000e+00> : vector<256x128xf32>
    %dot_general3A_1357 = tpu.matmul %concatenate3A_1349, %get3A_23, %dot_general3A_1356 {dimension_numbers = #tpu.dot_dimension_numbers<[1], [0], [0], [1], [0, 0, 1, 1], [], []>, transpose_lhs_hint = false} : vector<256x256xf32>, vector<256x128xf32>, vector<256x128xf32> -> vector<256x128xf32>
    %dot_general3A_1358 = arith.constant dense<0.000000e+00> : vector<256x128xf32>
    %dot_general3A_1359 = tpu.matmul %select_n3A_1355, %get3A_26, %dot_general3A_1358 {dimension_numbers = #tpu.dot_dimension_numbers<[1], [0], [0], [1], [0, 0, 1, 1], [], []>, transpose_lhs_hint = false} : vector<256x128xf32>, vector<128x128xf32>, vector<256x128xf32> -> vector<256x128xf32>
    %add3A_1360 = arith.addf %dot_general3A_1357, %dot_general3A_1359 : vector<256x128xf32>
    %add3A_1361 = vector.broadcast %get3A_29 : vector<1x128xf32> to vector<256x128xf32>
    %add3A_1362 = arith.addf %add3A_1360, %add3A_1361 : vector<256x128xf32>
    %max3A_1363 = arith.constant 0.000000e+00 : f32
    %max3A_1364 = vector.broadcast %max3A_1363 : f32 to vector<256x128xf32>
    %max3A_1365 = arith.maximumf %add3A_1362, %max3A_1364 : vector<256x128xf32>
    %slice3A_1366 = vector.extract_strided_slice %convert_element_type3A_7 {offsets = [0, 17], sizes = [256, 1], strides = [1, 1]} : vector<256x20xf32> to vector<256x1xf32>
    %mul3A_1367 = vector.broadcast %slice3A_1366 : vector<256x1xf32> to vector<256x128xf32>
    %mul3A_1368 = arith.mulf %max3A_1365, %mul3A_1367 : vector<256x128xf32>
    %add3A_1369 = arith.addf %add3A_1294, %mul3A_1368 : vector<256x128xf32>
    %get3A_1370 = arith.constant 18 : index
    %get3A_1371 = arith.constant 0 : index
    %get3A_1372 = arith.constant 0 : index
    %get3A_1373 = vector.load %arg1[%get3A_1370, %get3A_1371, %get3A_1372] : memref<20x256x128xf32, #tpu.memory_space<vmem>>, vector<1x256x128xf32>
    %get3A_1374 = vector.shape_cast %get3A_1373 : vector<1x256x128xf32> to vector<256x128xf32>
    %get3A_1375 = arith.constant 18 : index
    %get3A_1376 = arith.constant 0 : index
    %get3A_1377 = arith.constant 0 : index
    %get3A_1378 = vector.load %arg2[%get3A_1375, %get3A_1376, %get3A_1377] : memref<20x256x128xf32, #tpu.memory_space<vmem>>, vector<1x256x128xf32>
    %get3A_1379 = vector.shape_cast %get3A_1378 : vector<1x256x128xf32> to vector<256x128xf32>
    %slice3A_1380 = vector.extract_strided_slice %get3A_1 {offsets = [0, 18], sizes = [256, 1], strides = [1, 1]} : vector<256x20xf32> to vector<256x1xf32>
    %mul3A_1381 = vector.broadcast %slice3A_1380 : vector<256x1xf32> to vector<256x128xf32>
    %mul3A_1382 = vector.broadcast %get3A_17 : vector<1x128xf32> to vector<256x128xf32>
    %mul3A_1383 = arith.mulf %mul3A_1381, %mul3A_1382 : vector<256x128xf32>
    %add3A_1384 = vector.broadcast %get3A_20 : vector<1x128xf32> to vector<256x128xf32>
    %add3A_1385 = arith.addf %mul3A_1383, %add3A_1384 : vector<256x128xf32>
    %mul3A_1386 = arith.constant 0.159154937 : f32
    %mul3A_1387 = vector.broadcast %mul3A_1386 : f32 to vector<256x128xf32>
    %mul3A_1388 = arith.mulf %add3A_1385, %mul3A_1387 : vector<256x128xf32>
    %add3A_1389 = arith.constant 5.000000e-01 : f32
    %add3A_1390 = vector.broadcast %add3A_1389 : f32 to vector<256x128xf32>
    %add3A_1391 = arith.addf %mul3A_1388, %add3A_1390 : vector<256x128xf32>
    %floor3A_1392 = math.floor %add3A_1391 : vector<256x128xf32>
    %mul3A_1393 = arith.constant 6.28318548 : f32
    %mul3A_1394 = vector.broadcast %mul3A_1393 : f32 to vector<256x128xf32>
    %mul3A_1395 = arith.mulf %floor3A_1392, %mul3A_1394 : vector<256x128xf32>
    %sub3A_1396 = arith.subf %add3A_1385, %mul3A_1395 : vector<256x128xf32>
    %mul3A_1397 = arith.mulf %sub3A_1396, %sub3A_1396 : vector<256x128xf32>
    %mul3A_1398 = arith.constant 1.7245092E-9 : f32
    %mul3A_1399 = vector.broadcast %mul3A_1398 : f32 to vector<256x128xf32>
    %mul3A_1400 = arith.mulf %mul3A_1399, %mul3A_1397 : vector<256x128xf32>
    %add3A_1401 = arith.constant -2.70790309E-7 : f32
    %add3A_1402 = vector.broadcast %add3A_1401 : f32 to vector<256x128xf32>
    %add3A_1403 = arith.addf %mul3A_1400, %add3A_1402 : vector<256x128xf32>
    %mul3A_1404 = arith.mulf %add3A_1403, %mul3A_1397 : vector<256x128xf32>
    %add3A_1405 = arith.constant 2.47698827E-5 : f32
    %add3A_1406 = vector.broadcast %add3A_1405 : f32 to vector<256x128xf32>
    %add3A_1407 = arith.addf %mul3A_1404, %add3A_1406 : vector<256x128xf32>
    %mul3A_1408 = arith.mulf %add3A_1407, %mul3A_1397 : vector<256x128xf32>
    %add3A_1409 = arith.constant -0.00138878031 : f32
    %add3A_1410 = vector.broadcast %add3A_1409 : f32 to vector<256x128xf32>
    %add3A_1411 = arith.addf %mul3A_1408, %add3A_1410 : vector<256x128xf32>
    %mul3A_1412 = arith.mulf %add3A_1411, %mul3A_1397 : vector<256x128xf32>
    %add3A_1413 = arith.constant 0.0416664891 : f32
    %add3A_1414 = vector.broadcast %add3A_1413 : f32 to vector<256x128xf32>
    %add3A_1415 = arith.addf %mul3A_1412, %add3A_1414 : vector<256x128xf32>
    %mul3A_1416 = arith.mulf %add3A_1415, %mul3A_1397 : vector<256x128xf32>
    %add3A_1417 = arith.constant -0.499999881 : f32
    %add3A_1418 = vector.broadcast %add3A_1417 : f32 to vector<256x128xf32>
    %add3A_1419 = arith.addf %mul3A_1416, %add3A_1418 : vector<256x128xf32>
    %mul3A_1420 = arith.mulf %add3A_1419, %mul3A_1397 : vector<256x128xf32>
    %add3A_1421 = arith.constant 1.000000e+00 : f32
    %add3A_1422 = vector.broadcast %add3A_1421 : f32 to vector<256x128xf32>
    %add3A_1423 = arith.addf %mul3A_1420, %add3A_1422 : vector<256x128xf32>
    %concatenate3A_1424 = tpu.concatenate %get3A_1374, %add3A_1423 in 1 : vector<256x128xf32>, vector<256x128xf32> -> vector<256x256xf32>
    %slice3A_1425 = vector.extract_strided_slice %and3A_12 {offsets = [0, 18], sizes = [256, 1], strides = [1, 1]} : vector<256x20xi32> to vector<256x1xi32>
    %eq3A_1426 = vector.broadcast %slice3A_1425 : vector<256x1xi32> to vector<256x128xi32>
    %eq3A_1427 = arith.cmpi eq, %shift_right_arithmetic3A_14, %eq3A_1426 : vector<256x128xi32>
    %jit3A_1428 = arith.constant 0.000000e+00 : f32
    %broadcast_in_dim3A_1429 = vector.broadcast %jit3A_1428 : f32 to vector<256x128xf32>
    %select_n3A_1430 = arith.select %eq3A_1427, %get3A_1379, %broadcast_in_dim3A_1429 : vector<256x128xi1>, vector<256x128xf32>
    %dot_general3A_1431 = arith.constant dense<0.000000e+00> : vector<256x128xf32>
    %dot_general3A_1432 = tpu.matmul %concatenate3A_1424, %get3A_23, %dot_general3A_1431 {dimension_numbers = #tpu.dot_dimension_numbers<[1], [0], [0], [1], [0, 0, 1, 1], [], []>, transpose_lhs_hint = false} : vector<256x256xf32>, vector<256x128xf32>, vector<256x128xf32> -> vector<256x128xf32>
    %dot_general3A_1433 = arith.constant dense<0.000000e+00> : vector<256x128xf32>
    %dot_general3A_1434 = tpu.matmul %select_n3A_1430, %get3A_26, %dot_general3A_1433 {dimension_numbers = #tpu.dot_dimension_numbers<[1], [0], [0], [1], [0, 0, 1, 1], [], []>, transpose_lhs_hint = false} : vector<256x128xf32>, vector<128x128xf32>, vector<256x128xf32> -> vector<256x128xf32>
    %add3A_1435 = arith.addf %dot_general3A_1432, %dot_general3A_1434 : vector<256x128xf32>
    %add3A_1436 = vector.broadcast %get3A_29 : vector<1x128xf32> to vector<256x128xf32>
    %add3A_1437 = arith.addf %add3A_1435, %add3A_1436 : vector<256x128xf32>
    %max3A_1438 = arith.constant 0.000000e+00 : f32
    %max3A_1439 = vector.broadcast %max3A_1438 : f32 to vector<256x128xf32>
    %max3A_1440 = arith.maximumf %add3A_1437, %max3A_1439 : vector<256x128xf32>
    %slice3A_1441 = vector.extract_strided_slice %convert_element_type3A_7 {offsets = [0, 18], sizes = [256, 1], strides = [1, 1]} : vector<256x20xf32> to vector<256x1xf32>
    %mul3A_1442 = vector.broadcast %slice3A_1441 : vector<256x1xf32> to vector<256x128xf32>
    %mul3A_1443 = arith.mulf %max3A_1440, %mul3A_1442 : vector<256x128xf32>
    %add3A_1444 = arith.addf %add3A_1369, %mul3A_1443 : vector<256x128xf32>
    %get3A_1445 = arith.constant 19 : index
    %get3A_1446 = arith.constant 0 : index
    %get3A_1447 = arith.constant 0 : index
    %get3A_1448 = vector.load %arg1[%get3A_1445, %get3A_1446, %get3A_1447] : memref<20x256x128xf32, #tpu.memory_space<vmem>>, vector<1x256x128xf32>
    %get3A_1449 = vector.shape_cast %get3A_1448 : vector<1x256x128xf32> to vector<256x128xf32>
    %get3A_1450 = arith.constant 19 : index
    %get3A_1451 = arith.constant 0 : index
    %get3A_1452 = arith.constant 0 : index
    %get3A_1453 = vector.load %arg2[%get3A_1450, %get3A_1451, %get3A_1452] : memref<20x256x128xf32, #tpu.memory_space<vmem>>, vector<1x256x128xf32>
    %get3A_1454 = vector.shape_cast %get3A_1453 : vector<1x256x128xf32> to vector<256x128xf32>
    %slice3A_1455 = vector.extract_strided_slice %get3A_1 {offsets = [0, 19], sizes = [256, 1], strides = [1, 1]} : vector<256x20xf32> to vector<256x1xf32>
    %mul3A_1456 = vector.broadcast %slice3A_1455 : vector<256x1xf32> to vector<256x128xf32>
    %mul3A_1457 = vector.broadcast %get3A_17 : vector<1x128xf32> to vector<256x128xf32>
    %mul3A_1458 = arith.mulf %mul3A_1456, %mul3A_1457 : vector<256x128xf32>
    %add3A_1459 = vector.broadcast %get3A_20 : vector<1x128xf32> to vector<256x128xf32>
    %add3A_1460 = arith.addf %mul3A_1458, %add3A_1459 : vector<256x128xf32>
    %mul3A_1461 = arith.constant 0.159154937 : f32
    %mul3A_1462 = vector.broadcast %mul3A_1461 : f32 to vector<256x128xf32>
    %mul3A_1463 = arith.mulf %add3A_1460, %mul3A_1462 : vector<256x128xf32>
    %add3A_1464 = arith.constant 5.000000e-01 : f32
    %add3A_1465 = vector.broadcast %add3A_1464 : f32 to vector<256x128xf32>
    %add3A_1466 = arith.addf %mul3A_1463, %add3A_1465 : vector<256x128xf32>
    %floor3A_1467 = math.floor %add3A_1466 : vector<256x128xf32>
    %mul3A_1468 = arith.constant 6.28318548 : f32
    %mul3A_1469 = vector.broadcast %mul3A_1468 : f32 to vector<256x128xf32>
    %mul3A_1470 = arith.mulf %floor3A_1467, %mul3A_1469 : vector<256x128xf32>
    %sub3A_1471 = arith.subf %add3A_1460, %mul3A_1470 : vector<256x128xf32>
    %mul3A_1472 = arith.mulf %sub3A_1471, %sub3A_1471 : vector<256x128xf32>
    %mul3A_1473 = arith.constant 1.7245092E-9 : f32
    %mul3A_1474 = vector.broadcast %mul3A_1473 : f32 to vector<256x128xf32>
    %mul3A_1475 = arith.mulf %mul3A_1474, %mul3A_1472 : vector<256x128xf32>
    %add3A_1476 = arith.constant -2.70790309E-7 : f32
    %add3A_1477 = vector.broadcast %add3A_1476 : f32 to vector<256x128xf32>
    %add3A_1478 = arith.addf %mul3A_1475, %add3A_1477 : vector<256x128xf32>
    %mul3A_1479 = arith.mulf %add3A_1478, %mul3A_1472 : vector<256x128xf32>
    %add3A_1480 = arith.constant 2.47698827E-5 : f32
    %add3A_1481 = vector.broadcast %add3A_1480 : f32 to vector<256x128xf32>
    %add3A_1482 = arith.addf %mul3A_1479, %add3A_1481 : vector<256x128xf32>
    %mul3A_1483 = arith.mulf %add3A_1482, %mul3A_1472 : vector<256x128xf32>
    %add3A_1484 = arith.constant -0.00138878031 : f32
    %add3A_1485 = vector.broadcast %add3A_1484 : f32 to vector<256x128xf32>
    %add3A_1486 = arith.addf %mul3A_1483, %add3A_1485 : vector<256x128xf32>
    %mul3A_1487 = arith.mulf %add3A_1486, %mul3A_1472 : vector<256x128xf32>
    %add3A_1488 = arith.constant 0.0416664891 : f32
    %add3A_1489 = vector.broadcast %add3A_1488 : f32 to vector<256x128xf32>
    %add3A_1490 = arith.addf %mul3A_1487, %add3A_1489 : vector<256x128xf32>
    %mul3A_1491 = arith.mulf %add3A_1490, %mul3A_1472 : vector<256x128xf32>
    %add3A_1492 = arith.constant -0.499999881 : f32
    %add3A_1493 = vector.broadcast %add3A_1492 : f32 to vector<256x128xf32>
    %add3A_1494 = arith.addf %mul3A_1491, %add3A_1493 : vector<256x128xf32>
    %mul3A_1495 = arith.mulf %add3A_1494, %mul3A_1472 : vector<256x128xf32>
    %add3A_1496 = arith.constant 1.000000e+00 : f32
    %add3A_1497 = vector.broadcast %add3A_1496 : f32 to vector<256x128xf32>
    %add3A_1498 = arith.addf %mul3A_1495, %add3A_1497 : vector<256x128xf32>
    %concatenate3A_1499 = tpu.concatenate %get3A_1449, %add3A_1498 in 1 : vector<256x128xf32>, vector<256x128xf32> -> vector<256x256xf32>
    %slice3A_1500 = vector.extract_strided_slice %and3A_12 {offsets = [0, 19], sizes = [256, 1], strides = [1, 1]} : vector<256x20xi32> to vector<256x1xi32>
    %eq3A_1501 = vector.broadcast %slice3A_1500 : vector<256x1xi32> to vector<256x128xi32>
    %eq3A_1502 = arith.cmpi eq, %shift_right_arithmetic3A_14, %eq3A_1501 : vector<256x128xi32>
    %jit3A_1503 = arith.constant 0.000000e+00 : f32
    %broadcast_in_dim3A_1504 = vector.broadcast %jit3A_1503 : f32 to vector<256x128xf32>
    %select_n3A_1505 = arith.select %eq3A_1502, %get3A_1454, %broadcast_in_dim3A_1504 : vector<256x128xi1>, vector<256x128xf32>
    %dot_general3A_1506 = arith.constant dense<0.000000e+00> : vector<256x128xf32>
    %dot_general3A_1507 = tpu.matmul %concatenate3A_1499, %get3A_23, %dot_general3A_1506 {dimension_numbers = #tpu.dot_dimension_numbers<[1], [0], [0], [1], [0, 0, 1, 1], [], []>, transpose_lhs_hint = false} : vector<256x256xf32>, vector<256x128xf32>, vector<256x128xf32> -> vector<256x128xf32>
    %dot_general3A_1508 = arith.constant dense<0.000000e+00> : vector<256x128xf32>
    %dot_general3A_1509 = tpu.matmul %select_n3A_1505, %get3A_26, %dot_general3A_1508 {dimension_numbers = #tpu.dot_dimension_numbers<[1], [0], [0], [1], [0, 0, 1, 1], [], []>, transpose_lhs_hint = false} : vector<256x128xf32>, vector<128x128xf32>, vector<256x128xf32> -> vector<256x128xf32>
    %add3A_1510 = arith.addf %dot_general3A_1507, %dot_general3A_1509 : vector<256x128xf32>
    %add3A_1511 = vector.broadcast %get3A_29 : vector<1x128xf32> to vector<256x128xf32>
    %add3A_1512 = arith.addf %add3A_1510, %add3A_1511 : vector<256x128xf32>
    %max3A_1513 = arith.constant 0.000000e+00 : f32
    %max3A_1514 = vector.broadcast %max3A_1513 : f32 to vector<256x128xf32>
    %max3A_1515 = arith.maximumf %add3A_1512, %max3A_1514 : vector<256x128xf32>
    %slice3A_1516 = vector.extract_strided_slice %convert_element_type3A_7 {offsets = [0, 19], sizes = [256, 1], strides = [1, 1]} : vector<256x20xf32> to vector<256x1xf32>
    %mul3A_1517 = vector.broadcast %slice3A_1516 : vector<256x1xf32> to vector<256x128xf32>
    %mul3A_1518 = arith.mulf %max3A_1515, %mul3A_1517 : vector<256x128xf32>
    %add3A_1519 = arith.addf %add3A_1444, %mul3A_1518 : vector<256x128xf32>
    %reduce_sum3A = arith.constant dense<0.000000e+00> : vector<256xf32>
    %reduce_sum3A_1520 = vector.multi_reduction <add>, %convert_element_type3A_7, %reduce_sum3A [1] : vector<256x20xf32> to vector<256xf32>
    %broadcast_in_dim3A_1521 = vector.shape_cast %reduce_sum3A_1520 : vector<256xf32> to vector<256x1xf32>
    %get3A_1522 = arith.constant 0 : index
    %get3A_1523 = arith.constant 0 : index
    %get3A_1524 = vector.load %arg12[%get3A_1522, %get3A_1523] : memref<128x128xf32, #tpu.memory_space<vmem>>, vector<128x128xf32>
    %dot_general3A_1525 = arith.constant dense<0.000000e+00> : vector<256x128xf32>
    %dot_general3A_1526 = tpu.matmul %add3A_1519, %get3A_1524, %dot_general3A_1525 {dimension_numbers = #tpu.dot_dimension_numbers<[1], [0], [0], [1], [0, 0, 1, 1], [], []>, transpose_lhs_hint = false} : vector<256x128xf32>, vector<128x128xf32>, vector<256x128xf32> -> vector<256x128xf32>
    %get3A_1527 = arith.constant 0 : index
    %get3A_1528 = arith.constant 0 : index
    %get3A_1529 = vector.load %arg13[%get3A_1527, %get3A_1528] : memref<1x128xf32, #tpu.memory_space<vmem>>, vector<1x128xf32>
    %mul3A_1530 = vector.broadcast %broadcast_in_dim3A_1521 : vector<256x1xf32> to vector<256x128xf32>
    %mul3A_1531 = vector.broadcast %get3A_1529 : vector<1x128xf32> to vector<256x128xf32>
    %mul3A_1532 = arith.mulf %mul3A_1530, %mul3A_1531 : vector<256x128xf32>
    %add3A_1533 = arith.addf %dot_general3A_1526, %mul3A_1532 : vector<256x128xf32>
    %get3A_1534 = arith.constant 0 : index
    %get3A_1535 = arith.constant 0 : index
    %get3A_1536 = vector.load %arg3[%get3A_1534, %get3A_1535] : memref<256x128xf32, #tpu.memory_space<vmem>>, vector<256x128xf32>
    %get3A_1537 = arith.constant 0 : index
    %get3A_1538 = arith.constant 0 : index
    %get3A_1539 = vector.load %arg14[%get3A_1537, %get3A_1538] : memref<128x128xf32, #tpu.memory_space<vmem>>, vector<128x128xf32>
    %dot_general3A_1540 = arith.constant dense<0.000000e+00> : vector<256x128xf32>
    %dot_general3A_1541 = tpu.matmul %get3A_1536, %get3A_1539, %dot_general3A_1540 {dimension_numbers = #tpu.dot_dimension_numbers<[1], [0], [0], [1], [0, 0, 1, 1], [], []>, transpose_lhs_hint = false} : vector<256x128xf32>, vector<128x128xf32>, vector<256x128xf32> -> vector<256x128xf32>
    %get3A_1542 = arith.constant 0 : index
    %get3A_1543 = arith.constant 0 : index
    %get3A_1544 = vector.load %arg15[%get3A_1542, %get3A_1543] : memref<1x128xf32, #tpu.memory_space<vmem>>, vector<1x128xf32>
    %add3A_1545 = vector.broadcast %get3A_1544 : vector<1x128xf32> to vector<256x128xf32>
    %add3A_1546 = arith.addf %dot_general3A_1541, %add3A_1545 : vector<256x128xf32>
    %max3A_1547 = arith.constant 0.000000e+00 : f32
    %max3A_1548 = vector.broadcast %max3A_1547 : f32 to vector<256x128xf32>
    %max3A_1549 = arith.maximumf %add3A_1546, %max3A_1548 : vector<256x128xf32>
    %get3A_1550 = arith.constant 0 : index
    %get3A_1551 = arith.constant 0 : index
    %get3A_1552 = vector.load %arg16[%get3A_1550, %get3A_1551] : memref<128x128xf32, #tpu.memory_space<vmem>>, vector<128x128xf32>
    %dot_general3A_1553 = arith.constant dense<0.000000e+00> : vector<256x128xf32>
    %dot_general3A_1554 = tpu.matmul %max3A_1549, %get3A_1552, %dot_general3A_1553 {dimension_numbers = #tpu.dot_dimension_numbers<[1], [0], [0], [1], [0, 0, 1, 1], [], []>, transpose_lhs_hint = false} : vector<256x128xf32>, vector<128x128xf32>, vector<256x128xf32> -> vector<256x128xf32>
    %get3A_1555 = arith.constant 0 : index
    %get3A_1556 = arith.constant 0 : index
    %get3A_1557 = vector.load %arg17[%get3A_1555, %get3A_1556] : memref<1x128xf32, #tpu.memory_space<vmem>>, vector<1x128xf32>
    %add3A_1558 = vector.broadcast %get3A_1557 : vector<1x128xf32> to vector<256x128xf32>
    %add3A_1559 = arith.addf %dot_general3A_1554, %add3A_1558 : vector<256x128xf32>
    %get3A_1560 = arith.constant 0 : index
    %get3A_1561 = arith.constant 0 : index
    %get3A_1562 = vector.load %arg18[%get3A_1560, %get3A_1561] : memref<256x128xf32, #tpu.memory_space<vmem>>, vector<128x128xf32>
    %dot_general3A_1563 = arith.constant dense<0.000000e+00> : vector<256x128xf32>
    %dot_general3A_1564 = tpu.matmul %add3A_1533, %get3A_1562, %dot_general3A_1563 {dimension_numbers = #tpu.dot_dimension_numbers<[1], [0], [0], [1], [0, 0, 1, 1], [], []>, transpose_lhs_hint = false} : vector<256x128xf32>, vector<128x128xf32>, vector<256x128xf32> -> vector<256x128xf32>
    %get3A_1565 = arith.constant 128 : index
    %get3A_1566 = arith.constant 0 : index
    %get3A_1567 = vector.load %arg18[%get3A_1565, %get3A_1566] : memref<256x128xf32, #tpu.memory_space<vmem>>, vector<128x128xf32>
    %dot_general3A_1568 = arith.constant dense<0.000000e+00> : vector<256x128xf32>
    %dot_general3A_1569 = tpu.matmul %add3A_1559, %get3A_1567, %dot_general3A_1568 {dimension_numbers = #tpu.dot_dimension_numbers<[1], [0], [0], [1], [0, 0, 1, 1], [], []>, transpose_lhs_hint = false} : vector<256x128xf32>, vector<128x128xf32>, vector<256x128xf32> -> vector<256x128xf32>
    %add3A_1570 = arith.addf %dot_general3A_1564, %dot_general3A_1569 : vector<256x128xf32>
    %get3A_1571 = arith.constant 0 : index
    %get3A_1572 = arith.constant 0 : index
    %get3A_1573 = vector.load %arg19[%get3A_1571, %get3A_1572] : memref<1x128xf32, #tpu.memory_space<vmem>>, vector<1x128xf32>
    %add3A_1574 = vector.broadcast %get3A_1573 : vector<1x128xf32> to vector<256x128xf32>
    %add3A_1575 = arith.addf %add3A_1570, %add3A_1574 : vector<256x128xf32>
    %swap3A = arith.constant 0 : index
    %swap3A_1576 = arith.constant 0 : index
    %swap3A_1577 = vector.load %arg20[%swap3A, %swap3A_1576] : memref<256x128xf32, #tpu.memory_space<vmem>>, vector<256x128xf32>
    tpu.vector_store %arg20[%swap3A, %swap3A_1576], %add3A_1575 {strides = array<i32>} : memref<256x128xf32, #tpu.memory_space<vmem>>, vector<256x128xf32>,
    return
  }
  func.func @transform_0(%arg0: i32) -> (i32, i32, i32) {
    %c0_i32 = arith.constant 0 : i32
    %c0_i32_0 = arith.constant 0 : i32
    %c0_i32_1 = arith.constant 0 : i32
    return %c0_i32, %arg0, %c0_i32_0 : i32, i32, i32
  }
  func.func @transform_1(%arg0: i32) -> (i32, i32, i32) {
    %c0_i32 = arith.constant 0 : i32
    %c0_i32_0 = arith.constant 0 : i32
    %c0_i32_1 = arith.constant 0 : i32
    return %c0_i32, %arg0, %c0_i32_0 : i32, i32, i32
  }
  func.func @transform_2(%arg0: i32) -> (i32, i32) {
    %c0_i32 = arith.constant 0 : i32
    %c0_i32_0 = arith.constant 0 : i32
    return %arg0, %c0_i32 : i32, i32
  }
  func.func @transform_3(%arg0: i32) -> (i32, i32) {
    %c0_i32 = arith.constant 0 : i32
    %c0_i32_0 = arith.constant 0 : i32
    return %arg0, %c0_i32 : i32, i32
  }
  func.func @transform_4(%arg0: i32) -> (i32, i32) {
    %c0_i32 = arith.constant 0 : i32
    %c0_i32_0 = arith.constant 0 : i32
    return %arg0, %c0_i32 : i32, i32
  }
  func.func @transform_5(%arg0: i32) -> (i32, i32) {
    %c0_i32 = arith.constant 0 : i32
    %c0_i32_0 = arith.constant 0 : i32
    return %arg0, %c0_i32 : i32, i32
  }
  func.func @transform_6(%arg0: i32) -> (i32, i32) {
    %c0_i32 = arith.constant 0 : i32
    %c0_i32_0 = arith.constant 0 : i32
    %c0_i32_1 = arith.constant 0 : i32
    return %c0_i32, %c0_i32_0 : i32, i32
  }
  func.func @transform_7(%arg0: i32) -> (i32, i32) {
    %c0_i32 = arith.constant 0 : i32
    %c0_i32_0 = arith.constant 0 : i32
    %c0_i32_1 = arith.constant 0 : i32
    return %c0_i32, %c0_i32_0 : i32, i32
  }
  func.func @transform_8(%arg0: i32) -> (i32, i32) {
    %c0_i32 = arith.constant 0 : i32
    %c0_i32_0 = arith.constant 0 : i32
    %c0_i32_1 = arith.constant 0 : i32
    return %c0_i32, %c0_i32_0 : i32, i32
  }
  func.func @transform_9(%arg0: i32) -> (i32, i32) {
    %c0_i32 = arith.constant 0 : i32
    %c0_i32_0 = arith.constant 0 : i32
    %c0_i32_1 = arith.constant 0 : i32
    return %c0_i32, %c0_i32_0 : i32, i32
  }
  func.func @transform_10(%arg0: i32) -> (i32, i32) {
    %c0_i32 = arith.constant 0 : i32
    %c0_i32_0 = arith.constant 0 : i32
    %c0_i32_1 = arith.constant 0 : i32
    return %c0_i32, %c0_i32_0 : i32, i32
  }
  func.func @transform_11(%arg0: i32) -> (i32, i32) {
    %c0_i32 = arith.constant 0 : i32
    %c0_i32_0 = arith.constant 0 : i32
    %c0_i32_1 = arith.constant 0 : i32
    return %c0_i32, %c0_i32_0 : i32, i32
  }
  func.func @transform_12(%arg0: i32) -> (i32, i32) {
    %c0_i32 = arith.constant 0 : i32
    %c0_i32_0 = arith.constant 0 : i32
    %c0_i32_1 = arith.constant 0 : i32
    return %c0_i32, %c0_i32_0 : i32, i32
  }
  func.func @transform_13(%arg0: i32) -> (i32, i32) {
    %c0_i32 = arith.constant 0 : i32
    %c0_i32_0 = arith.constant 0 : i32
    %c0_i32_1 = arith.constant 0 : i32
    return %c0_i32, %c0_i32_0 : i32, i32
  }
  func.func @transform_14(%arg0: i32) -> (i32, i32) {
    %c0_i32 = arith.constant 0 : i32
    %c0_i32_0 = arith.constant 0 : i32
    %c0_i32_1 = arith.constant 0 : i32
    return %c0_i32, %c0_i32_0 : i32, i32
  }
  func.func @transform_15(%arg0: i32) -> (i32, i32) {
    %c0_i32 = arith.constant 0 : i32
    %c0_i32_0 = arith.constant 0 : i32
    %c0_i32_1 = arith.constant 0 : i32
    return %c0_i32, %c0_i32_0 : i32, i32
  }
  func.func @transform_16(%arg0: i32) -> (i32, i32) {
    %c0_i32 = arith.constant 0 : i32
    %c0_i32_0 = arith.constant 0 : i32
    %c0_i32_1 = arith.constant 0 : i32
    return %c0_i32, %c0_i32_0 : i32, i32
  }
  func.func @transform_17(%arg0: i32) -> (i32, i32) {
    %c0_i32 = arith.constant 0 : i32
    %c0_i32_0 = arith.constant 0 : i32
    %c0_i32_1 = arith.constant 0 : i32
    return %c0_i32, %c0_i32_0 : i32, i32
  }
  func.func @transform_18(%arg0: i32) -> (i32, i32) {
    %c0_i32 = arith.constant 0 : i32
    %c0_i32_0 = arith.constant 0 : i32
    %c0_i32_1 = arith.constant 0 : i32
    return %c0_i32, %c0_i32_0 : i32, i32
  }
  func.func @transform_19(%arg0: i32) -> (i32, i32) {
    %c0_i32 = arith.constant 0 : i32
    %c0_i32_0 = arith.constant 0 : i32
    return %arg0, %c0_i32 : i32, i32
  }
}

</mosaic_0001>

<sc_bundles>
// kernel: kernel.5.cloned.1.call-start
scs
__scs_entry_jumppad:
0x0: {  	(pc) =	sbr.rel $0x88, $3  }
0x1: {  	(tag) =	ssettag $0x0;
	lr =	simm.s32 $0x1  }
0x2: {  	[smem:$0x3F8F] =	sst lr;
	_ =	strace $0xD0000000  }
0x3: {  	_ = 	snop  }
0x4: {  	_ = 	snop  }
0x5: {  	_ = 	snop  }
0x6: {  	_ = 	snop  }
0x7: {  	_ = 	snop  }
__scs_overlays_trampoline_lowered:
0x8: {  	[smem:$0x3F9E] =	sst s0  }
0x9: {  	[smem:$0x3F9F] =	sst s1  }
0xa: {  	[smem:$0x3FA0] =	sst s2  }
0xb: {  	[smem:$0x3FA1] =	sst s3  }
0xc: {  	[smem:$0x3FA2] =	sst s4  }
0xd: {  	[smem:$0x3FA3] =	sst s5  }
0xe: {  	[smem:$0x3FA4] =	sst s6  }
0xf: {  	[smem:$0x3FA5] =	sst s7  }
0x10: {  	[smem:$0x3FA6] =	sst s8  }
0x11: {  	[smem:$0x3FA7] =	sst s9;
	s0 =	simm.s32 @!p0 $0x0  }
0x12: {  	s1 =	sld [smem:$0x3F8D];
	s0 =	simm.s32 @p0 $0x1  }
0x13: {  	[smem:$0x3FA8] =	sst s0;
	s0 =	simm.s32 @!p1 $0x0  }
0x14: {  	s2 =	sld [smem:$0x3F8C];
	s0 =	simm.s32 @p1 $0x1  }
0x15: {  	[smem:$0x3FA9] =	sst s0;
	s0 =	simm.s32 @!p2 $0x0  }
0x16: {  	s3 =	sld [smem:$0x3FDB];
	s0 =	simm.s32 @p2 $0x1  }
0x17: {  	s4 =	simm.s32 $0x1BF5;
	[smem:$0x3FAB] =	sst s0  }
0x18: {  	s0 =	sld [smem:$0x3F8E];
	_ =	swait.ge [sflag:s4], $0x0  }
0x19: {  	s7 =	sld [smem:$0x3F8F]  }
0x1a: {  	s8 =	sadd.s32 $0xFFFFE003, lr  }
0x1b: {  	s9 =	sadd.s32 $0xFFFFFEF7, lr;
	s5 =	simm.s32 $0xFFFFFFFF;
	p2 =	slt.u32 s8, $0xFFFFF086  }
0x1c: {  	p1 =	slt.u32 s9, $0xF7A;
	s5 =	simm.s32 @!p2 $0x0  }
0x1d: {  	s5 =	simm.s32 @p1 $0x1;
	p0 =	seq.s32 s7, s2  }
0x1e: {  	s7 =	smul.u32 @!p0 $0xF7A, s2;
	p2 =	seq.s32 @!p0 s5, $0x0  }
0x1f: {  	s9 =	smul.u32 $0xF7A, s1;
	s8 =	simm.s32 @!p0 $0x1BF5;
	p2 =	por !p2, p0  }
0x20: {  	[sflag:s8] =	ssyncset.s32 @!p0 $0xFFFFF086;
	s6 =	sadd.s32 @!p0 s3, s7;
	s7 =	simm.s32 @!p0 $0x108  }
0x21: {  	s3 =	sadd.s32 s3, s9;
	s6 =	sadd.s32 @!p0 $0x88, s6;
	s7 =	simm.s32 @p2 $0x1082  }
0x22: {  	[simem:s7], [sflag:s8] =	dma.local @!p0 [hbm:s6], $0xF7A  }
0x23: {  	s9 =	sor.u32 $0xD0000000, s2;
	s6 =	simm.s32 $0x108;
	_ =	swait.ge @!p0 [sflag:s8], $0x0  }
0x24: {  	s3 =	sadd.s32 $0x88, s3;
	s6 =	simm.s32 @!p1 $0x1082;
	[sflag:s4] =	ssyncset.s32 $0xFFFFF086  }
0x25: {  	[simem:s6], [sflag:s4] =	dma.local [hbm:s3], $0xF7A  }
0x26: {  	[smem:$0x3F8F] =	sst s1;
	(tag) =	ssettag s2;
	_ =	strace s9  }
0x27: {  	s1 =	sld [smem:$0x3F9F]  }
0x28: {  	s2 =	sld [smem:$0x3FA0]  }
0x29: {  	s4 =	sld [smem:$0x3FA2]  }
0x2a: {  	p0 =	seq.s32 s5, $0x0;
	s5 =	sld [smem:$0x3FA3]  }
0x2b: {  	s6 =	sld [smem:$0x3FA4]  }
0x2c: {  	s7 =	sld [smem:$0x3FA5]  }
0x2d: {  	s3 =	simm.s32 $0x108;
	s8 =	sld [smem:$0x3FA6]  }
0x2e: {  	s3 =	simm.s32 @!p0 $0x1082;
	s9 =	sld [smem:$0x3FA7]  }
0x2f: {  	lr =	sadd.s32 s0, s3;
	s0 =	sld [smem:$0x3F9E]  }
0x30: {  	s3 =	sld [smem:$0x3FA1]  }
0x31: {  	[smem:$0x3FAA] =	sst s10  }
0x32: {  	s10 =	sld [smem:$0x3FA8];
	_ =	sdelay $0x3  }
0x33: {  	p0 =	seq.s32 s10, $0x1;
	s10 =	sld [smem:$0x3FAA];
	_ =	sdelay $0x3  }
0x34: {  	[smem:$0x3FAA] =	sst s10  }
0x35: {  	s10 =	sld [smem:$0x3FA9];
	_ =	sdelay $0x3  }
0x36: {  	p1 =	seq.s32 s10, $0x1;
	s10 =	sld [smem:$0x3FAA];
	_ =	sdelay $0x3  }
0x37: {  	[smem:$0x3FAA] =	sst s10  }
0x38: {  	s10 =	sld [smem:$0x3FAB]  }
0x39: {  	_ = 	snop;
	(pc) =	sbr.ind lr, $3  }
0x3a: {  	_ = 	snop  }
0x3b: {  	_ = 	snop  }
0x3c: {  	p2 =	seq.s32 s10, $0x1;
	s10 =	sld [smem:$0x3FAA]  }
0x3d: {  	_ =	shalt  }
0x3e: {  	_ =	shalt  }
0x3f: {  	_ =	shalt  }
0x40: {  	_ =	shalt  }
0x41: {  	_ =	shalt  }
0x42: {  	_ =	shalt  }
0x43: {  	_ =	shalt  }
0x44: {  	_ =	shalt  }
0x45: {  	_ =	shalt  }
0x46: {  	_ =	shalt  }
0x47: {  	_ =	shalt  }
0x48: {  	_ =	shalt  }
0x49: {  	_ =	shalt  }
0x4a: {  	_ =	shalt  }
0x4b: {  	_ =	shalt  }
0x4c: {  	_ =	shalt  }
0x4d: {  	_ =	shalt  }
0x4e: {  	_ =	shalt  }
0x4f: {  	_ =	shalt  }
0x50: {  	_ =	shalt  }
0x51: {  	_ =	shalt  }
0x52: {  	_ =	shalt  }
0x53: {  	_ =	shalt  }
0x54: {  	_ =	shalt  }
0x55: {  	_ =	shalt  }
0x56: {  	_ =	shalt  }
0x57: {  	_ =	shalt  }
0x58: {  	_ =	shalt  }
0x59: {  	_ =	shalt  }
0x5a: {  	_ =	shalt  }
0x5b: {  	_ =	shalt  }
0x5c: {  	_ =	shalt  }
0x5d: {  	_ =	shalt  }
0x5e: {  	_ =	shalt  }
0x5f: {  	_ =	shalt  }
0x60: {  	_ =	shalt  }
0x61: {  	_ =	shalt  }
0x62: {  	_ =	shalt  }
0x63: {  	_ =	shalt  }
0x64: {  	_ =	shalt  }
0x65: {  	_ =	shalt  }
0x66: {  	_ =	shalt  }
0x67: {  	_ =	shalt  }
0x68: {  	_ =	shalt  }
0x69: {  	_ =	shalt  }
0x6a: {  	_ =	shalt  }
0x6b: {  	_ =	shalt  }
0x6c: {  	_ =	shalt  }
0x6d: {  	_ =	shalt  }
0x6e: {  	_ =	shalt  }
0x6f: {  	_ =	shalt  }
0x70: {  	_ =	shalt  }
0x71: {  	_ =	shalt  }
0x72: {  	_ =	shalt  }
0x73: {  	_ =	shalt  }
0x74: {  	_ =	shalt  }
0x75: {  	_ =	shalt  }
0x76: {  	_ =	shalt  }
0x77: {  	_ =	shalt  }
0x78: {  	_ =	shalt  }
0x79: {  	_ =	shalt  }
0x7a: {  	_ =	shalt  }
0x7b: {  	_ =	shalt  }
0x7c: {  	_ =	shalt  }
0x7d: {  	_ =	shalt  }
0x7e: {  	_ =	shalt  }
0x7f: {  	_ =	shalt  }
0x80: {  	_ =	shalt  }
0x81: {  	_ =	shalt  }
0x82: {  	_ =	shalt  }
0x83: {  	_ =	shalt  }
0x84: {  	_ =	shalt  }
0x85: {  	_ =	shalt  }
0x86: {  	_ =	shalt  }
0x87: {  	_ =	shalt  }
.Lfunc_end0:
.L_simem_size_0:
called_computation_lowered:
.L_overlay_start_0:
0x88: {  	s2 =	sld [smem:$0x3FD9]  }
0x89: {  	s3 =	sld [smem:$0x3FFE];
	_ =	sdelay $0x1  }
0x8a: {  	s1 =	srdreg.scid  }
0x8b: {  	s0 =	sand.u32 $0x1, s1  }
0x8c: {  	s17 =	sshll.u32 s0, $0xA;
	s2 =	sadd.s32 s3, s2  }
0x8d: {  	s2 =	sadd.s32 s2, s17  }
0x8e: {  	[smem:$0x3FB6] =	sst s2  }
0x8f: {  	_ = 	snop  }
0x90: {  	s2 =	sld [smem:$0x3FC9]  }
0x91: {  	s18 =	sld [smem:$0x3FBA]  }
0x92: {  	s4 =	sld [smem:$0x3FD0];
	(tm) =	ssettm $0x1  }
0x93: {  	s5 =	sld [smem:$0x3FFB];
	_ =	sdelay $0x3  }
0x94: {  	_ =	strace s5  }
0x95: {  	s5 =	sld [smem:$0x3FFC];
	_ =	sdelay $0x3  }
0x96: {  	_ =	strace s5  }
0x97: {  	s5 =	sld [smem:$0x3FFD];
	_ =	sdelay $0x3  }
0x98: {  	_ =	strace s5  }
0x99: {  	_ =	strace $0x8FFFFFFF  }
0x9a: {  	s19 =	sld [smem:$0x3FDB];
	_ =	sdelay $0x1  }
0x9b: {  	s6 =	simm.s32 $_scs_section_size  }
0x9c: {  	s7 =	simm.s32 $_size__tile_overlayer_lowered;
	s8 =	simm.s32 $_tile_overlayer_lowered  }
0x9d: {  	s22 =	simm.s32 $0x1BFF;
	s21 =	sshll.u32 s8, $0x1;
	s5 =	sadd.s32 s6, s19  }
0x9e: {  	s9 =	simm.s32 $0x0;
	s20 =	sshll.u32 s7, $0x1;
	s7 =	sadd.s32 s21, s5  }
0x9f: {  	[timem:s9], [sflag:s22] =	dma.local [hbm:s7], s20  }
0xa0: {  	_ =	swait.ge [sflag:s22], s20  }
0xa1: {  	s6 =	ssub.s32 $0x0, s20;
	[sflag:s22] =	ssyncset.done $0x0  }
0xa2: {  	[sflag:s22] =	ssyncadd.s32 s6;
	_ =	sdelay $0x1  }
0xa3: {  	s23 =	simm.s32 $0x1B8B  }
0xa4: {  	_ =	swait.ge [sflag:s23], $0x1  }
0xa5: {  	[sflag:s23] =	ssyncset.done $0x0  }
0xa6: {  	s25 =	simm.s32 $0x1B8E;
	s24 =	sld [smem:$0x3FFE];
	[sflag:s23] =	ssyncadd.s32 $0xFFFFFFFF  }
0xa7: {  	s26 =	simm.s32 $execute0_lowered;
	[smem:$0x3FD2] =	sst s25  }
0xa8: {  	s7 =	sshll.u32 s26, $0x1;
	_ =	strace $0x80000046;
	[dreg:$0x1] =	wrdreg $0xFFFFFFFF  }
0xa9: {  	s28 =	simm.s32 $_size_execute0_lowered;
	s5 =	sadd.s32 s5, s7;
	[dreg:$0x0] =	wrdreg $0x0  }
0xaa: {  	s7 =	sshll.u32 s28, $0x1;
	[dreg:$0x2] =	wrdreg s5  }
0xab: {  	[dreg:$0x3] =	wrdreg s7  }
0xac: {  	[dreg:$0x4] =	wrdreg $0xC0  }
0xad: {  	_ =	task [dreg:s9], $0x5FFFF  }
0xae: {  	[dreg:$0x1] =	wrdreg $0xFFFFFFFF  }
0xaf: {  	[dreg:$0x0] =	wrdreg $0x60  }
0xb0: {  	[dreg:$0x2] =	wrdreg s2  }
0xb1: {  	[dreg:$0x3] =	wrdreg s24  }
0xb2: {  	[dreg:$0x4] =	wrdreg s18  }
0xb3: {  	[dreg:$0x5] =	wrdreg s4  }
0xb4: {  	[dreg:$0x6] =	wrdreg $0x9  }
0xb5: {  	_ =	task.clear_ibuf [dreg:s9], $0x7FFFF;
	_ =	strace $0x90000046  }
0xb6: {  	s29 =	simm.s32 $0x9;
	_ =	strace $0x80000048  }
0xb7: {  	_ =	swait.ge [sflag:s29], $0x1  }
0xb8: {  	[sflag:s29] =	ssyncadd.s32 $0xFFFFFFFF  }
0xb9: {  	_ =	strace $0x90000048  }
0xba: {  	_ =	sfence  }
0xbb: {  	s30 =	sld [smem:$0x0];
	_ =	sdelay $0x2  }
0xbc: {  	s31 =	sshll.u32 s1, $0xD;
	s1 =	sshrl.u32 s1, $0x2  }
0xbd: {  	s3 =	sand.u32 $0x4000, s31;
	s1 =	sadd.s32 s1, s30  }
0xbe: {  	s0 =	sor.u32 s3, s0;
	s1 =	sshll.u32 s1, $0x11  }
0xbf: {  	s0 =	sor.u32 s1, s0  }
0xc0: {  	s0 =	sadd.s32 $0x8F2B, s0  }
0xc1: {  	[sflag:s0] =	ssyncadd.remote.s32 $0x1  }
0xc2: {  	_ =	sfence.sel $0xFFFF  }
0xc3: {  	[dreg:$0x0] =	wrdreg $0xFFFFFFFF;
	(pc) =	sbr.abs _section_cstart, $3  }
0xc4: {  	[dreg:$0x1] =	wrdreg $0xFFFFFFFF  }
0xc5: {  	_ =	task.clear_ibuf [dreg:s9], $0x2FFFF;
	_ =	strace $0x9FFFFFFF  }
0xc6: {  	(tm) =	ssettm $0x7FFFFFFF  }
0xc7: {  	_ =	shalt  }
tec
execute0_lowered:
.L_overlay_start_1:
0x0: {  	(tag) =	ssettag $0x1  }
0x1: {  	s1 =	rddreg [dreg:$0x0]  }
0x2: {  	s4 =	rddreg [dreg:$0x1]  }
0x3: {  	s2 =	srdreg.scid;
	s5 =	rddreg [dreg:$0x2]  }
0x4: {  	s0 =	stileid.u32;
	s7 =	rddreg [dreg:$0x3]  }
0x5: {  	s3 =	simm.s32 $0x0;
	s17 =	simm.s32 $0x5500;
	s18 =	simm.s32 $0x1  }
0x6: {  	s19 =	simm.s32 $0x2;
	s20 =	simm.s32 $0x1380;
	s14 =	smul.u32 $0x140000, s0  }
0x7: {  	s21 =	simm.s32 $0x1480;
	s10 =	sand.u32 $0x1, s2;
	s16 =	smul.u32 $0x28000, s0  }
0x8: {  	s22 =	simm.s32 $0x0;
	s23 =	sshll.u32 s0, $0x1;
	s28 =	smul.u32 $0xA0000, s10  }
0x9: {  	s2 =	rddreg [dreg:$0x4];
	s6 =	sor.u32 s10, s23;
	s29 =	smul.u32 $0x14000, s10  }
0xa: {  	[smem:$0x7FF] =	sst s3;
	s12 =	sadd.s32 $0x8200, s4;
	s8 =	smul.u32 $0x1400, s6  }
0xb: {  	s9 =	ssub.s32 $0x2, s10;
	_ =	strace $0x80000047;
	s24 =	smul.u32 $0xA0000, s6  }
0xc: {  	s11 =	sshrl.u32 s9, $0x1;
	s25 =	sshll.u32 s6, $0x5;
	s13 =	smul.u32 $0x14000, s6  }
0xd: {  	s6 =	sshll.u32 s6, $0xC;
	s31 =	sadd.s32 s16, s12;
	s16 =	simm.s32 $0x80  }
0xe: {  	s9 =	ssub.s32 s9, s11;
	s5 =	sadd.s32 s5, s25;
	s6 =	sadd.s32 s7, s6  }
0xf: {  	s11 =	sadd.s32 s28, s14;
	s14 =	simm.s32 $0x1400;
	s8 =	sshrl.u32 s8, $0x3  }
0x10: {  	s26 =	sshrl.u32 s24, $0x3;
	s7 =	sadd.s32 $0x800, s6;
	s30 =	sadd.s32 s12, s13  }
0x11: {  	s11 =	sshrl.u32 s11, $0x3;
	s13 =	sadd.s32 s29, s31;
	s8 =	sadd.s32 s8, s4  }
0x12: {  	s15 =	sadd.s32 s12, s26;
	s10 =	sadd.s32 $0x13800, s30;
	s11 =	sadd.s32 s11, s12  }
0x13: {  	s12 =	sadd.s32 $0x800, s13;
	s13 =	simm.s32 $0x3;
	s4 =	sadd.s32 $0x3200, s8  }
0x14: {  	s8 =	smax.u32 s9, $0x1;
	s9 =	sadd.s32 $0x13000, s15;
	s15 =	simm.s32 $0x1500  }
.LBB2_1:
0x15: {  	[tilespmem:s3], [sflag:$0x3] =	stream.linear.gather [hbm4b:s4+s3], $0x1400, $0x38;
	[tilespmem:$0x9500] =	vst v63  }
0x16: {  	_ =	swait.ge [sflag:s13], $0x1400  }
0x17: {  	[sflag:s13] =	ssyncset.done $0x0  }
0x18: {  	[sflag:s13] =	ssyncadd.s32 $0xFFFFEC00  }
0x19: {  	[tilespmem:s14], [sflag:$0x3] =	stream.linear.gather [hbm4b:s5+s3], $0x100, $0x38;
	[tilespmem:$0x9500] =	vst v63  }
0x1a: {  	_ =	swait.ge [sflag:s13], $0x100  }
0x1b: {  	[sflag:s13] =	ssyncset.done $0x0  }
0x1c: {  	[sflag:s13] =	ssyncadd.s32 $0xFFFFFF00  }
0x1d: {  	[tilespmem:s15], [sflag:$0x1] =	stream.indirect.gather [hbm4b:s1+s16], $0x80, s3, s16, $0xb8;
	[tilespmem:$0x9500] =	vst v63  }
0x1e: {  	_ = 	snop  }
0x1f: {  	[tilespmem:s17], [sflag:$0x2] =	stream.indirect.gather [hbm4b:s1+s16], $0x80, s16, s16, $0xb8;
	[tilespmem:$0x9500] =	vst v63  }
0x20: {  	_ =	swait.ge [sflag:s18], $0x4000  }
0x21: {  	[sflag:s18] =	ssyncset.done $0x0  }
0x22: {  	s23 =	sadd.s32 $0x0, s11;
	[sflag:s18] =	ssyncadd.s32 $0xFFFFC000  }
0x23: {  	[hbm4b:s23+s3] =	stream.linear.scatter [tilespmem:s15], [sflag:$0x3], $0x4000, $0x38;
	[tilespmem:$0x9500] =	vst v63  }
0x24: {  	_ =	swait.ge [sflag:s13], $0x4000  }
0x25: {  	[sflag:s13] =	ssyncset.done $0x0  }
0x26: {  	s30 =	simm.s32 $0x100;
	[sflag:s13] =	ssyncadd.s32 $0xFFFFC000  }
0x27: {  	[tilespmem:s15], [sflag:$0x1] =	stream.indirect.gather [hbm4b:s1+s16], $0x80, s30, s16, $0xb8;
	[tilespmem:$0x9500] =	vst v63  }
0x28: {  	_ =	swait.ge [sflag:s19], $0x4000  }
0x29: {  	[sflag:s19] =	ssyncset.done $0x0  }
0x2a: {  	s31 =	sadd.s32 $0x0, s12;
	[sflag:s19] =	ssyncadd.s32 $0xFFFFC000  }
0x2b: {  	[hbm4b:s31+s3] =	stream.linear.scatter [tilespmem:s17], [sflag:$0x3], $0x4000, $0x38;
	[tilespmem:$0x9500] =	vst v63  }
0x2c: {  	_ =	swait.ge [sflag:s13], $0x4000  }
0x2d: {  	s24 =	simm.s32 $0x80;
	s23 =	simm.s32 $0x1000;
	[sflag:s13] =	ssyncset.done $0x0  }
.LBB2_2:
0x2e: {  	p0 =	sne.s32 s23, $0x12000;
	[sflag:s13] =	ssyncadd.s32 $0xFFFFC000;
	s24 =	sadd.s32 $0x100, s24  }
0x2f: {  	[tilespmem:s17], [sflag:$0x2] =	stream.indirect.gather [hbm4b:s1+s16], $0x80, s24, s16, $0xb8;
	[tilespmem:$0x9500] =	vst v63  }
0x30: {  	s25 =	smov.u32 s23;
	s23 =	sadd.s32 $0x1000, s23;
	_ =	swait.ge [sflag:s18], $0x4000  }
0x31: {  	[sflag:s18] =	ssyncset.done $0x0  }
0x32: {  	s26 =	sadd.s32 s25, s11;
	[sflag:s18] =	ssyncadd.s32 $0xFFFFC000  }
0x33: {  	[hbm4b:s26+s3] =	stream.linear.scatter [tilespmem:s15], [sflag:$0x3], $0x4000, $0x38;
	[tilespmem:$0x9500] =	vst v63  }
0x34: {  	_ =	swait.ge [sflag:s13], $0x4000  }
0x35: {  	[sflag:s13] =	ssyncset.done $0x0  }
0x36: {  	s26 =	sadd.s32 $0x80, s24;
	[sflag:s13] =	ssyncadd.s32 $0xFFFFC000  }
0x37: {  	[tilespmem:s15], [sflag:$0x1] =	stream.indirect.gather [hbm4b:s1+s16], $0x80, s26, s16, $0xb8;
	[tilespmem:$0x9500] =	vst v63  }
0x38: {  	_ =	swait.ge [sflag:s19], $0x4000  }
.Ltmp0:
0x39: {  	[sflag:s19] =	ssyncset.done $0x0;
	(pc) =	sbr.rel @p0 .LBB2_2-.Ltmp0, $4  }
0x3a: {  	s25 =	sadd.s32 s25, s12;
	[sflag:s19] =	ssyncadd.s32 $0xFFFFC000  }
0x3b: {  	[hbm4b:s25+s3] =	stream.linear.scatter [tilespmem:s17], [sflag:$0x3], $0x4000, $0x38;
	[tilespmem:$0x9500] =	vst v63  }
0x3c: {  	_ =	swait.ge [sflag:s13], $0x4000  }
0x3d: {  	[sflag:s13] =	ssyncset.done $0x0  }
0x3e: {  	[sflag:s13] =	ssyncadd.s32 $0xFFFFC000  }
0x3f: {  	[tilespmem:s17], [sflag:$0x2] =	stream.indirect.gather [hbm4b:s1+s16], $0x80, s20, s16, $0xb8;
	[tilespmem:$0x9500] =	vst v63  }
0x40: {  	_ =	swait.ge [sflag:s18], $0x4000  }
0x41: {  	[sflag:s18] =	ssyncset.done $0x0  }
0x42: {  	[sflag:s18] =	ssyncadd.s32 $0xFFFFC000  }
0x43: {  	[hbm4b:s9+s3] =	stream.linear.scatter [tilespmem:s15], [sflag:$0x3], $0x4000, $0x38;
	[tilespmem:$0x9500] =	vst v63  }
0x44: {  	_ =	swait.ge [sflag:s13], $0x4000  }
0x45: {  	[sflag:s13] =	ssyncset.done $0x0  }
0x46: {  	[sflag:s13] =	ssyncadd.s32 $0xFFFFC000  }
0x47: {  	_ =	swait.ge [sflag:s19], $0x4000  }
0x48: {  	[sflag:s19] =	ssyncset.done $0x0  }
0x49: {  	[sflag:s19] =	ssyncadd.s32 $0xFFFFC000  }
0x4a: {  	[hbm4b:s10+s3] =	stream.linear.scatter [tilespmem:s17], [sflag:$0x3], $0x4000, $0x38;
	[tilespmem:$0x9500] =	vst v63  }
0x4b: {  	_ =	swait.ge [sflag:s13], $0x4000  }
0x4c: {  	[sflag:s13] =	ssyncset.done $0x0  }
0x4d: {  	[sflag:s13] =	ssyncadd.s32 $0xFFFFC000  }
0x4e: {  	[tilespmem:s15], [sflag:$0x1] =	stream.indirect.gather [hbm4b:s1+s16], $0x80, s14, s16, $0xb8;
	[tilespmem:$0x9500] =	vst v63  }
0x4f: {  	_ = 	snop  }
0x50: {  	[tilespmem:s17], [sflag:$0x2] =	stream.indirect.gather [hbm4b:s1+s16], $0x80, s21, s16, $0xb8;
	[tilespmem:$0x9500] =	vst v63  }
0x51: {  	_ =	swait.ge [sflag:s18], $0x4000  }
0x52: {  	[sflag:s18] =	ssyncset.done $0x0  }
0x53: {  	[sflag:s18] =	ssyncadd.s32 $0xFFFFC000  }
0x54: {  	[hbm4b:s6+s3] =	stream.linear.scatter [tilespmem:s15], [sflag:$0x3], $0x4000, $0x38;
	[tilespmem:$0x9500] =	vst v63  }
0x55: {  	_ =	swait.ge [sflag:s13], $0x4000  }
0x56: {  	[sflag:s13] =	ssyncset.done $0x0  }
0x57: {  	[sflag:s13] =	ssyncadd.s32 $0xFFFFC000  }
0x58: {  	s22 =	sadd.s32 $0x1, s22;
	_ =	swait.ge [sflag:s19], $0x4000  }
0x59: {  	p0 =	sne.s32 s22, s8;
	[sflag:s19] =	ssyncset.done $0x0  }
.Ltmp1:
0x5a: {  	[sflag:s19] =	ssyncadd.s32 $0xFFFFC000;
	(pc) =	sbr.rel @p0 .LBB2_1-.Ltmp1, $4  }
0x5b: {  	[hbm4b:s7+s3] =	stream.linear.scatter [tilespmem:s17], [sflag:$0x3], $0x4000, $0x38;
	[tilespmem:$0x9500] =	vst v63  }
0x5c: {  	_ =	swait.ge [sflag:s13], $0x4000  }
0x5d: {  	[sflag:s13] =	ssyncset.done $0x0  }
0x5e: {  	[sflag:s13] =	ssyncadd.s32 $0xFFFFC000  }
0x5f: {  	_ =	sfence.sel $0x180000  }
0x60: {  	[bflag:$0x0] =	sbarrier.arrive $0xFFFF  }
0x61: {  	p0 =	sne.s32 s0, $0x0;
	_ =	strace $0x90000047  }
0x62: {  	s0 =	sadd.s32 @!p0 $0x100000, s2;
	[bflag:$0x2] =	sbarrier.arrive $0xFFFF  }
0x63: {  	[sflag:s0] =	ssyncadd.tile.s32 @!p0 $0x1;
	_ =	shalt  }
.Lfunc_end2:
_tile_overlayer_lowered:
.L_overlay_start_2:
0x64: {  	(tag) =	ssettag $0x2  }
0x65: {  	s0 =	rddreg [dreg:$0x0];
	s2 =	stileid.u32  }
0x66: {  	s1 =	rddreg [dreg:$0x1];
	p0 =	sne.s32 s2, $0x0  }
0x67: {  	s3 =	rddreg [dreg:$0x2];
	[bflag:$0x3] =	sbarrier.arrive $0xFFFF;
	s2 =	simm.s32 @!p0 $0x1C03  }
0x68: {  	[timem:s3], [sflag:s2] =	dma.local @!p0 [hbm:s0], s1  }
0x69: {  	s0 =	simm.s32 @!p0 $0x3  }
0x6a: {  	_ =	swait.ge @!p0 [sflag:s0], s1  }
0x6b: {  	s1 =	ssub.s32 @!p0 $0x0, s1;
	[sflag:s0] =	ssyncset.done @!p0 $0x0  }
0x6c: {  	[sflag:s0] =	ssyncadd.s32 @!p0 s1  }
0x6d: {  	[bflag:$0x3] =	sbarrier.arrive $0xFFFF  }
0x6e: {  	_ =	shalt  }

// kernel: kernel.8.cloned.1.call-start
scs
__scs_entry_jumppad:
0x0: {  	(pc) =	sbr.rel $0x88, $3  }
0x1: {  	(tag) =	ssettag $0x0;
	lr =	simm.s32 $0x1  }
0x2: {  	[smem:$0x3F8F] =	sst lr;
	_ =	strace $0xD0000000  }
0x3: {  	_ = 	snop  }
0x4: {  	_ = 	snop  }
0x5: {  	_ = 	snop  }
0x6: {  	_ = 	snop  }
0x7: {  	_ = 	snop  }
__scs_overlays_trampoline_lowered:
0x8: {  	[smem:$0x3F9E] =	sst s0  }
0x9: {  	[smem:$0x3F9F] =	sst s1  }
0xa: {  	[smem:$0x3FA0] =	sst s2  }
0xb: {  	[smem:$0x3FA1] =	sst s3  }
0xc: {  	[smem:$0x3FA2] =	sst s4  }
0xd: {  	[smem:$0x3FA3] =	sst s5  }
0xe: {  	[smem:$0x3FA4] =	sst s6  }
0xf: {  	[smem:$0x3FA5] =	sst s7  }
0x10: {  	[smem:$0x3FA6] =	sst s8  }
0x11: {  	[smem:$0x3FA7] =	sst s9;
	s0 =	simm.s32 @!p0 $0x0  }
0x12: {  	s1 =	sld [smem:$0x3F8D];
	s0 =	simm.s32 @p0 $0x1  }
0x13: {  	[smem:$0x3FA8] =	sst s0;
	s0 =	simm.s32 @!p1 $0x0  }
0x14: {  	s2 =	sld [smem:$0x3F8C];
	s0 =	simm.s32 @p1 $0x1  }
0x15: {  	[smem:$0x3FA9] =	sst s0;
	s0 =	simm.s32 @!p2 $0x0  }
0x16: {  	s3 =	sld [smem:$0x3FDB];
	s0 =	simm.s32 @p2 $0x1  }
0x17: {  	s4 =	simm.s32 $0x1BF5;
	[smem:$0x3FAB] =	sst s0  }
0x18: {  	s0 =	sld [smem:$0x3F8E];
	_ =	swait.ge [sflag:s4], $0x0  }
0x19: {  	s7 =	sld [smem:$0x3F8F]  }
0x1a: {  	s8 =	sadd.s32 $0xFFFFE003, lr  }
0x1b: {  	s9 =	sadd.s32 $0xFFFFFEF7, lr;
	s5 =	simm.s32 $0xFFFFFFFF;
	p2 =	slt.u32 s8, $0xFFFFF086  }
0x1c: {  	p1 =	slt.u32 s9, $0xF7A;
	s5 =	simm.s32 @!p2 $0x0  }
0x1d: {  	s5 =	simm.s32 @p1 $0x1;
	p0 =	seq.s32 s7, s2  }
0x1e: {  	s7 =	smul.u32 @!p0 $0xF7A, s2;
	p2 =	seq.s32 @!p0 s5, $0x0  }
0x1f: {  	s9 =	smul.u32 $0xF7A, s1;
	s8 =	simm.s32 @!p0 $0x1BF5;
	p2 =	por !p2, p0  }
0x20: {  	[sflag:s8] =	ssyncset.s32 @!p0 $0xFFFFF086;
	s6 =	sadd.s32 @!p0 s3, s7;
	s7 =	simm.s32 @!p0 $0x108  }
0x21: {  	s3 =	sadd.s32 s3, s9;
	s6 =	sadd.s32 @!p0 $0x88, s6;
	s7 =	simm.s32 @p2 $0x1082  }
0x22: {  	[simem:s7], [sflag:s8] =	dma.local @!p0 [hbm:s6], $0xF7A  }
0x23: {  	s9 =	sor.u32 $0xD0000000, s2;
	s6 =	simm.s32 $0x108;
	_ =	swait.ge @!p0 [sflag:s8], $0x0  }
0x24: {  	s3 =	sadd.s32 $0x88, s3;
	s6 =	simm.s32 @!p1 $0x1082;
	[sflag:s4] =	ssyncset.s32 $0xFFFFF086  }
0x25: {  	[simem:s6], [sflag:s4] =	dma.local [hbm:s3], $0xF7A  }
0x26: {  	[smem:$0x3F8F] =	sst s1;
	(tag) =	ssettag s2;
	_ =	strace s9  }
0x27: {  	s1 =	sld [smem:$0x3F9F]  }
0x28: {  	s2 =	sld [smem:$0x3FA0]  }
0x29: {  	s4 =	sld [smem:$0x3FA2]  }
0x2a: {  	p0 =	seq.s32 s5, $0x0;
	s5 =	sld [smem:$0x3FA3]  }
0x2b: {  	s6 =	sld [smem:$0x3FA4]  }
0x2c: {  	s7 =	sld [smem:$0x3FA5]  }
0x2d: {  	s3 =	simm.s32 $0x108;
	s8 =	sld [smem:$0x3FA6]  }
0x2e: {  	s3 =	simm.s32 @!p0 $0x1082;
	s9 =	sld [smem:$0x3FA7]  }
0x2f: {  	lr =	sadd.s32 s0, s3;
	s0 =	sld [smem:$0x3F9E]  }
0x30: {  	s3 =	sld [smem:$0x3FA1]  }
0x31: {  	[smem:$0x3FAA] =	sst s10  }
0x32: {  	s10 =	sld [smem:$0x3FA8];
	_ =	sdelay $0x3  }
0x33: {  	p0 =	seq.s32 s10, $0x1;
	s10 =	sld [smem:$0x3FAA];
	_ =	sdelay $0x3  }
0x34: {  	[smem:$0x3FAA] =	sst s10  }
0x35: {  	s10 =	sld [smem:$0x3FA9];
	_ =	sdelay $0x3  }
0x36: {  	p1 =	seq.s32 s10, $0x1;
	s10 =	sld [smem:$0x3FAA];
	_ =	sdelay $0x3  }
0x37: {  	[smem:$0x3FAA] =	sst s10  }
0x38: {  	s10 =	sld [smem:$0x3FAB]  }
0x39: {  	_ = 	snop;
	(pc) =	sbr.ind lr, $3  }
0x3a: {  	_ = 	snop  }
0x3b: {  	_ = 	snop  }
0x3c: {  	p2 =	seq.s32 s10, $0x1;
	s10 =	sld [smem:$0x3FAA]  }
0x3d: {  	_ =	shalt  }
0x3e: {  	_ =	shalt  }
0x3f: {  	_ =	shalt  }
0x40: {  	_ =	shalt  }
0x41: {  	_ =	shalt  }
0x42: {  	_ =	shalt  }
0x43: {  	_ =	shalt  }
0x44: {  	_ =	shalt  }
0x45: {  	_ =	shalt  }
0x46: {  	_ =	shalt  }
0x47: {  	_ =	shalt  }
0x48: {  	_ =	shalt  }
0x49: {  	_ =	shalt  }
0x4a: {  	_ =	shalt  }
0x4b: {  	_ =	shalt  }
0x4c: {  	_ =	shalt  }
0x4d: {  	_ =	shalt  }
0x4e: {  	_ =	shalt  }
0x4f: {  	_ =	shalt  }
0x50: {  	_ =	shalt  }
0x51: {  	_ =	shalt  }
0x52: {  	_ =	shalt  }
0x53: {  	_ =	shalt  }
0x54: {  	_ =	shalt  }
0x55: {  	_ =	shalt  }
0x56: {  	_ =	shalt  }
0x57: {  	_ =	shalt  }
0x58: {  	_ =	shalt  }
0x59: {  	_ =	shalt  }
0x5a: {  	_ =	shalt  }
0x5b: {  	_ =	shalt  }
0x5c: {  	_ =	shalt  }
0x5d: {  	_ =	shalt  }
0x5e: {  	_ =	shalt  }
0x5f: {  	_ =	shalt  }
0x60: {  	_ =	shalt  }
0x61: {  	_ =	shalt  }
0x62: {  	_ =	shalt  }
0x63: {  	_ =	shalt  }
0x64: {  	_ =	shalt  }
0x65: {  	_ =	shalt  }
0x66: {  	_ =	shalt  }
0x67: {  	_ =	shalt  }
0x68: {  	_ =	shalt  }
0x69: {  	_ =	shalt  }
0x6a: {  	_ =	shalt  }
0x6b: {  	_ =	shalt  }
0x6c: {  	_ =	shalt  }
0x6d: {  	_ =	shalt  }
0x6e: {  	_ =	shalt  }
0x6f: {  	_ =	shalt  }
0x70: {  	_ =	shalt  }
0x71: {  	_ =	shalt  }
0x72: {  	_ =	shalt  }
0x73: {  	_ =	shalt  }
0x74: {  	_ =	shalt  }
0x75: {  	_ =	shalt  }
0x76: {  	_ =	shalt  }
0x77: {  	_ =	shalt  }
0x78: {  	_ =	shalt  }
0x79: {  	_ =	shalt  }
0x7a: {  	_ =	shalt  }
0x7b: {  	_ =	shalt  }
0x7c: {  	_ =	shalt  }
0x7d: {  	_ =	shalt  }
0x7e: {  	_ =	shalt  }
0x7f: {  	_ =	shalt  }
0x80: {  	_ =	shalt  }
0x81: {  	_ =	shalt  }
0x82: {  	_ =	shalt  }
0x83: {  	_ =	shalt  }
0x84: {  	_ =	shalt  }
0x85: {  	_ =	shalt  }
0x86: {  	_ =	shalt  }
0x87: {  	_ =	shalt  }
.Lfunc_end0:
.L_simem_size_0:
called_computation.1_lowered:
.L_overlay_start_0:
0x88: {  	s2 =	sld [smem:$0x3FD9]  }
0x89: {  	s3 =	sld [smem:$0x3FFE];
	_ =	sdelay $0x1  }
0x8a: {  	s1 =	srdreg.scid  }
0x8b: {  	s0 =	sand.u32 $0x1, s1  }
0x8c: {  	s17 =	sshll.u32 s0, $0xA;
	s2 =	sadd.s32 s3, s2  }
0x8d: {  	s2 =	sadd.s32 s2, s17  }
0x8e: {  	[smem:$0x3FB6] =	sst s2  }
0x8f: {  	_ = 	snop  }
0x90: {  	(tm) =	ssettm $0x1  }
0x91: {  	s18 =	sld [smem:$0x3FFB];
	_ =	sdelay $0x3  }
0x92: {  	_ =	strace s18  }
0x93: {  	s2 =	sld [smem:$0x3FFC];
	_ =	sdelay $0x3  }
0x94: {  	_ =	strace s2  }
0x95: {  	s2 =	sld [smem:$0x3FFD];
	_ =	sdelay $0x3  }
0x96: {  	_ =	strace s2  }
0x97: {  	_ =	strace $0x8FFFFFFF  }
0x98: {  	s19 =	sld [smem:$0x3FDB];
	_ =	sdelay $0x1  }
0x99: {  	s20 =	simm.s32 $_scs_section_size  }
0x9a: {  	s4 =	simm.s32 $_size__tile_overlayer_lowered;
	s5 =	simm.s32 $_tile_overlayer_lowered  }
0x9b: {  	s6 =	simm.s32 $0x1BFF;
	s21 =	sshll.u32 s5, $0x1;
	s3 =	sadd.s32 s20, s19  }
0x9c: {  	s22 =	simm.s32 $0x0;
	s4 =	sshll.u32 s4, $0x1;
	s5 =	sadd.s32 s21, s3  }
0x9d: {  	[timem:s22], [sflag:s6] =	dma.local [hbm:s5], s4  }
0x9e: {  	_ =	swait.ge [sflag:s6], s4  }
0x9f: {  	s4 =	ssub.s32 $0x0, s4;
	[sflag:s6] =	ssyncset.done $0x0  }
0xa0: {  	[sflag:s6] =	ssyncadd.s32 s4;
	_ =	sdelay $0x1  }
0xa1: {  	s23 =	simm.s32 $0x1B8B  }
0xa2: {  	_ =	swait.ge [sflag:s23], $0x1  }
0xa3: {  	[sflag:s23] =	ssyncset.done $0x0  }
0xa4: {  	[sflag:s23] =	ssyncadd.s32 $0xFFFFFFFF  }
0xa5: {  	s4 =	sld [smem:$0x0]  }
0xa6: {  	s5 =	sand.u32 $0xFFFFFFFE, s1  }
0xa7: {  	p0 =	sne.s32 s1, s5  }
0xa8: {  	s5 =	sshll.u32 @p0 s5, $0xE  }
0xa9: {  	s5 =	sadd.s32 @p0 $0x11B8D, s5;
	s6 =	sshll.u32 @p0 s4, $0x11  }
0xaa: {  	s5 =	sor.u32 @p0 s6, s5  }
0xab: {  	[sflag:s5] =	ssyncadd.remote.s32 @p0 $0x1;
	_ =	sdelay $0x1  }
0xac: {  	s5 =	simm.s32 @p0 $0x1B8D  }
0xad: {  	_ =	swait.eq @p0 [sflag:s5], $0x1  }
0xae: {  	[sflag:s5] =	ssyncadd.s32 @p0 $0xFFFFFFFF  }
0xaf: {  	s6 =	sshll.u32 @!p0 s1, $0xE  }
0xb0: {  	s6 =	sor.u32 @!p0 $0x4000, s6;
	s5 =	simm.s32 @!p0 $0x1B8D  }
0xb1: {  	s4 =	sshll.u32 @!p0 s4, $0x11;
	s6 =	sadd.s32 @!p0 $0x11B8D, s6;
	_ =	swait.eq @!p0 [sflag:s5], $0x1  }
0xb2: {  	s4 =	sor.u32 @!p0 s4, s6;
	[sflag:s5] =	ssyncadd.s32 @!p0 $0xFFFFFFFF  }
0xb3: {  	s25 =	simm.s32 $0x1B8E;
	s24 =	sld [smem:$0x3FFE];
	[sflag:s4] =	ssyncadd.remote.s32 @!p0 $0x1  }
0xb4: {  	s26 =	simm.s32 $execute0_lowered;
	[smem:$0x3FD2] =	sst s25  }
0xb5: {  	s5 =	sshll.u32 s26, $0x1;
	_ =	strace $0x80000049;
	[dreg:$0x1] =	wrdreg $0xFFFFFFFF  }
0xb6: {  	s28 =	simm.s32 $_size_execute0_lowered;
	s3 =	sadd.s32 s3, s5;
	[dreg:$0x0] =	wrdreg $0x0  }
0xb7: {  	s5 =	sshll.u32 s28, $0x1;
	[dreg:$0x2] =	wrdreg s3  }
0xb8: {  	[dreg:$0x3] =	wrdreg s5  }
0xb9: {  	[dreg:$0x4] =	wrdreg $0xC0  }
0xba: {  	_ =	task [dreg:s22], $0x5FFFF  }
0xbb: {  	[dreg:$0x1] =	wrdreg $0xFFFFFFFF  }
0xbc: {  	[dreg:$0x0] =	wrdreg $0x60  }
0xbd: {  	[dreg:$0x2] =	wrdreg s24  }
0xbe: {  	[dreg:$0x3] =	wrdreg $0xA  }
0xbf: {  	_ =	task.clear_ibuf [dreg:s22], $0x4FFFF;
	_ =	strace $0x90000049  }
0xc0: {  	s29 =	simm.s32 $0xA;
	_ =	strace $0x8000004B  }
0xc1: {  	_ =	swait.ge [sflag:s29], $0x1  }
0xc2: {  	[sflag:s29] =	ssyncadd.s32 $0xFFFFFFFF  }
0xc3: {  	_ =	strace $0x9000004B  }
0xc4: {  	_ =	sfence  }
0xc5: {  	s30 =	sld [smem:$0x0];
	_ =	sdelay $0x2  }
0xc6: {  	s31 =	sshll.u32 s1, $0xD;
	s1 =	sshrl.u32 s1, $0x2  }
0xc7: {  	s4 =	sand.u32 $0x4000, s31;
	s1 =	sadd.s32 s1, s30  }
0xc8: {  	s0 =	sor.u32 s4, s0;
	s1 =	sshll.u32 s1, $0x11  }
0xc9: {  	s0 =	sor.u32 s1, s0  }
0xca: {  	s0 =	sadd.s32 $0x8F2B, s0  }
0xcb: {  	[sflag:s0] =	ssyncadd.remote.s32 $0x1  }
0xcc: {  	_ =	sfence.sel $0xFFFF  }
0xcd: {  	[dreg:$0x0] =	wrdreg $0xFFFFFFFF;
	(pc) =	sbr.abs _section_cstart, $3  }
0xce: {  	[dreg:$0x1] =	wrdreg $0xFFFFFFFF  }
0xcf: {  	_ =	task.clear_ibuf [dreg:s22], $0x2FFFF;
	_ =	strace $0x9FFFFFFF  }
0xd0: {  	(tm) =	ssettm $0x7FFFFFFF  }
0xd1: {  	_ =	shalt  }
tec
execute0_lowered:
.L_overlay_start_1:
0x0: {  	(tag) =	ssettag $0x1  }
0x1: {  	s1 =	srdreg.scid  }
0x2: {  	s0 =	stileid.u32;
	s4 =	rddreg [dreg:$0x0]  }
0x3: {  	s2 =	simm.s32 $0x0;
	s13 =	simm.s32 $0x5400;
	s14 =	simm.s32 $0x1  }
0x4: {  	s15 =	simm.s32 $0x2;
	s16 =	simm.s32 $0x1380;
	s25 =	smul.u32 $0x140000, s0  }
0x5: {  	s17 =	simm.s32 $0x0;
	s7 =	sand.u32 $0x1, s1;
	s29 =	smul.u32 $0x28000, s0  }
0x6: {  	s3 =	sshll.u32 s0, $0x1;
	s1 =	rddreg [dreg:$0x1];
	s28 =	smul.u32 $0xA0000, s7  }
0x7: {  	[smem:$0x7FF] =	sst s2;
	s5 =	sor.u32 s7, s3;
	s30 =	smul.u32 $0x14000, s7  }
0x8: {  	s12 =	sadd.s32 $0x28D200, s4;
	s8 =	ssub.s32 $0x2, s7;
	s6 =	smul.u32 $0x1400, s5  }
0x9: {  	_ =	strace $0x8000004A;
	s9 =	smul.u32 $0xA0000, s5;
	s10 =	sshrl.u32 s8, $0x1  }
0xa: {  	s3 =	sadd.s32 $0x1AF2200, s4;
	s11 =	smul.u32 $0x14000, s5;
	s24 =	ssub.s32 s8, s10  }
0xb: {  	s8 =	sadd.s32 s28, s25;
	s10 =	sadd.s32 s29, s12;
	s6 =	sshrl.u32 s6, $0x3  }
0xc: {  	s26 =	sshrl.u32 s9, $0x3;
	s5 =	smax.u32 s24, $0x1;
	s31 =	sadd.s32 s12, s11  }
0xd: {  	s8 =	sshrl.u32 s8, $0x3;
	s9 =	sadd.s32 s30, s10;
	s10 =	simm.s32 $0x3  }
0xe: {  	s11 =	simm.s32 $0x1400;
	s6 =	sadd.s32 s6, s4;
	s7 =	sadd.s32 $0x13800, s31  }
0xf: {  	s8 =	sadd.s32 s8, s12;
	s4 =	sadd.s32 $0x288200, s6;
	s6 =	sadd.s32 s12, s26  }
0x10: {  	s9 =	sadd.s32 $0x800, s9;
	s12 =	simm.s32 $0x80;
	s6 =	sadd.s32 $0x13000, s6  }
.LBB2_1:
0x11: {  	[tilespmem:s2], [sflag:$0x3] =	stream.linear.gather [hbm4b:s4+s2], $0x1400, $0x38;
	[tilespmem:$0x9400] =	vst v63  }
0x12: {  	_ =	swait.ge [sflag:s10], $0x1400  }
0x13: {  	[sflag:s10] =	ssyncset.done $0x0  }
0x14: {  	[sflag:s10] =	ssyncadd.s32 $0xFFFFEC00  }
0x15: {  	[tilespmem:s11], [sflag:$0x1] =	stream.indirect.gather [hbm4b:s3+s12], $0x80, s2, s12, $0xb8;
	[tilespmem:$0x9400] =	vst v63  }
0x16: {  	_ = 	snop  }
0x17: {  	[tilespmem:s13], [sflag:$0x2] =	stream.indirect.gather [hbm4b:s3+s12], $0x80, s12, s12, $0xb8;
	[tilespmem:$0x9400] =	vst v63  }
0x18: {  	_ =	swait.ge [sflag:s14], $0x4000  }
0x19: {  	[sflag:s14] =	ssyncset.done $0x0  }
0x1a: {  	s18 =	sadd.s32 $0x0, s8;
	[sflag:s14] =	ssyncadd.s32 $0xFFFFC000  }
0x1b: {  	[hbm4b:s18+s2] =	stream.linear.scatter [tilespmem:s11], [sflag:$0x3], $0x4000, $0x38;
	[tilespmem:$0x9400] =	vst v63  }
0x1c: {  	_ =	swait.ge [sflag:s10], $0x4000  }
0x1d: {  	[sflag:s10] =	ssyncset.done $0x0  }
0x1e: {  	s30 =	simm.s32 $0x100;
	[sflag:s10] =	ssyncadd.s32 $0xFFFFC000  }
0x1f: {  	[tilespmem:s11], [sflag:$0x1] =	stream.indirect.gather [hbm4b:s3+s12], $0x80, s30, s12, $0xb8;
	[tilespmem:$0x9400] =	vst v63  }
0x20: {  	_ =	swait.ge [sflag:s15], $0x4000  }
0x21: {  	[sflag:s15] =	ssyncset.done $0x0  }
0x22: {  	s31 =	sadd.s32 $0x0, s9;
	[sflag:s15] =	ssyncadd.s32 $0xFFFFC000  }
0x23: {  	[hbm4b:s31+s2] =	stream.linear.scatter [tilespmem:s13], [sflag:$0x3], $0x4000, $0x38;
	[tilespmem:$0x9400] =	vst v63  }
0x24: {  	_ =	swait.ge [sflag:s10], $0x4000  }
0x25: {  	s19 =	simm.s32 $0x80;
	s18 =	simm.s32 $0x1000;
	[sflag:s10] =	ssyncset.done $0x0  }
.LBB2_2:
0x26: {  	p0 =	sne.s32 s18, $0x12000;
	[sflag:s10] =	ssyncadd.s32 $0xFFFFC000;
	s19 =	sadd.s32 $0x100, s19  }
0x27: {  	[tilespmem:s13], [sflag:$0x2] =	stream.indirect.gather [hbm4b:s3+s12], $0x80, s19, s12, $0xb8;
	[tilespmem:$0x9400] =	vst v63  }
0x28: {  	s20 =	smov.u32 s18;
	s18 =	sadd.s32 $0x1000, s18;
	_ =	swait.ge [sflag:s14], $0x4000  }
0x29: {  	[sflag:s14] =	ssyncset.done $0x0  }
0x2a: {  	s21 =	sadd.s32 s20, s8;
	[sflag:s14] =	ssyncadd.s32 $0xFFFFC000  }
0x2b: {  	[hbm4b:s21+s2] =	stream.linear.scatter [tilespmem:s11], [sflag:$0x3], $0x4000, $0x38;
	[tilespmem:$0x9400] =	vst v63  }
0x2c: {  	_ =	swait.ge [sflag:s10], $0x4000  }
0x2d: {  	[sflag:s10] =	ssyncset.done $0x0  }
0x2e: {  	s21 =	sadd.s32 $0x80, s19;
	[sflag:s10] =	ssyncadd.s32 $0xFFFFC000  }
0x2f: {  	[tilespmem:s11], [sflag:$0x1] =	stream.indirect.gather [hbm4b:s3+s12], $0x80, s21, s12, $0xb8;
	[tilespmem:$0x9400] =	vst v63  }
0x30: {  	_ =	swait.ge [sflag:s15], $0x4000  }
.Ltmp0:
0x31: {  	[sflag:s15] =	ssyncset.done $0x0;
	(pc) =	sbr.rel @p0 .LBB2_2-.Ltmp0, $4  }
0x32: {  	s20 =	sadd.s32 s20, s9;
	[sflag:s15] =	ssyncadd.s32 $0xFFFFC000  }
0x33: {  	[hbm4b:s20+s2] =	stream.linear.scatter [tilespmem:s13], [sflag:$0x3], $0x4000, $0x38;
	[tilespmem:$0x9400] =	vst v63  }
0x34: {  	_ =	swait.ge [sflag:s10], $0x4000  }
0x35: {  	[sflag:s10] =	ssyncset.done $0x0  }
0x36: {  	[sflag:s10] =	ssyncadd.s32 $0xFFFFC000  }
0x37: {  	[tilespmem:s13], [sflag:$0x2] =	stream.indirect.gather [hbm4b:s3+s12], $0x80, s16, s12, $0xb8;
	[tilespmem:$0x9400] =	vst v63  }
0x38: {  	_ =	swait.ge [sflag:s14], $0x4000  }
0x39: {  	[sflag:s14] =	ssyncset.done $0x0  }
0x3a: {  	[sflag:s14] =	ssyncadd.s32 $0xFFFFC000  }
0x3b: {  	[hbm4b:s6+s2] =	stream.linear.scatter [tilespmem:s11], [sflag:$0x3], $0x4000, $0x38;
	[tilespmem:$0x9400] =	vst v63  }
0x3c: {  	_ =	swait.ge [sflag:s10], $0x4000  }
0x3d: {  	[sflag:s10] =	ssyncset.done $0x0  }
0x3e: {  	[sflag:s10] =	ssyncadd.s32 $0xFFFFC000  }
0x3f: {  	s17 =	sadd.s32 $0x1, s17;
	_ =	swait.ge [sflag:s15], $0x4000  }
0x40: {  	p0 =	sne.s32 s17, s5;
	[sflag:s15] =	ssyncset.done $0x0  }
.Ltmp1:
0x41: {  	[sflag:s15] =	ssyncadd.s32 $0xFFFFC000;
	(pc) =	sbr.rel @p0 .LBB2_1-.Ltmp1, $4  }
0x42: {  	[hbm4b:s7+s2] =	stream.linear.scatter [tilespmem:s13], [sflag:$0x3], $0x4000, $0x38;
	[tilespmem:$0x9400] =	vst v63  }
0x43: {  	_ =	swait.ge [sflag:s10], $0x4000  }
0x44: {  	[sflag:s10] =	ssyncset.done $0x0  }
0x45: {  	[sflag:s10] =	ssyncadd.s32 $0xFFFFC000  }
0x46: {  	_ =	sfence.sel $0x180000  }
0x47: {  	[bflag:$0x0] =	sbarrier.arrive $0xFFFF  }
0x48: {  	p0 =	sne.s32 s0, $0x0;
	_ =	strace $0x9000004A  }
0x49: {  	s0 =	sadd.s32 @!p0 $0x100000, s1;
	[bflag:$0x2] =	sbarrier.arrive $0xFFFF  }
0x4a: {  	[sflag:s0] =	ssyncadd.tile.s32 @!p0 $0x1;
	_ =	shalt  }
.Lfunc_end2:
_tile_overlayer_lowered:
.L_overlay_start_2:
0x4b: {  	(tag) =	ssettag $0x2  }
0x4c: {  	s0 =	rddreg [dreg:$0x0];
	s2 =	stileid.u32  }
0x4d: {  	s1 =	rddreg [dreg:$0x1];
	p0 =	sne.s32 s2, $0x0  }
0x4e: {  	s3 =	rddreg [dreg:$0x2];
	[bflag:$0x3] =	sbarrier.arrive $0xFFFF;
	s2 =	simm.s32 @!p0 $0x1C03  }
0x4f: {  	[timem:s3], [sflag:s2] =	dma.local @!p0 [hbm:s0], s1  }
0x50: {  	s0 =	simm.s32 @!p0 $0x3  }
0x51: {  	_ =	swait.ge @!p0 [sflag:s0], s1  }
0x52: {  	s1 =	ssub.s32 @!p0 $0x0, s1;
	[sflag:s0] =	ssyncset.done @!p0 $0x0  }
0x53: {  	[sflag:s0] =	ssyncadd.s32 @!p0 s1  }
0x54: {  	[bflag:$0x3] =	sbarrier.arrive $0xFFFF  }
0x55: {  	_ =	shalt  }

</sc_bundles>
